<compile_context>
chip_gen: v7x
topology: tpu7x:2x2x1
jax: 0.10.2.dev20260603
libtpu: 0.0.44.dev20260713+nightly
codegen_flags: <defaults>
</compile_context>

<pallas_src>
import functools

import jax
import jax.numpy as jnp
from jax import lax
from jax.experimental import pallas as pl
from jax.experimental.pallas import tpu as pltpu
from jax.experimental.pallas import tpu_sc as plsc

B = 4096
F = 26
V = 1000
D = 128
DNN_IN = F * D
H1, H2 = 1024, 512
HD = D // 2

NC = 2
NS = 16
NW = NC * NS
BPW = B // NW
IPW = BPW * F
CH = 4
CHI = CH * F
NCHUNK = BPW // CH

RB = 2600
BB = 512
NBLK = B // BB

def _pack_body(dnn_ref, fm_ref, out_ref):
    def words(x):
        xb = x.astype(jnp.bfloat16).astype(jnp.float32)
        u = lax.bitcast_convert_type(xb, jnp.uint32)
        return (u[:, :HD] >> 16) | u[:, HD:]
    w = jnp.concatenate([words(dnn_ref[...]), words(fm_ref[...])], axis=1)
    out_ref[...] = lax.bitcast_convert_type(w, jnp.int32)


def _pack(dnn_tab, fm_tab):
    return pl.pallas_call(
        _pack_body,
        grid=(F * V // RB,),
        in_specs=[
            pl.BlockSpec((RB, D), lambda i: (i, 0)),
            pl.BlockSpec((RB, D), lambda i: (i, 0)),
        ],
        out_specs=pl.BlockSpec((RB, D), lambda i: (i, 0)),
        out_shape=jax.ShapeDtypeStruct((F * V, D), jnp.int32),
    )(dnn_tab, fm_tab)


def _sc_gather(packed_tab, lin_tab, idx, lin_idx):
    mesh = plsc.VectorSubcoreMesh(core_axis_name="c", subcore_axis_name="s",
                                  num_cores=NC, num_subcores=NS)

    @functools.partial(
        pl.kernel,
        mesh=mesh,
        compiler_params=pltpu.CompilerParams(needs_layout_passes=False),
        out_type=(
            jax.ShapeDtypeStruct((F * B, D), jnp.int32),
            jax.ShapeDtypeStruct((B,), jnp.float32),
        ),
        scratch_types=[
            pltpu.VMEM((IPW,), jnp.int32),
            pltpu.VMEM((CHI, D), jnp.int32),
            pltpu.VMEM((CHI, D), jnp.int32),
            pltpu.VMEM((F * V,), jnp.float32),
            pltpu.VMEM((F, BPW), jnp.int32),
            pltpu.VMEM((BPW,), jnp.float32),
            pltpu.SemaphoreType.DMA,
            pltpu.SemaphoreType.DMA,
        ],
    )
    def k(tab_hbm, lin_hbm, idx_hbm, lin_idx_hbm,
          rows_out, lin_out,
          idx_v, b0, b1, lin_tab_v, lin_idx_v, lin_sum_v, s0, s1):
        wid = lax.axis_index("s") * NC + lax.axis_index("c")
        base = wid * IPW

        pltpu.sync_copy(idx_hbm.at[pl.ds(base, IPW)], idx_v)
        pltpu.sync_copy(lin_hbm, lin_tab_v)
        pltpu.sync_copy(lin_idx_hbm.at[:, pl.ds(wid * BPW, BPW)], lin_idx_v)

        def gather(j, buf, sem):
            pltpu.async_copy(tab_hbm.at[idx_v.at[pl.ds(j * CHI, CHI)]],
                             buf, sem)

        def wait(j, buf, sem):
            pltpu.make_async_copy(tab_hbm.at[idx_v.at[pl.ds(j * CHI, CHI)]],
                                  buf, sem).wait()

        def writeback(j, buf):
            pltpu.sync_copy(buf, rows_out.at[pl.ds(base + j * CHI, CHI)])

        gather(0, b0, s0)
        for g in range(BPW // 16):
            acc = jnp.zeros((16,), jnp.float32)
            for f in range(F):
                iv = lin_idx_v[f, pl.ds(g * 16, 16)]
                acc = acc + plsc.load_gather(lin_tab_v, [iv])
            lin_sum_v[pl.ds(g * 16, 16)] = acc
        pltpu.sync_copy(lin_sum_v, lin_out.at[pl.ds(wid * BPW, BPW)])

        def pair(p, _):
            j0 = 2 * p
            wait(j0, b0, s0)
            gather(j0 + 1, b1, s1)
            writeback(j0, b0)
            wait(j0 + 1, b1, s1)
            gather(jnp.minimum(j0 + 2, NCHUNK - 1), b0, s0)
            writeback(j0 + 1, b1)
            return 0

        lax.fori_loop(0, NCHUNK // 2, pair, 0)
        wait(NCHUNK - 1, b0, s0)

    return k(packed_tab, lin_tab, idx, lin_idx)


def _tc_body(x_ref, lin_ref, w1_ref, b1_ref, w2_ref, b2_ref,
             w3_ref, scal_ref, out_ref):
    def unpack(w):
        lo = lax.bitcast_convert_type(w << 16, jnp.float32)
        hi = lax.bitcast_convert_type(w & jnp.uint32(0xFFFF0000),
                                      jnp.float32)
        return jnp.concatenate([lo, hi], axis=1)

    s = jnp.zeros((BB, D), jnp.float32)
    q = jnp.zeros((BB, D), jnp.float32)
    dnn_parts = []
    for f in range(F):
        w = lax.bitcast_convert_type(x_ref[f], jnp.uint32)
        dnn_parts.append(unpack(w[:, :HD]).astype(jnp.bfloat16))
        e = unpack(w[:, HD:])
        s = s + e
        q = q + e * e
    fm_term = 0.5 * jnp.sum(s * s - q, axis=1)

    xd = jnp.concatenate(dnn_parts, axis=1)
    h = jnp.dot(xd, w1_ref[...], preferred_element_type=jnp.float32)
    h = jnp.maximum(h + b1_ref[...], 0.0)
    h = jnp.dot(h.astype(jnp.bfloat16), w2_ref[...],
                preferred_element_type=jnp.float32)
    h = jnp.maximum(h + b2_ref[...], 0.0)
    dnn_mat = jnp.dot(h.astype(jnp.bfloat16), w3_ref[...],
                      preferred_element_type=jnp.float32)
    dnn = jnp.sum(dnn_mat, axis=1)

    bias0 = scal_ref[0]
    b3 = scal_ref[1]
    wf0 = scal_ref[2]
    wf1 = scal_ref[3]
    bf = scal_ref[4]
    fm_output = bias0 + lin_ref[...] + fm_term
    logit = wf0 * fm_output + wf1 * (dnn + b3) + bf
    out_ref[...] = 1.0 / (1.0 + jnp.exp(-logit))


def _tc_forward(x, lin_sum, W1, b1, W2, b2, W3p, scal):
    return pl.pallas_call(
        _tc_body,
        grid=(NBLK,),
        in_specs=[
            pl.BlockSpec((F, BB, D), lambda i: (0, i, 0)),
            pl.BlockSpec((BB,), lambda i: (i,)),
            pl.BlockSpec((DNN_IN, H1), lambda i: (0, 0)),
            pl.BlockSpec((1, H1), lambda i: (0, 0)),
            pl.BlockSpec((H1, H2), lambda i: (0, 0)),
            pl.BlockSpec((1, H2), lambda i: (0, 0)),
            pl.BlockSpec((H2, D), lambda i: (0, 0)),
            pl.BlockSpec(memory_space=pltpu.SMEM),
        ],
        out_specs=pl.BlockSpec((BB,), lambda i: (i,)),
        out_shape=jax.ShapeDtypeStruct((B,), jnp.float32),
    )(x, lin_sum, W1, b1, W2, b2, W3p, scal)


def kernel(features, emb_fm, lin_fm, bias, emb_dnn, W1, b1, W2, b2, W3, b3,
           Wf, bf):
    feats = features.astype(jnp.int32)
    lin_idx = feats.T + (jnp.arange(F, dtype=jnp.int32) * V)[:, None]
    idx = lin_idx.reshape(F * B)

    packed = _pack(emb_dnn.reshape(F * V, D), emb_fm.reshape(F * V, D))
    rows, lin_sum = _sc_gather(packed, lin_fm.reshape(F * V), idx, lin_idx)

    x = rows.reshape(F, B, D)

    W3p = jnp.pad(W3, ((0, 0), (0, D - 1)))
    scal = jnp.concatenate([bias, b3, Wf[0], Wf[1], bf])
    out = _tc_forward(x, lin_sum, W1.astype(jnp.bfloat16),
                      b1.reshape(1, H1), W2.astype(jnp.bfloat16),
                      b2.reshape(1, H2), W3p.astype(jnp.bfloat16), scal)
    return out

# --- scband reference (transcript-rebuilt; emitter-appended) ---
"""Pipeline reference for scband-deep-fm-34488587387108 (READ-ONLY COPY).

The authoritative reference and input builder live on the scoring server;
editing this copy changes nothing except your own understanding.
"""

import jax, jax.numpy as jnp
import numpy as np

B = 4096
F = 26
V = 1000
D = 128
DNN_IN = F * D  # 3328
H1, H2 = 1024, 512

def setup_inputs(seed: int = 0) -> dict:
    key = jax.random.key(seed)
    ks = jax.random.split(key, 16)
    features = jax.random.randint(ks[0], (B, F), 0, V, dtype=jnp.int64)
    emb_fm = jax.random.normal(ks[1], (F, V, D), dtype=jnp.float32) * 0.01
    lin_fm = jax.random.normal(ks[2], (F, V), dtype=jnp.float32) * 0.01
    bias = jnp.zeros((1,), dtype=jnp.float32)
    emb_dnn = jax.random.normal(ks[3], (F, V, D), dtype=jnp.float32) * 0.01
    W1 = jax.random.normal(ks[4], (DNN_IN, H1), dtype=jnp.float32) * (1.0 / np.sqrt(DNN_IN))
    b1 = jnp.zeros((H1,), dtype=jnp.float32)
    W2 = jax.random.normal(ks[5], (H1, H2), dtype=jnp.float32) * (1.0 / np.sqrt(H1))
    b2 = jnp.zeros((H2,), dtype=jnp.float32)
    W3 = jax.random.normal(ks[6], (H2, 1), dtype=jnp.float32) * (1.0 / np.sqrt(H2))
    b3 = jnp.zeros((1,), dtype=jnp.float32)
    Wf = jax.random.normal(ks[7], (2, 1), dtype=jnp.float32)
    bf = jnp.zeros((1,), dtype=jnp.float32)
    return {"features": features, "emb_fm": emb_fm, "lin_fm": lin_fm, "bias": bias,
            "emb_dnn": emb_dnn, "W1": W1, "b1": b1, "W2": W2, "b2": b2,
            "W3": W3, "b3": b3, "Wf": Wf, "bf": bf}

def reference(features, emb_fm, lin_fm, bias, emb_dnn, W1, b1, W2, b2, W3, b3, Wf, bf):
    field_idx = jnp.arange(F)[None, :]  # [1, F]
    # ---- FM component ----
    # linear term: per-field scalar embedding lookups summed + bias
    lin_vals = lin_fm[field_idx, features]              # [B, F] gather
    linear_term = bias[0] + jnp.sum(lin_vals, axis=1)    # [B]
    # second-order term
    fm_emb = emb_fm[field_idx, features]                # [B, F, D] gather
    sum_of_square = jnp.sum(fm_emb, axis=1) ** 2        # [B, D]
    square_of_sum = jnp.sum(fm_emb ** 2, axis=1)        # [B, D]
    fm_term = 0.5 * jnp.sum(sum_of_square - square_of_sum, axis=1)  # [B]
    fm_output = linear_term + fm_term                   # [B]
    # ---- DNN component (separate embedding tables) ----
    dnn_emb = emb_dnn[field_idx, features]              # [B, F, D] gather
    dnn_input = dnn_emb.reshape(B, F * D)               # [B, F*D]
    h = jax.nn.relu(dnn_input @ W1 + b1)
    h = jax.nn.relu(h @ W2 + b2)                        # dropout is identity at inference
    dnn_output = (h @ W3 + b3)[:, 0]                    # [B]
    # ---- combine ----
    combined = jnp.stack([fm_output, dnn_output], axis=1)  # [B, 2]
    output = (combined @ Wf + bf)[:, 0]
    return jax.nn.sigmoid(output)

if __name__ == "__main__":
    import jax
    _d = setup_inputs()
    print(jax.jit(kernel)(*tuple(_d.values())))

</pallas_src>

<mosaic_0001>
#map = affine_map<(d0, d1) -> (0, 0)>
#map1 = affine_map<(d0, d1) -> (0)>
module attributes {stable_mosaic.version = 14 : i64} {
  func.func @k(%arg0: i32, %arg1: i32, %arg2: memref<26000x128xi32, #tpu.memory_space<hbm>>, %arg3: memref<26000xf32, #tpu.memory_space<hbm>>, %arg4: memref<106496xi32, #tpu.memory_space<hbm>>, %arg5: memref<26x4096xi32, #tpu.memory_space<hbm>>, %arg6: memref<106496x128xi32, #tpu.memory_space<hbm>>, %arg7: memref<4096xf32, #tpu.memory_space<hbm>>, %arg8: memref<3328xi32, #tpu.memory_space<vmem>>, %arg9: memref<104x128xi32, #tpu.memory_space<vmem>>, %arg10: memref<104x128xi32, #tpu.memory_space<vmem>>, %arg11: memref<26000xf32, #tpu.memory_space<vmem>>, %arg12: memref<26x128xi32, #tpu.memory_space<vmem>>, %arg13: memref<128xf32, #tpu.memory_space<vmem>>, %arg14: memref<!tpu.dma_semaphore, #tpu.memory_space<semaphore_mem>>, %arg15: memref<!tpu.dma_semaphore, #tpu.memory_space<semaphore_mem>>) attributes {dimension_semantics = [#tpu.dimension_semantics<core_parallel>, #tpu.dimension_semantics<subcore_parallel>], iteration_bounds = array<i64: 2, 16>, scalar_prefetch = 0 : i64, scratch_operands = 8 : i64, tpu.core_type = #tpu.core_type<sc_vector_subcore>, window_params = [{transform_indices = #map}, {transform_indices = #map1}, {transform_indices = #map1}, {transform_indices = #map}, {transform_indices = #map}, {transform_indices = #map1}]} {
    %mul3A = arith.constant 2 : i32
    %mul3A_0 = arith.muli %arg1, %mul3A : i32
    %add3A = arith.addi %mul3A_0, %arg0 : i32
    %mul3A_1 = arith.constant 3328 : i32
    %mul3A_2 = arith.muli %add3A, %mul3A_1 : i32
    "tpu.region"() ({
      %run_scoped3A = tpu.sem_alloc : memref<!tpu.dma_semaphore, #tpu.memory_space<semaphore_mem>>
      %dma_start3A_1297 = tpu.memref_slice %arg4[%mul3A_2] : memref<106496xi32, #tpu.memory_space<hbm>> -> memref<3328xi32, #tpu.memory_space<hbm>>
      %dma_start3A_1298 = tpu.memref_slice %arg4[%mul3A_2] : memref<106496xi32, #tpu.memory_space<hbm>> -> memref<3328xi32, #tpu.memory_space<hbm>>
      tpu.enqueue_dma source(%dma_start3A_1298 : memref<3328xi32, #tpu.memory_space<hbm>>) target(%arg8 : memref<3328xi32, #tpu.memory_space<vmem>>) target_semaphore(%run_scoped3A : memref<!tpu.dma_semaphore, #tpu.memory_space<semaphore_mem>>)
      %dma_wait3A_1299 = tpu.memref_slice %arg4[%mul3A_2] : memref<106496xi32, #tpu.memory_space<hbm>> -> memref<3328xi32, #tpu.memory_space<hbm>>
      %dma_wait3A_1300 = tpu.memref_slice %arg4[%mul3A_2] : memref<106496xi32, #tpu.memory_space<hbm>> -> memref<3328xi32, #tpu.memory_space<hbm>>
      tpu.wait_dma2 semaphore(%run_scoped3A : memref<!tpu.dma_semaphore, #tpu.memory_space<semaphore_mem>>) src(%dma_wait3A_1300 : memref<3328xi32, #tpu.memory_space<hbm>>) dst(%arg8 : memref<3328xi32, #tpu.memory_space<vmem>>)
      tpu.yield
    }) : () -> ()
    "tpu.region"() ({
      %run_scoped3A = tpu.sem_alloc : memref<!tpu.dma_semaphore, #tpu.memory_space<semaphore_mem>>
      tpu.enqueue_dma source(%arg3 : memref<26000xf32, #tpu.memory_space<hbm>>) target(%arg11 : memref<26000xf32, #tpu.memory_space<vmem>>) target_semaphore(%run_scoped3A : memref<!tpu.dma_semaphore, #tpu.memory_space<semaphore_mem>>)
      tpu.wait_dma2 semaphore(%run_scoped3A : memref<!tpu.dma_semaphore, #tpu.memory_space<semaphore_mem>>) src(%arg3 : memref<26000xf32, #tpu.memory_space<hbm>>) dst(%arg11 : memref<26000xf32, #tpu.memory_space<vmem>>)
      tpu.yield
    }) : () -> ()
    %mul3A_3 = arith.constant 128 : i32
    %mul3A_4 = arith.muli %add3A, %mul3A_3 : i32
    "tpu.region"() ({
      %run_scoped3A = tpu.sem_alloc : memref<!tpu.dma_semaphore, #tpu.memory_space<semaphore_mem>>
      %dma_start3A_1297 = arith.constant 0 : i32
      %dma_start3A_1298 = tpu.memref_slice %arg5[%dma_start3A_1297, %mul3A_4] : memref<26x4096xi32, #tpu.memory_space<hbm>> -> memref<26x128xi32, #tpu.memory_space<hbm>>
      %dma_start3A_1299 = arith.constant 0 : i32
      %dma_start3A_1300 = tpu.memref_slice %arg5[%dma_start3A_1299, %mul3A_4] : memref<26x4096xi32, #tpu.memory_space<hbm>> -> memref<26x128xi32, #tpu.memory_space<hbm>>
      tpu.enqueue_dma source(%dma_start3A_1300 : memref<26x128xi32, #tpu.memory_space<hbm>>) target(%arg12 : memref<26x128xi32, #tpu.memory_space<vmem>>) target_semaphore(%run_scoped3A : memref<!tpu.dma_semaphore, #tpu.memory_space<semaphore_mem>>)
      %dma_wait3A_1301 = arith.constant 0 : i32
      %dma_wait3A_1302 = tpu.memref_slice %arg5[%dma_wait3A_1301, %mul3A_4] : memref<26x4096xi32, #tpu.memory_space<hbm>> -> memref<26x128xi32, #tpu.memory_space<hbm>>
      %dma_wait3A_1303 = arith.constant 0 : i32
      %dma_wait3A_1304 = tpu.memref_slice %arg5[%dma_wait3A_1303, %mul3A_4] : memref<26x4096xi32, #tpu.memory_space<hbm>> -> memref<26x128xi32, #tpu.memory_space<hbm>>
      tpu.wait_dma2 semaphore(%run_scoped3A : memref<!tpu.dma_semaphore, #tpu.memory_space<semaphore_mem>>) src(%dma_wait3A_1304 : memref<26x128xi32, #tpu.memory_space<hbm>>) dst(%arg12 : memref<26x128xi32, #tpu.memory_space<vmem>>)
      tpu.yield
    }) : () -> ()
    %dma_start3A = arith.constant 0 : i32
    %dma_start3A_5 = tpu.memref_slice %arg8[%dma_start3A] : memref<3328xi32, #tpu.memory_space<vmem>> -> memref<104xi32, #tpu.memory_space<vmem>>
    %dma_start3A_6 = arith.constant 0 : i32
    %dma_start3A_7 = arith.constant 0 : i32
    %dma_start3A_8 = tpu.memref_slice %arg2[%dma_start3A_6, %dma_start3A_7] : memref<26000x128xi32, #tpu.memory_space<hbm>> -> memref<26000x128xi32, #tpu.memory_space<hbm>>
    tpu.enqueue_indirect_dma source(%dma_start3A_8 : memref<26000x128xi32, #tpu.memory_space<hbm>>) target(%arg9 : memref<104x128xi32, #tpu.memory_space<vmem>>) offsets(%dma_start3A_5 : memref<104xi32, #tpu.memory_space<vmem>>) semaphore(%arg14 : memref<!tpu.dma_semaphore, #tpu.memory_space<semaphore_mem>>)
    %broadcast_in_dim3A = arith.constant 0.000000e+00 : f32
    %broadcast_in_dim3A_9 = vector.broadcast %broadcast_in_dim3A : f32 to vector<16xf32>
    %get3A = arith.constant 0 : i32
    %get3A_10 = arith.index_cast %get3A : i32 to index
    %get3A_11 = arith.constant 0 : index
    %get3A_12 = tpu.vector_load %arg12[%get3A_10, %get3A_11] {strides = array<i32>} : memref<26x128xi32, #tpu.memory_space<vmem>>, vector<16xi32>,
    %gather3A = tpu.vector_load_idx %arg11[%get3A_12] : memref<26000xf32, #tpu.memory_space<vmem>>[vector<16xi32>], vector<16xf32>,
    %add3A_13 = arith.addf %broadcast_in_dim3A_9, %gather3A : vector<16xf32>
    %get3A_14 = arith.constant 1 : i32
    %get3A_15 = arith.index_cast %get3A_14 : i32 to index
    %get3A_16 = arith.constant 0 : index
    %get3A_17 = tpu.vector_load %arg12[%get3A_15, %get3A_16] {strides = array<i32>} : memref<26x128xi32, #tpu.memory_space<vmem>>, vector<16xi32>,
    %gather3A_18 = tpu.vector_load_idx %arg11[%get3A_17] : memref<26000xf32, #tpu.memory_space<vmem>>[vector<16xi32>], vector<16xf32>,
    %add3A_19 = arith.addf %add3A_13, %gather3A_18 : vector<16xf32>
    %get3A_20 = arith.constant 2 : i32
    %get3A_21 = arith.index_cast %get3A_20 : i32 to index
    %get3A_22 = arith.constant 0 : index
    %get3A_23 = tpu.vector_load %arg12[%get3A_21, %get3A_22] {strides = array<i32>} : memref<26x128xi32, #tpu.memory_space<vmem>>, vector<16xi32>,
    %gather3A_24 = tpu.vector_load_idx %arg11[%get3A_23] : memref<26000xf32, #tpu.memory_space<vmem>>[vector<16xi32>], vector<16xf32>,
    %add3A_25 = arith.addf %add3A_19, %gather3A_24 : vector<16xf32>
    %get3A_26 = arith.constant 3 : i32
    %get3A_27 = arith.index_cast %get3A_26 : i32 to index
    %get3A_28 = arith.constant 0 : index
    %get3A_29 = tpu.vector_load %arg12[%get3A_27, %get3A_28] {strides = array<i32>} : memref<26x128xi32, #tpu.memory_space<vmem>>, vector<16xi32>,
    %gather3A_30 = tpu.vector_load_idx %arg11[%get3A_29] : memref<26000xf32, #tpu.memory_space<vmem>>[vector<16xi32>], vector<16xf32>,
    %add3A_31 = arith.addf %add3A_25, %gather3A_30 : vector<16xf32>
    %get3A_32 = arith.constant 4 : i32
    %get3A_33 = arith.index_cast %get3A_32 : i32 to index
    %get3A_34 = arith.constant 0 : index
    %get3A_35 = tpu.vector_load %arg12[%get3A_33, %get3A_34] {strides = array<i32>} : memref<26x128xi32, #tpu.memory_space<vmem>>, vector<16xi32>,
    %gather3A_36 = tpu.vector_load_idx %arg11[%get3A_35] : memref<26000xf32, #tpu.memory_space<vmem>>[vector<16xi32>], vector<16xf32>,
    %add3A_37 = arith.addf %add3A_31, %gather3A_36 : vector<16xf32>
    %get3A_38 = arith.constant 5 : i32
    %get3A_39 = arith.index_cast %get3A_38 : i32 to index
    %get3A_40 = arith.constant 0 : index
    %get3A_41 = tpu.vector_load %arg12[%get3A_39, %get3A_40] {strides = array<i32>} : memref<26x128xi32, #tpu.memory_space<vmem>>, vector<16xi32>,
    %gather3A_42 = tpu.vector_load_idx %arg11[%get3A_41] : memref<26000xf32, #tpu.memory_space<vmem>>[vector<16xi32>], vector<16xf32>,
    %add3A_43 = arith.addf %add3A_37, %gather3A_42 : vector<16xf32>
    %get3A_44 = arith.constant 6 : i32
    %get3A_45 = arith.index_cast %get3A_44 : i32 to index
    %get3A_46 = arith.constant 0 : index
    %get3A_47 = tpu.vector_load %arg12[%get3A_45, %get3A_46] {strides = array<i32>} : memref<26x128xi32, #tpu.memory_space<vmem>>, vector<16xi32>,
    %gather3A_48 = tpu.vector_load_idx %arg11[%get3A_47] : memref<26000xf32, #tpu.memory_space<vmem>>[vector<16xi32>], vector<16xf32>,
    %add3A_49 = arith.addf %add3A_43, %gather3A_48 : vector<16xf32>
    %get3A_50 = arith.constant 7 : i32
    %get3A_51 = arith.index_cast %get3A_50 : i32 to index
    %get3A_52 = arith.constant 0 : index
    %get3A_53 = tpu.vector_load %arg12[%get3A_51, %get3A_52] {strides = array<i32>} : memref<26x128xi32, #tpu.memory_space<vmem>>, vector<16xi32>,
    %gather3A_54 = tpu.vector_load_idx %arg11[%get3A_53] : memref<26000xf32, #tpu.memory_space<vmem>>[vector<16xi32>], vector<16xf32>,
    %add3A_55 = arith.addf %add3A_49, %gather3A_54 : vector<16xf32>
    %get3A_56 = arith.constant 8 : i32
    %get3A_57 = arith.index_cast %get3A_56 : i32 to index
    %get3A_58 = arith.constant 0 : index
    %get3A_59 = tpu.vector_load %arg12[%get3A_57, %get3A_58] {strides = array<i32>} : memref<26x128xi32, #tpu.memory_space<vmem>>, vector<16xi32>,
    %gather3A_60 = tpu.vector_load_idx %arg11[%get3A_59] : memref<26000xf32, #tpu.memory_space<vmem>>[vector<16xi32>], vector<16xf32>,
    %add3A_61 = arith.addf %add3A_55, %gather3A_60 : vector<16xf32>
    %get3A_62 = arith.constant 9 : i32
    %get3A_63 = arith.index_cast %get3A_62 : i32 to index
    %get3A_64 = arith.constant 0 : index
    %get3A_65 = tpu.vector_load %arg12[%get3A_63, %get3A_64] {strides = array<i32>} : memref<26x128xi32, #tpu.memory_space<vmem>>, vector<16xi32>,
    %gather3A_66 = tpu.vector_load_idx %arg11[%get3A_65] : memref<26000xf32, #tpu.memory_space<vmem>>[vector<16xi32>], vector<16xf32>,
    %add3A_67 = arith.addf %add3A_61, %gather3A_66 : vector<16xf32>
    %get3A_68 = arith.constant 10 : i32
    %get3A_69 = arith.index_cast %get3A_68 : i32 to index
    %get3A_70 = arith.constant 0 : index
    %get3A_71 = tpu.vector_load %arg12[%get3A_69, %get3A_70] {strides = array<i32>} : memref<26x128xi32, #tpu.memory_space<vmem>>, vector<16xi32>,
    %gather3A_72 = tpu.vector_load_idx %arg11[%get3A_71] : memref<26000xf32, #tpu.memory_space<vmem>>[vector<16xi32>], vector<16xf32>,
    %add3A_73 = arith.addf %add3A_67, %gather3A_72 : vector<16xf32>
    %get3A_74 = arith.constant 11 : i32
    %get3A_75 = arith.index_cast %get3A_74 : i32 to index
    %get3A_76 = arith.constant 0 : index
    %get3A_77 = tpu.vector_load %arg12[%get3A_75, %get3A_76] {strides = array<i32>} : memref<26x128xi32, #tpu.memory_space<vmem>>, vector<16xi32>,
    %gather3A_78 = tpu.vector_load_idx %arg11[%get3A_77] : memref<26000xf32, #tpu.memory_space<vmem>>[vector<16xi32>], vector<16xf32>,
    %add3A_79 = arith.addf %add3A_73, %gather3A_78 : vector<16xf32>
    %get3A_80 = arith.constant 12 : i32
    %get3A_81 = arith.index_cast %get3A_80 : i32 to index
    %get3A_82 = arith.constant 0 : index
    %get3A_83 = tpu.vector_load %arg12[%get3A_81, %get3A_82] {strides = array<i32>} : memref<26x128xi32, #tpu.memory_space<vmem>>, vector<16xi32>,
    %gather3A_84 = tpu.vector_load_idx %arg11[%get3A_83] : memref<26000xf32, #tpu.memory_space<vmem>>[vector<16xi32>], vector<16xf32>,
    %add3A_85 = arith.addf %add3A_79, %gather3A_84 : vector<16xf32>
    %get3A_86 = arith.constant 13 : i32
    %get3A_87 = arith.index_cast %get3A_86 : i32 to index
    %get3A_88 = arith.constant 0 : index
    %get3A_89 = tpu.vector_load %arg12[%get3A_87, %get3A_88] {strides = array<i32>} : memref<26x128xi32, #tpu.memory_space<vmem>>, vector<16xi32>,
    %gather3A_90 = tpu.vector_load_idx %arg11[%get3A_89] : memref<26000xf32, #tpu.memory_space<vmem>>[vector<16xi32>], vector<16xf32>,
    %add3A_91 = arith.addf %add3A_85, %gather3A_90 : vector<16xf32>
    %get3A_92 = arith.constant 14 : i32
    %get3A_93 = arith.index_cast %get3A_92 : i32 to index
    %get3A_94 = arith.constant 0 : index
    %get3A_95 = tpu.vector_load %arg12[%get3A_93, %get3A_94] {strides = array<i32>} : memref<26x128xi32, #tpu.memory_space<vmem>>, vector<16xi32>,
    %gather3A_96 = tpu.vector_load_idx %arg11[%get3A_95] : memref<26000xf32, #tpu.memory_space<vmem>>[vector<16xi32>], vector<16xf32>,
    %add3A_97 = arith.addf %add3A_91, %gather3A_96 : vector<16xf32>
    %get3A_98 = arith.constant 15 : i32
    %get3A_99 = arith.index_cast %get3A_98 : i32 to index
    %get3A_100 = arith.constant 0 : index
    %get3A_101 = tpu.vector_load %arg12[%get3A_99, %get3A_100] {strides = array<i32>} : memref<26x128xi32, #tpu.memory_space<vmem>>, vector<16xi32>,
    %gather3A_102 = tpu.vector_load_idx %arg11[%get3A_101] : memref<26000xf32, #tpu.memory_space<vmem>>[vector<16xi32>], vector<16xf32>,
    %add3A_103 = arith.addf %add3A_97, %gather3A_102 : vector<16xf32>
    %get3A_104 = arith.constant 16 : i32
    %get3A_105 = arith.index_cast %get3A_104 : i32 to index
    %get3A_106 = arith.constant 0 : index
    %get3A_107 = tpu.vector_load %arg12[%get3A_105, %get3A_106] {strides = array<i32>} : memref<26x128xi32, #tpu.memory_space<vmem>>, vector<16xi32>,
    %gather3A_108 = tpu.vector_load_idx %arg11[%get3A_107] : memref<26000xf32, #tpu.memory_space<vmem>>[vector<16xi32>], vector<16xf32>,
    %add3A_109 = arith.addf %add3A_103, %gather3A_108 : vector<16xf32>
    %get3A_110 = arith.constant 17 : i32
    %get3A_111 = arith.index_cast %get3A_110 : i32 to index
    %get3A_112 = arith.constant 0 : index
    %get3A_113 = tpu.vector_load %arg12[%get3A_111, %get3A_112] {strides = array<i32>} : memref<26x128xi32, #tpu.memory_space<vmem>>, vector<16xi32>,
    %gather3A_114 = tpu.vector_load_idx %arg11[%get3A_113] : memref<26000xf32, #tpu.memory_space<vmem>>[vector<16xi32>], vector<16xf32>,
    %add3A_115 = arith.addf %add3A_109, %gather3A_114 : vector<16xf32>
    %get3A_116 = arith.constant 18 : i32
    %get3A_117 = arith.index_cast %get3A_116 : i32 to index
    %get3A_118 = arith.constant 0 : index
    %get3A_119 = tpu.vector_load %arg12[%get3A_117, %get3A_118] {strides = array<i32>} : memref<26x128xi32, #tpu.memory_space<vmem>>, vector<16xi32>,
    %gather3A_120 = tpu.vector_load_idx %arg11[%get3A_119] : memref<26000xf32, #tpu.memory_space<vmem>>[vector<16xi32>], vector<16xf32>,
    %add3A_121 = arith.addf %add3A_115, %gather3A_120 : vector<16xf32>
    %get3A_122 = arith.constant 19 : i32
    %get3A_123 = arith.index_cast %get3A_122 : i32 to index
    %get3A_124 = arith.constant 0 : index
    %get3A_125 = tpu.vector_load %arg12[%get3A_123, %get3A_124] {strides = array<i32>} : memref<26x128xi32, #tpu.memory_space<vmem>>, vector<16xi32>,
    %gather3A_126 = tpu.vector_load_idx %arg11[%get3A_125] : memref<26000xf32, #tpu.memory_space<vmem>>[vector<16xi32>], vector<16xf32>,
    %add3A_127 = arith.addf %add3A_121, %gather3A_126 : vector<16xf32>
    %get3A_128 = arith.constant 20 : i32
    %get3A_129 = arith.index_cast %get3A_128 : i32 to index
    %get3A_130 = arith.constant 0 : index
    %get3A_131 = tpu.vector_load %arg12[%get3A_129, %get3A_130] {strides = array<i32>} : memref<26x128xi32, #tpu.memory_space<vmem>>, vector<16xi32>,
    %gather3A_132 = tpu.vector_load_idx %arg11[%get3A_131] : memref<26000xf32, #tpu.memory_space<vmem>>[vector<16xi32>], vector<16xf32>,
    %add3A_133 = arith.addf %add3A_127, %gather3A_132 : vector<16xf32>
    %get3A_134 = arith.constant 21 : i32
    %get3A_135 = arith.index_cast %get3A_134 : i32 to index
    %get3A_136 = arith.constant 0 : index
    %get3A_137 = tpu.vector_load %arg12[%get3A_135, %get3A_136] {strides = array<i32>} : memref<26x128xi32, #tpu.memory_space<vmem>>, vector<16xi32>,
    %gather3A_138 = tpu.vector_load_idx %arg11[%get3A_137] : memref<26000xf32, #tpu.memory_space<vmem>>[vector<16xi32>], vector<16xf32>,
    %add3A_139 = arith.addf %add3A_133, %gather3A_138 : vector<16xf32>
    %get3A_140 = arith.constant 22 : i32
    %get3A_141 = arith.index_cast %get3A_140 : i32 to index
    %get3A_142 = arith.constant 0 : index
    %get3A_143 = tpu.vector_load %arg12[%get3A_141, %get3A_142] {strides = array<i32>} : memref<26x128xi32, #tpu.memory_space<vmem>>, vector<16xi32>,
    %gather3A_144 = tpu.vector_load_idx %arg11[%get3A_143] : memref<26000xf32, #tpu.memory_space<vmem>>[vector<16xi32>], vector<16xf32>,
    %add3A_145 = arith.addf %add3A_139, %gather3A_144 : vector<16xf32>
    %get3A_146 = arith.constant 23 : i32
    %get3A_147 = arith.index_cast %get3A_146 : i32 to index
    %get3A_148 = arith.constant 0 : index
    %get3A_149 = tpu.vector_load %arg12[%get3A_147, %get3A_148] {strides = array<i32>} : memref<26x128xi32, #tpu.memory_space<vmem>>, vector<16xi32>,
    %gather3A_150 = tpu.vector_load_idx %arg11[%get3A_149] : memref<26000xf32, #tpu.memory_space<vmem>>[vector<16xi32>], vector<16xf32>,
    %add3A_151 = arith.addf %add3A_145, %gather3A_150 : vector<16xf32>
    %get3A_152 = arith.constant 24 : i32
    %get3A_153 = arith.index_cast %get3A_152 : i32 to index
    %get3A_154 = arith.constant 0 : index
    %get3A_155 = tpu.vector_load %arg12[%get3A_153, %get3A_154] {strides = array<i32>} : memref<26x128xi32, #tpu.memory_space<vmem>>, vector<16xi32>,
    %gather3A_156 = tpu.vector_load_idx %arg11[%get3A_155] : memref<26000xf32, #tpu.memory_space<vmem>>[vector<16xi32>], vector<16xf32>,
    %add3A_157 = arith.addf %add3A_151, %gather3A_156 : vector<16xf32>
    %get3A_158 = arith.constant 25 : i32
    %get3A_159 = arith.index_cast %get3A_158 : i32 to index
    %get3A_160 = arith.constant 0 : index
    %get3A_161 = tpu.vector_load %arg12[%get3A_159, %get3A_160] {strides = array<i32>} : memref<26x128xi32, #tpu.memory_space<vmem>>, vector<16xi32>,
    %gather3A_162 = tpu.vector_load_idx %arg11[%get3A_161] : memref<26000xf32, #tpu.memory_space<vmem>>[vector<16xi32>], vector<16xf32>,
    %add3A_163 = arith.addf %add3A_157, %gather3A_162 : vector<16xf32>
    %swap3A = arith.constant 0 : index
    %swap3A_164 = tpu.vector_load %arg13[%swap3A] {strides = array<i32>} : memref<128xf32, #tpu.memory_space<vmem>>, vector<16xf32>,
    tpu.vector_store %arg13[%swap3A], %add3A_163 {strides = array<i32>} : memref<128xf32, #tpu.memory_space<vmem>>, vector<16xf32>,
    %broadcast_in_dim3A_165 = arith.constant 0.000000e+00 : f32
    %broadcast_in_dim3A_166 = vector.broadcast %broadcast_in_dim3A_165 : f32 to vector<16xf32>
    %get3A_167 = arith.constant 0 : i32
    %get3A_168 = arith.index_cast %get3A_167 : i32 to index
    %get3A_169 = arith.constant 16 : index
    %get3A_170 = tpu.vector_load %arg12[%get3A_168, %get3A_169] {strides = array<i32>} : memref<26x128xi32, #tpu.memory_space<vmem>>, vector<16xi32>,
    %gather3A_171 = tpu.vector_load_idx %arg11[%get3A_170] : memref<26000xf32, #tpu.memory_space<vmem>>[vector<16xi32>], vector<16xf32>,
    %add3A_172 = arith.addf %broadcast_in_dim3A_166, %gather3A_171 : vector<16xf32>
    %get3A_173 = arith.constant 1 : i32
    %get3A_174 = arith.index_cast %get3A_173 : i32 to index
    %get3A_175 = arith.constant 16 : index
    %get3A_176 = tpu.vector_load %arg12[%get3A_174, %get3A_175] {strides = array<i32>} : memref<26x128xi32, #tpu.memory_space<vmem>>, vector<16xi32>,
    %gather3A_177 = tpu.vector_load_idx %arg11[%get3A_176] : memref<26000xf32, #tpu.memory_space<vmem>>[vector<16xi32>], vector<16xf32>,
    %add3A_178 = arith.addf %add3A_172, %gather3A_177 : vector<16xf32>
    %get3A_179 = arith.constant 2 : i32
    %get3A_180 = arith.index_cast %get3A_179 : i32 to index
    %get3A_181 = arith.constant 16 : index
    %get3A_182 = tpu.vector_load %arg12[%get3A_180, %get3A_181] {strides = array<i32>} : memref<26x128xi32, #tpu.memory_space<vmem>>, vector<16xi32>,
    %gather3A_183 = tpu.vector_load_idx %arg11[%get3A_182] : memref<26000xf32, #tpu.memory_space<vmem>>[vector<16xi32>], vector<16xf32>,
    %add3A_184 = arith.addf %add3A_178, %gather3A_183 : vector<16xf32>
    %get3A_185 = arith.constant 3 : i32
    %get3A_186 = arith.index_cast %get3A_185 : i32 to index
    %get3A_187 = arith.constant 16 : index
    %get3A_188 = tpu.vector_load %arg12[%get3A_186, %get3A_187] {strides = array<i32>} : memref<26x128xi32, #tpu.memory_space<vmem>>, vector<16xi32>,
    %gather3A_189 = tpu.vector_load_idx %arg11[%get3A_188] : memref<26000xf32, #tpu.memory_space<vmem>>[vector<16xi32>], vector<16xf32>,
    %add3A_190 = arith.addf %add3A_184, %gather3A_189 : vector<16xf32>
    %get3A_191 = arith.constant 4 : i32
    %get3A_192 = arith.index_cast %get3A_191 : i32 to index
    %get3A_193 = arith.constant 16 : index
    %get3A_194 = tpu.vector_load %arg12[%get3A_192, %get3A_193] {strides = array<i32>} : memref<26x128xi32, #tpu.memory_space<vmem>>, vector<16xi32>,
    %gather3A_195 = tpu.vector_load_idx %arg11[%get3A_194] : memref<26000xf32, #tpu.memory_space<vmem>>[vector<16xi32>], vector<16xf32>,
    %add3A_196 = arith.addf %add3A_190, %gather3A_195 : vector<16xf32>
    %get3A_197 = arith.constant 5 : i32
    %get3A_198 = arith.index_cast %get3A_197 : i32 to index
    %get3A_199 = arith.constant 16 : index
    %get3A_200 = tpu.vector_load %arg12[%get3A_198, %get3A_199] {strides = array<i32>} : memref<26x128xi32, #tpu.memory_space<vmem>>, vector<16xi32>,
    %gather3A_201 = tpu.vector_load_idx %arg11[%get3A_200] : memref<26000xf32, #tpu.memory_space<vmem>>[vector<16xi32>], vector<16xf32>,
    %add3A_202 = arith.addf %add3A_196, %gather3A_201 : vector<16xf32>
    %get3A_203 = arith.constant 6 : i32
    %get3A_204 = arith.index_cast %get3A_203 : i32 to index
    %get3A_205 = arith.constant 16 : index
    %get3A_206 = tpu.vector_load %arg12[%get3A_204, %get3A_205] {strides = array<i32>} : memref<26x128xi32, #tpu.memory_space<vmem>>, vector<16xi32>,
    %gather3A_207 = tpu.vector_load_idx %arg11[%get3A_206] : memref<26000xf32, #tpu.memory_space<vmem>>[vector<16xi32>], vector<16xf32>,
    %add3A_208 = arith.addf %add3A_202, %gather3A_207 : vector<16xf32>
    %get3A_209 = arith.constant 7 : i32
    %get3A_210 = arith.index_cast %get3A_209 : i32 to index
    %get3A_211 = arith.constant 16 : index
    %get3A_212 = tpu.vector_load %arg12[%get3A_210, %get3A_211] {strides = array<i32>} : memref<26x128xi32, #tpu.memory_space<vmem>>, vector<16xi32>,
    %gather3A_213 = tpu.vector_load_idx %arg11[%get3A_212] : memref<26000xf32, #tpu.memory_space<vmem>>[vector<16xi32>], vector<16xf32>,
    %add3A_214 = arith.addf %add3A_208, %gather3A_213 : vector<16xf32>
    %get3A_215 = arith.constant 8 : i32
    %get3A_216 = arith.index_cast %get3A_215 : i32 to index
    %get3A_217 = arith.constant 16 : index
    %get3A_218 = tpu.vector_load %arg12[%get3A_216, %get3A_217] {strides = array<i32>} : memref<26x128xi32, #tpu.memory_space<vmem>>, vector<16xi32>,
    %gather3A_219 = tpu.vector_load_idx %arg11[%get3A_218] : memref<26000xf32, #tpu.memory_space<vmem>>[vector<16xi32>], vector<16xf32>,
    %add3A_220 = arith.addf %add3A_214, %gather3A_219 : vector<16xf32>
    %get3A_221 = arith.constant 9 : i32
    %get3A_222 = arith.index_cast %get3A_221 : i32 to index
    %get3A_223 = arith.constant 16 : index
    %get3A_224 = tpu.vector_load %arg12[%get3A_222, %get3A_223] {strides = array<i32>} : memref<26x128xi32, #tpu.memory_space<vmem>>, vector<16xi32>,
    %gather3A_225 = tpu.vector_load_idx %arg11[%get3A_224] : memref<26000xf32, #tpu.memory_space<vmem>>[vector<16xi32>], vector<16xf32>,
    %add3A_226 = arith.addf %add3A_220, %gather3A_225 : vector<16xf32>
    %get3A_227 = arith.constant 10 : i32
    %get3A_228 = arith.index_cast %get3A_227 : i32 to index
    %get3A_229 = arith.constant 16 : index
    %get3A_230 = tpu.vector_load %arg12[%get3A_228, %get3A_229] {strides = array<i32>} : memref<26x128xi32, #tpu.memory_space<vmem>>, vector<16xi32>,
    %gather3A_231 = tpu.vector_load_idx %arg11[%get3A_230] : memref<26000xf32, #tpu.memory_space<vmem>>[vector<16xi32>], vector<16xf32>,
    %add3A_232 = arith.addf %add3A_226, %gather3A_231 : vector<16xf32>
    %get3A_233 = arith.constant 11 : i32
    %get3A_234 = arith.index_cast %get3A_233 : i32 to index
    %get3A_235 = arith.constant 16 : index
    %get3A_236 = tpu.vector_load %arg12[%get3A_234, %get3A_235] {strides = array<i32>} : memref<26x128xi32, #tpu.memory_space<vmem>>, vector<16xi32>,
    %gather3A_237 = tpu.vector_load_idx %arg11[%get3A_236] : memref<26000xf32, #tpu.memory_space<vmem>>[vector<16xi32>], vector<16xf32>,
    %add3A_238 = arith.addf %add3A_232, %gather3A_237 : vector<16xf32>
    %get3A_239 = arith.constant 12 : i32
    %get3A_240 = arith.index_cast %get3A_239 : i32 to index
    %get3A_241 = arith.constant 16 : index
    %get3A_242 = tpu.vector_load %arg12[%get3A_240, %get3A_241] {strides = array<i32>} : memref<26x128xi32, #tpu.memory_space<vmem>>, vector<16xi32>,
    %gather3A_243 = tpu.vector_load_idx %arg11[%get3A_242] : memref<26000xf32, #tpu.memory_space<vmem>>[vector<16xi32>], vector<16xf32>,
    %add3A_244 = arith.addf %add3A_238, %gather3A_243 : vector<16xf32>
    %get3A_245 = arith.constant 13 : i32
    %get3A_246 = arith.index_cast %get3A_245 : i32 to index
    %get3A_247 = arith.constant 16 : index
    %get3A_248 = tpu.vector_load %arg12[%get3A_246, %get3A_247] {strides = array<i32>} : memref<26x128xi32, #tpu.memory_space<vmem>>, vector<16xi32>,
    %gather3A_249 = tpu.vector_load_idx %arg11[%get3A_248] : memref<26000xf32, #tpu.memory_space<vmem>>[vector<16xi32>], vector<16xf32>,
    %add3A_250 = arith.addf %add3A_244, %gather3A_249 : vector<16xf32>
    %get3A_251 = arith.constant 14 : i32
    %get3A_252 = arith.index_cast %get3A_251 : i32 to index
    %get3A_253 = arith.constant 16 : index
    %get3A_254 = tpu.vector_load %arg12[%get3A_252, %get3A_253] {strides = array<i32>} : memref<26x128xi32, #tpu.memory_space<vmem>>, vector<16xi32>,
    %gather3A_255 = tpu.vector_load_idx %arg11[%get3A_254] : memref<26000xf32, #tpu.memory_space<vmem>>[vector<16xi32>], vector<16xf32>,
    %add3A_256 = arith.addf %add3A_250, %gather3A_255 : vector<16xf32>
    %get3A_257 = arith.constant 15 : i32
    %get3A_258 = arith.index_cast %get3A_257 : i32 to index
    %get3A_259 = arith.constant 16 : index
    %get3A_260 = tpu.vector_load %arg12[%get3A_258, %get3A_259] {strides = array<i32>} : memref<26x128xi32, #tpu.memory_space<vmem>>, vector<16xi32>,
    %gather3A_261 = tpu.vector_load_idx %arg11[%get3A_260] : memref<26000xf32, #tpu.memory_space<vmem>>[vector<16xi32>], vector<16xf32>,
    %add3A_262 = arith.addf %add3A_256, %gather3A_261 : vector<16xf32>
    %get3A_263 = arith.constant 16 : i32
    %get3A_264 = arith.index_cast %get3A_263 : i32 to index
    %get3A_265 = arith.constant 16 : index
    %get3A_266 = tpu.vector_load %arg12[%get3A_264, %get3A_265] {strides = array<i32>} : memref<26x128xi32, #tpu.memory_space<vmem>>, vector<16xi32>,
    %gather3A_267 = tpu.vector_load_idx %arg11[%get3A_266] : memref<26000xf32, #tpu.memory_space<vmem>>[vector<16xi32>], vector<16xf32>,
    %add3A_268 = arith.addf %add3A_262, %gather3A_267 : vector<16xf32>
    %get3A_269 = arith.constant 17 : i32
    %get3A_270 = arith.index_cast %get3A_269 : i32 to index
    %get3A_271 = arith.constant 16 : index
    %get3A_272 = tpu.vector_load %arg12[%get3A_270, %get3A_271] {strides = array<i32>} : memref<26x128xi32, #tpu.memory_space<vmem>>, vector<16xi32>,
    %gather3A_273 = tpu.vector_load_idx %arg11[%get3A_272] : memref<26000xf32, #tpu.memory_space<vmem>>[vector<16xi32>], vector<16xf32>,
    %add3A_274 = arith.addf %add3A_268, %gather3A_273 : vector<16xf32>
    %get3A_275 = arith.constant 18 : i32
    %get3A_276 = arith.index_cast %get3A_275 : i32 to index
    %get3A_277 = arith.constant 16 : index
    %get3A_278 = tpu.vector_load %arg12[%get3A_276, %get3A_277] {strides = array<i32>} : memref<26x128xi32, #tpu.memory_space<vmem>>, vector<16xi32>,
    %gather3A_279 = tpu.vector_load_idx %arg11[%get3A_278] : memref<26000xf32, #tpu.memory_space<vmem>>[vector<16xi32>], vector<16xf32>,
    %add3A_280 = arith.addf %add3A_274, %gather3A_279 : vector<16xf32>
    %get3A_281 = arith.constant 19 : i32
    %get3A_282 = arith.index_cast %get3A_281 : i32 to index
    %get3A_283 = arith.constant 16 : index
    %get3A_284 = tpu.vector_load %arg12[%get3A_282, %get3A_283] {strides = array<i32>} : memref<26x128xi32, #tpu.memory_space<vmem>>, vector<16xi32>,
    %gather3A_285 = tpu.vector_load_idx %arg11[%get3A_284] : memref<26000xf32, #tpu.memory_space<vmem>>[vector<16xi32>], vector<16xf32>,
    %add3A_286 = arith.addf %add3A_280, %gather3A_285 : vector<16xf32>
    %get3A_287 = arith.constant 20 : i32
    %get3A_288 = arith.index_cast %get3A_287 : i32 to index
    %get3A_289 = arith.constant 16 : index
    %get3A_290 = tpu.vector_load %arg12[%get3A_288, %get3A_289] {strides = array<i32>} : memref<26x128xi32, #tpu.memory_space<vmem>>, vector<16xi32>,
    %gather3A_291 = tpu.vector_load_idx %arg11[%get3A_290] : memref<26000xf32, #tpu.memory_space<vmem>>[vector<16xi32>], vector<16xf32>,
    %add3A_292 = arith.addf %add3A_286, %gather3A_291 : vector<16xf32>
    %get3A_293 = arith.constant 21 : i32
    %get3A_294 = arith.index_cast %get3A_293 : i32 to index
    %get3A_295 = arith.constant 16 : index
    %get3A_296 = tpu.vector_load %arg12[%get3A_294, %get3A_295] {strides = array<i32>} : memref<26x128xi32, #tpu.memory_space<vmem>>, vector<16xi32>,
    %gather3A_297 = tpu.vector_load_idx %arg11[%get3A_296] : memref<26000xf32, #tpu.memory_space<vmem>>[vector<16xi32>], vector<16xf32>,
    %add3A_298 = arith.addf %add3A_292, %gather3A_297 : vector<16xf32>
    %get3A_299 = arith.constant 22 : i32
    %get3A_300 = arith.index_cast %get3A_299 : i32 to index
    %get3A_301 = arith.constant 16 : index
    %get3A_302 = tpu.vector_load %arg12[%get3A_300, %get3A_301] {strides = array<i32>} : memref<26x128xi32, #tpu.memory_space<vmem>>, vector<16xi32>,
    %gather3A_303 = tpu.vector_load_idx %arg11[%get3A_302] : memref<26000xf32, #tpu.memory_space<vmem>>[vector<16xi32>], vector<16xf32>,
    %add3A_304 = arith.addf %add3A_298, %gather3A_303 : vector<16xf32>
    %get3A_305 = arith.constant 23 : i32
    %get3A_306 = arith.index_cast %get3A_305 : i32 to index
    %get3A_307 = arith.constant 16 : index
    %get3A_308 = tpu.vector_load %arg12[%get3A_306, %get3A_307] {strides = array<i32>} : memref<26x128xi32, #tpu.memory_space<vmem>>, vector<16xi32>,
    %gather3A_309 = tpu.vector_load_idx %arg11[%get3A_308] : memref<26000xf32, #tpu.memory_space<vmem>>[vector<16xi32>], vector<16xf32>,
    %add3A_310 = arith.addf %add3A_304, %gather3A_309 : vector<16xf32>
    %get3A_311 = arith.constant 24 : i32
    %get3A_312 = arith.index_cast %get3A_311 : i32 to index
    %get3A_313 = arith.constant 16 : index
    %get3A_314 = tpu.vector_load %arg12[%get3A_312, %get3A_313] {strides = array<i32>} : memref<26x128xi32, #tpu.memory_space<vmem>>, vector<16xi32>,
    %gather3A_315 = tpu.vector_load_idx %arg11[%get3A_314] : memref<26000xf32, #tpu.memory_space<vmem>>[vector<16xi32>], vector<16xf32>,
    %add3A_316 = arith.addf %add3A_310, %gather3A_315 : vector<16xf32>
    %get3A_317 = arith.constant 25 : i32
    %get3A_318 = arith.index_cast %get3A_317 : i32 to index
    %get3A_319 = arith.constant 16 : index
    %get3A_320 = tpu.vector_load %arg12[%get3A_318, %get3A_319] {strides = array<i32>} : memref<26x128xi32, #tpu.memory_space<vmem>>, vector<16xi32>,
    %gather3A_321 = tpu.vector_load_idx %arg11[%get3A_320] : memref<26000xf32, #tpu.memory_space<vmem>>[vector<16xi32>], vector<16xf32>,
    %add3A_322 = arith.addf %add3A_316, %gather3A_321 : vector<16xf32>
    %swap3A_323 = arith.constant 16 : index
    %swap3A_324 = tpu.vector_load %arg13[%swap3A_323] {strides = array<i32>} : memref<128xf32, #tpu.memory_space<vmem>>, vector<16xf32>,
    tpu.vector_store %arg13[%swap3A_323], %add3A_322 {strides = array<i32>} : memref<128xf32, #tpu.memory_space<vmem>>, vector<16xf32>,
    %broadcast_in_dim3A_325 = arith.constant 0.000000e+00 : f32
    %broadcast_in_dim3A_326 = vector.broadcast %broadcast_in_dim3A_325 : f32 to vector<16xf32>
    %get3A_327 = arith.constant 0 : i32
    %get3A_328 = arith.index_cast %get3A_327 : i32 to index
    %get3A_329 = arith.constant 32 : index
    %get3A_330 = tpu.vector_load %arg12[%get3A_328, %get3A_329] {strides = array<i32>} : memref<26x128xi32, #tpu.memory_space<vmem>>, vector<16xi32>,
    %gather3A_331 = tpu.vector_load_idx %arg11[%get3A_330] : memref<26000xf32, #tpu.memory_space<vmem>>[vector<16xi32>], vector<16xf32>,
    %add3A_332 = arith.addf %broadcast_in_dim3A_326, %gather3A_331 : vector<16xf32>
    %get3A_333 = arith.constant 1 : i32
    %get3A_334 = arith.index_cast %get3A_333 : i32 to index
    %get3A_335 = arith.constant 32 : index
    %get3A_336 = tpu.vector_load %arg12[%get3A_334, %get3A_335] {strides = array<i32>} : memref<26x128xi32, #tpu.memory_space<vmem>>, vector<16xi32>,
    %gather3A_337 = tpu.vector_load_idx %arg11[%get3A_336] : memref<26000xf32, #tpu.memory_space<vmem>>[vector<16xi32>], vector<16xf32>,
    %add3A_338 = arith.addf %add3A_332, %gather3A_337 : vector<16xf32>
    %get3A_339 = arith.constant 2 : i32
    %get3A_340 = arith.index_cast %get3A_339 : i32 to index
    %get3A_341 = arith.constant 32 : index
    %get3A_342 = tpu.vector_load %arg12[%get3A_340, %get3A_341] {strides = array<i32>} : memref<26x128xi32, #tpu.memory_space<vmem>>, vector<16xi32>,
    %gather3A_343 = tpu.vector_load_idx %arg11[%get3A_342] : memref<26000xf32, #tpu.memory_space<vmem>>[vector<16xi32>], vector<16xf32>,
    %add3A_344 = arith.addf %add3A_338, %gather3A_343 : vector<16xf32>
    %get3A_345 = arith.constant 3 : i32
    %get3A_346 = arith.index_cast %get3A_345 : i32 to index
    %get3A_347 = arith.constant 32 : index
    %get3A_348 = tpu.vector_load %arg12[%get3A_346, %get3A_347] {strides = array<i32>} : memref<26x128xi32, #tpu.memory_space<vmem>>, vector<16xi32>,
    %gather3A_349 = tpu.vector_load_idx %arg11[%get3A_348] : memref<26000xf32, #tpu.memory_space<vmem>>[vector<16xi32>], vector<16xf32>,
    %add3A_350 = arith.addf %add3A_344, %gather3A_349 : vector<16xf32>
    %get3A_351 = arith.constant 4 : i32
    %get3A_352 = arith.index_cast %get3A_351 : i32 to index
    %get3A_353 = arith.constant 32 : index
    %get3A_354 = tpu.vector_load %arg12[%get3A_352, %get3A_353] {strides = array<i32>} : memref<26x128xi32, #tpu.memory_space<vmem>>, vector<16xi32>,
    %gather3A_355 = tpu.vector_load_idx %arg11[%get3A_354] : memref<26000xf32, #tpu.memory_space<vmem>>[vector<16xi32>], vector<16xf32>,
    %add3A_356 = arith.addf %add3A_350, %gather3A_355 : vector<16xf32>
    %get3A_357 = arith.constant 5 : i32
    %get3A_358 = arith.index_cast %get3A_357 : i32 to index
    %get3A_359 = arith.constant 32 : index
    %get3A_360 = tpu.vector_load %arg12[%get3A_358, %get3A_359] {strides = array<i32>} : memref<26x128xi32, #tpu.memory_space<vmem>>, vector<16xi32>,
    %gather3A_361 = tpu.vector_load_idx %arg11[%get3A_360] : memref<26000xf32, #tpu.memory_space<vmem>>[vector<16xi32>], vector<16xf32>,
    %add3A_362 = arith.addf %add3A_356, %gather3A_361 : vector<16xf32>
    %get3A_363 = arith.constant 6 : i32
    %get3A_364 = arith.index_cast %get3A_363 : i32 to index
    %get3A_365 = arith.constant 32 : index
    %get3A_366 = tpu.vector_load %arg12[%get3A_364, %get3A_365] {strides = array<i32>} : memref<26x128xi32, #tpu.memory_space<vmem>>, vector<16xi32>,
    %gather3A_367 = tpu.vector_load_idx %arg11[%get3A_366] : memref<26000xf32, #tpu.memory_space<vmem>>[vector<16xi32>], vector<16xf32>,
    %add3A_368 = arith.addf %add3A_362, %gather3A_367 : vector<16xf32>
    %get3A_369 = arith.constant 7 : i32
    %get3A_370 = arith.index_cast %get3A_369 : i32 to index
    %get3A_371 = arith.constant 32 : index
    %get3A_372 = tpu.vector_load %arg12[%get3A_370, %get3A_371] {strides = array<i32>} : memref<26x128xi32, #tpu.memory_space<vmem>>, vector<16xi32>,
    %gather3A_373 = tpu.vector_load_idx %arg11[%get3A_372] : memref<26000xf32, #tpu.memory_space<vmem>>[vector<16xi32>], vector<16xf32>,
    %add3A_374 = arith.addf %add3A_368, %gather3A_373 : vector<16xf32>
    %get3A_375 = arith.constant 8 : i32
    %get3A_376 = arith.index_cast %get3A_375 : i32 to index
    %get3A_377 = arith.constant 32 : index
    %get3A_378 = tpu.vector_load %arg12[%get3A_376, %get3A_377] {strides = array<i32>} : memref<26x128xi32, #tpu.memory_space<vmem>>, vector<16xi32>,
    %gather3A_379 = tpu.vector_load_idx %arg11[%get3A_378] : memref<26000xf32, #tpu.memory_space<vmem>>[vector<16xi32>], vector<16xf32>,
    %add3A_380 = arith.addf %add3A_374, %gather3A_379 : vector<16xf32>
    %get3A_381 = arith.constant 9 : i32
    %get3A_382 = arith.index_cast %get3A_381 : i32 to index
    %get3A_383 = arith.constant 32 : index
    %get3A_384 = tpu.vector_load %arg12[%get3A_382, %get3A_383] {strides = array<i32>} : memref<26x128xi32, #tpu.memory_space<vmem>>, vector<16xi32>,
    %gather3A_385 = tpu.vector_load_idx %arg11[%get3A_384] : memref<26000xf32, #tpu.memory_space<vmem>>[vector<16xi32>], vector<16xf32>,
    %add3A_386 = arith.addf %add3A_380, %gather3A_385 : vector<16xf32>
    %get3A_387 = arith.constant 10 : i32
    %get3A_388 = arith.index_cast %get3A_387 : i32 to index
    %get3A_389 = arith.constant 32 : index
    %get3A_390 = tpu.vector_load %arg12[%get3A_388, %get3A_389] {strides = array<i32>} : memref<26x128xi32, #tpu.memory_space<vmem>>, vector<16xi32>,
    %gather3A_391 = tpu.vector_load_idx %arg11[%get3A_390] : memref<26000xf32, #tpu.memory_space<vmem>>[vector<16xi32>], vector<16xf32>,
    %add3A_392 = arith.addf %add3A_386, %gather3A_391 : vector<16xf32>
    %get3A_393 = arith.constant 11 : i32
    %get3A_394 = arith.index_cast %get3A_393 : i32 to index
    %get3A_395 = arith.constant 32 : index
    %get3A_396 = tpu.vector_load %arg12[%get3A_394, %get3A_395] {strides = array<i32>} : memref<26x128xi32, #tpu.memory_space<vmem>>, vector<16xi32>,
    %gather3A_397 = tpu.vector_load_idx %arg11[%get3A_396] : memref<26000xf32, #tpu.memory_space<vmem>>[vector<16xi32>], vector<16xf32>,
    %add3A_398 = arith.addf %add3A_392, %gather3A_397 : vector<16xf32>
    %get3A_399 = arith.constant 12 : i32
    %get3A_400 = arith.index_cast %get3A_399 : i32 to index
    %get3A_401 = arith.constant 32 : index
    %get3A_402 = tpu.vector_load %arg12[%get3A_400, %get3A_401] {strides = array<i32>} : memref<26x128xi32, #tpu.memory_space<vmem>>, vector<16xi32>,
    %gather3A_403 = tpu.vector_load_idx %arg11[%get3A_402] : memref<26000xf32, #tpu.memory_space<vmem>>[vector<16xi32>], vector<16xf32>,
    %add3A_404 = arith.addf %add3A_398, %gather3A_403 : vector<16xf32>
    %get3A_405 = arith.constant 13 : i32
    %get3A_406 = arith.index_cast %get3A_405 : i32 to index
    %get3A_407 = arith.constant 32 : index
    %get3A_408 = tpu.vector_load %arg12[%get3A_406, %get3A_407] {strides = array<i32>} : memref<26x128xi32, #tpu.memory_space<vmem>>, vector<16xi32>,
    %gather3A_409 = tpu.vector_load_idx %arg11[%get3A_408] : memref<26000xf32, #tpu.memory_space<vmem>>[vector<16xi32>], vector<16xf32>,
    %add3A_410 = arith.addf %add3A_404, %gather3A_409 : vector<16xf32>
    %get3A_411 = arith.constant 14 : i32
    %get3A_412 = arith.index_cast %get3A_411 : i32 to index
    %get3A_413 = arith.constant 32 : index
    %get3A_414 = tpu.vector_load %arg12[%get3A_412, %get3A_413] {strides = array<i32>} : memref<26x128xi32, #tpu.memory_space<vmem>>, vector<16xi32>,
    %gather3A_415 = tpu.vector_load_idx %arg11[%get3A_414] : memref<26000xf32, #tpu.memory_space<vmem>>[vector<16xi32>], vector<16xf32>,
    %add3A_416 = arith.addf %add3A_410, %gather3A_415 : vector<16xf32>
    %get3A_417 = arith.constant 15 : i32
    %get3A_418 = arith.index_cast %get3A_417 : i32 to index
    %get3A_419 = arith.constant 32 : index
    %get3A_420 = tpu.vector_load %arg12[%get3A_418, %get3A_419] {strides = array<i32>} : memref<26x128xi32, #tpu.memory_space<vmem>>, vector<16xi32>,
    %gather3A_421 = tpu.vector_load_idx %arg11[%get3A_420] : memref<26000xf32, #tpu.memory_space<vmem>>[vector<16xi32>], vector<16xf32>,
    %add3A_422 = arith.addf %add3A_416, %gather3A_421 : vector<16xf32>
    %get3A_423 = arith.constant 16 : i32
    %get3A_424 = arith.index_cast %get3A_423 : i32 to index
    %get3A_425 = arith.constant 32 : index
    %get3A_426 = tpu.vector_load %arg12[%get3A_424, %get3A_425] {strides = array<i32>} : memref<26x128xi32, #tpu.memory_space<vmem>>, vector<16xi32>,
    %gather3A_427 = tpu.vector_load_idx %arg11[%get3A_426] : memref<26000xf32, #tpu.memory_space<vmem>>[vector<16xi32>], vector<16xf32>,
    %add3A_428 = arith.addf %add3A_422, %gather3A_427 : vector<16xf32>
    %get3A_429 = arith.constant 17 : i32
    %get3A_430 = arith.index_cast %get3A_429 : i32 to index
    %get3A_431 = arith.constant 32 : index
    %get3A_432 = tpu.vector_load %arg12[%get3A_430, %get3A_431] {strides = array<i32>} : memref<26x128xi32, #tpu.memory_space<vmem>>, vector<16xi32>,
    %gather3A_433 = tpu.vector_load_idx %arg11[%get3A_432] : memref<26000xf32, #tpu.memory_space<vmem>>[vector<16xi32>], vector<16xf32>,
    %add3A_434 = arith.addf %add3A_428, %gather3A_433 : vector<16xf32>
    %get3A_435 = arith.constant 18 : i32
    %get3A_436 = arith.index_cast %get3A_435 : i32 to index
    %get3A_437 = arith.constant 32 : index
    %get3A_438 = tpu.vector_load %arg12[%get3A_436, %get3A_437] {strides = array<i32>} : memref<26x128xi32, #tpu.memory_space<vmem>>, vector<16xi32>,
    %gather3A_439 = tpu.vector_load_idx %arg11[%get3A_438] : memref<26000xf32, #tpu.memory_space<vmem>>[vector<16xi32>], vector<16xf32>,
    %add3A_440 = arith.addf %add3A_434, %gather3A_439 : vector<16xf32>
    %get3A_441 = arith.constant 19 : i32
    %get3A_442 = arith.index_cast %get3A_441 : i32 to index
    %get3A_443 = arith.constant 32 : index
    %get3A_444 = tpu.vector_load %arg12[%get3A_442, %get3A_443] {strides = array<i32>} : memref<26x128xi32, #tpu.memory_space<vmem>>, vector<16xi32>,
    %gather3A_445 = tpu.vector_load_idx %arg11[%get3A_444] : memref<26000xf32, #tpu.memory_space<vmem>>[vector<16xi32>], vector<16xf32>,
    %add3A_446 = arith.addf %add3A_440, %gather3A_445 : vector<16xf32>
    %get3A_447 = arith.constant 20 : i32
    %get3A_448 = arith.index_cast %get3A_447 : i32 to index
    %get3A_449 = arith.constant 32 : index
    %get3A_450 = tpu.vector_load %arg12[%get3A_448, %get3A_449] {strides = array<i32>} : memref<26x128xi32, #tpu.memory_space<vmem>>, vector<16xi32>,
    %gather3A_451 = tpu.vector_load_idx %arg11[%get3A_450] : memref<26000xf32, #tpu.memory_space<vmem>>[vector<16xi32>], vector<16xf32>,
    %add3A_452 = arith.addf %add3A_446, %gather3A_451 : vector<16xf32>
    %get3A_453 = arith.constant 21 : i32
    %get3A_454 = arith.index_cast %get3A_453 : i32 to index
    %get3A_455 = arith.constant 32 : index
    %get3A_456 = tpu.vector_load %arg12[%get3A_454, %get3A_455] {strides = array<i32>} : memref<26x128xi32, #tpu.memory_space<vmem>>, vector<16xi32>,
    %gather3A_457 = tpu.vector_load_idx %arg11[%get3A_456] : memref<26000xf32, #tpu.memory_space<vmem>>[vector<16xi32>], vector<16xf32>,
    %add3A_458 = arith.addf %add3A_452, %gather3A_457 : vector<16xf32>
    %get3A_459 = arith.constant 22 : i32
    %get3A_460 = arith.index_cast %get3A_459 : i32 to index
    %get3A_461 = arith.constant 32 : index
    %get3A_462 = tpu.vector_load %arg12[%get3A_460, %get3A_461] {strides = array<i32>} : memref<26x128xi32, #tpu.memory_space<vmem>>, vector<16xi32>,
    %gather3A_463 = tpu.vector_load_idx %arg11[%get3A_462] : memref<26000xf32, #tpu.memory_space<vmem>>[vector<16xi32>], vector<16xf32>,
    %add3A_464 = arith.addf %add3A_458, %gather3A_463 : vector<16xf32>
    %get3A_465 = arith.constant 23 : i32
    %get3A_466 = arith.index_cast %get3A_465 : i32 to index
    %get3A_467 = arith.constant 32 : index
    %get3A_468 = tpu.vector_load %arg12[%get3A_466, %get3A_467] {strides = array<i32>} : memref<26x128xi32, #tpu.memory_space<vmem>>, vector<16xi32>,
    %gather3A_469 = tpu.vector_load_idx %arg11[%get3A_468] : memref<26000xf32, #tpu.memory_space<vmem>>[vector<16xi32>], vector<16xf32>,
    %add3A_470 = arith.addf %add3A_464, %gather3A_469 : vector<16xf32>
    %get3A_471 = arith.constant 24 : i32
    %get3A_472 = arith.index_cast %get3A_471 : i32 to index
    %get3A_473 = arith.constant 32 : index
    %get3A_474 = tpu.vector_load %arg12[%get3A_472, %get3A_473] {strides = array<i32>} : memref<26x128xi32, #tpu.memory_space<vmem>>, vector<16xi32>,
    %gather3A_475 = tpu.vector_load_idx %arg11[%get3A_474] : memref<26000xf32, #tpu.memory_space<vmem>>[vector<16xi32>], vector<16xf32>,
    %add3A_476 = arith.addf %add3A_470, %gather3A_475 : vector<16xf32>
    %get3A_477 = arith.constant 25 : i32
    %get3A_478 = arith.index_cast %get3A_477 : i32 to index
    %get3A_479 = arith.constant 32 : index
    %get3A_480 = tpu.vector_load %arg12[%get3A_478, %get3A_479] {strides = array<i32>} : memref<26x128xi32, #tpu.memory_space<vmem>>, vector<16xi32>,
    %gather3A_481 = tpu.vector_load_idx %arg11[%get3A_480] : memref<26000xf32, #tpu.memory_space<vmem>>[vector<16xi32>], vector<16xf32>,
    %add3A_482 = arith.addf %add3A_476, %gather3A_481 : vector<16xf32>
    %swap3A_483 = arith.constant 32 : index
    %swap3A_484 = tpu.vector_load %arg13[%swap3A_483] {strides = array<i32>} : memref<128xf32, #tpu.memory_space<vmem>>, vector<16xf32>,
    tpu.vector_store %arg13[%swap3A_483], %add3A_482 {strides = array<i32>} : memref<128xf32, #tpu.memory_space<vmem>>, vector<16xf32>,
    %broadcast_in_dim3A_485 = arith.constant 0.000000e+00 : f32
    %broadcast_in_dim3A_486 = vector.broadcast %broadcast_in_dim3A_485 : f32 to vector<16xf32>
    %get3A_487 = arith.constant 0 : i32
    %get3A_488 = arith.index_cast %get3A_487 : i32 to index
    %get3A_489 = arith.constant 48 : index
    %get3A_490 = tpu.vector_load %arg12[%get3A_488, %get3A_489] {strides = array<i32>} : memref<26x128xi32, #tpu.memory_space<vmem>>, vector<16xi32>,
    %gather3A_491 = tpu.vector_load_idx %arg11[%get3A_490] : memref<26000xf32, #tpu.memory_space<vmem>>[vector<16xi32>], vector<16xf32>,
    %add3A_492 = arith.addf %broadcast_in_dim3A_486, %gather3A_491 : vector<16xf32>
    %get3A_493 = arith.constant 1 : i32
    %get3A_494 = arith.index_cast %get3A_493 : i32 to index
    %get3A_495 = arith.constant 48 : index
    %get3A_496 = tpu.vector_load %arg12[%get3A_494, %get3A_495] {strides = array<i32>} : memref<26x128xi32, #tpu.memory_space<vmem>>, vector<16xi32>,
    %gather3A_497 = tpu.vector_load_idx %arg11[%get3A_496] : memref<26000xf32, #tpu.memory_space<vmem>>[vector<16xi32>], vector<16xf32>,
    %add3A_498 = arith.addf %add3A_492, %gather3A_497 : vector<16xf32>
    %get3A_499 = arith.constant 2 : i32
    %get3A_500 = arith.index_cast %get3A_499 : i32 to index
    %get3A_501 = arith.constant 48 : index
    %get3A_502 = tpu.vector_load %arg12[%get3A_500, %get3A_501] {strides = array<i32>} : memref<26x128xi32, #tpu.memory_space<vmem>>, vector<16xi32>,
    %gather3A_503 = tpu.vector_load_idx %arg11[%get3A_502] : memref<26000xf32, #tpu.memory_space<vmem>>[vector<16xi32>], vector<16xf32>,
    %add3A_504 = arith.addf %add3A_498, %gather3A_503 : vector<16xf32>
    %get3A_505 = arith.constant 3 : i32
    %get3A_506 = arith.index_cast %get3A_505 : i32 to index
    %get3A_507 = arith.constant 48 : index
    %get3A_508 = tpu.vector_load %arg12[%get3A_506, %get3A_507] {strides = array<i32>} : memref<26x128xi32, #tpu.memory_space<vmem>>, vector<16xi32>,
    %gather3A_509 = tpu.vector_load_idx %arg11[%get3A_508] : memref<26000xf32, #tpu.memory_space<vmem>>[vector<16xi32>], vector<16xf32>,
    %add3A_510 = arith.addf %add3A_504, %gather3A_509 : vector<16xf32>
    %get3A_511 = arith.constant 4 : i32
    %get3A_512 = arith.index_cast %get3A_511 : i32 to index
    %get3A_513 = arith.constant 48 : index
    %get3A_514 = tpu.vector_load %arg12[%get3A_512, %get3A_513] {strides = array<i32>} : memref<26x128xi32, #tpu.memory_space<vmem>>, vector<16xi32>,
    %gather3A_515 = tpu.vector_load_idx %arg11[%get3A_514] : memref<26000xf32, #tpu.memory_space<vmem>>[vector<16xi32>], vector<16xf32>,
    %add3A_516 = arith.addf %add3A_510, %gather3A_515 : vector<16xf32>
    %get3A_517 = arith.constant 5 : i32
    %get3A_518 = arith.index_cast %get3A_517 : i32 to index
    %get3A_519 = arith.constant 48 : index
    %get3A_520 = tpu.vector_load %arg12[%get3A_518, %get3A_519] {strides = array<i32>} : memref<26x128xi32, #tpu.memory_space<vmem>>, vector<16xi32>,
    %gather3A_521 = tpu.vector_load_idx %arg11[%get3A_520] : memref<26000xf32, #tpu.memory_space<vmem>>[vector<16xi32>], vector<16xf32>,
    %add3A_522 = arith.addf %add3A_516, %gather3A_521 : vector<16xf32>
    %get3A_523 = arith.constant 6 : i32
    %get3A_524 = arith.index_cast %get3A_523 : i32 to index
    %get3A_525 = arith.constant 48 : index
    %get3A_526 = tpu.vector_load %arg12[%get3A_524, %get3A_525] {strides = array<i32>} : memref<26x128xi32, #tpu.memory_space<vmem>>, vector<16xi32>,
    %gather3A_527 = tpu.vector_load_idx %arg11[%get3A_526] : memref<26000xf32, #tpu.memory_space<vmem>>[vector<16xi32>], vector<16xf32>,
    %add3A_528 = arith.addf %add3A_522, %gather3A_527 : vector<16xf32>
    %get3A_529 = arith.constant 7 : i32
    %get3A_530 = arith.index_cast %get3A_529 : i32 to index
    %get3A_531 = arith.constant 48 : index
    %get3A_532 = tpu.vector_load %arg12[%get3A_530, %get3A_531] {strides = array<i32>} : memref<26x128xi32, #tpu.memory_space<vmem>>, vector<16xi32>,
    %gather3A_533 = tpu.vector_load_idx %arg11[%get3A_532] : memref<26000xf32, #tpu.memory_space<vmem>>[vector<16xi32>], vector<16xf32>,
    %add3A_534 = arith.addf %add3A_528, %gather3A_533 : vector<16xf32>
    %get3A_535 = arith.constant 8 : i32
    %get3A_536 = arith.index_cast %get3A_535 : i32 to index
    %get3A_537 = arith.constant 48 : index
    %get3A_538 = tpu.vector_load %arg12[%get3A_536, %get3A_537] {strides = array<i32>} : memref<26x128xi32, #tpu.memory_space<vmem>>, vector<16xi32>,
    %gather3A_539 = tpu.vector_load_idx %arg11[%get3A_538] : memref<26000xf32, #tpu.memory_space<vmem>>[vector<16xi32>], vector<16xf32>,
    %add3A_540 = arith.addf %add3A_534, %gather3A_539 : vector<16xf32>
    %get3A_541 = arith.constant 9 : i32
    %get3A_542 = arith.index_cast %get3A_541 : i32 to index
    %get3A_543 = arith.constant 48 : index
    %get3A_544 = tpu.vector_load %arg12[%get3A_542, %get3A_543] {strides = array<i32>} : memref<26x128xi32, #tpu.memory_space<vmem>>, vector<16xi32>,
    %gather3A_545 = tpu.vector_load_idx %arg11[%get3A_544] : memref<26000xf32, #tpu.memory_space<vmem>>[vector<16xi32>], vector<16xf32>,
    %add3A_546 = arith.addf %add3A_540, %gather3A_545 : vector<16xf32>
    %get3A_547 = arith.constant 10 : i32
    %get3A_548 = arith.index_cast %get3A_547 : i32 to index
    %get3A_549 = arith.constant 48 : index
    %get3A_550 = tpu.vector_load %arg12[%get3A_548, %get3A_549] {strides = array<i32>} : memref<26x128xi32, #tpu.memory_space<vmem>>, vector<16xi32>,
    %gather3A_551 = tpu.vector_load_idx %arg11[%get3A_550] : memref<26000xf32, #tpu.memory_space<vmem>>[vector<16xi32>], vector<16xf32>,
    %add3A_552 = arith.addf %add3A_546, %gather3A_551 : vector<16xf32>
    %get3A_553 = arith.constant 11 : i32
    %get3A_554 = arith.index_cast %get3A_553 : i32 to index
    %get3A_555 = arith.constant 48 : index
    %get3A_556 = tpu.vector_load %arg12[%get3A_554, %get3A_555] {strides = array<i32>} : memref<26x128xi32, #tpu.memory_space<vmem>>, vector<16xi32>,
    %gather3A_557 = tpu.vector_load_idx %arg11[%get3A_556] : memref<26000xf32, #tpu.memory_space<vmem>>[vector<16xi32>], vector<16xf32>,
    %add3A_558 = arith.addf %add3A_552, %gather3A_557 : vector<16xf32>
    %get3A_559 = arith.constant 12 : i32
    %get3A_560 = arith.index_cast %get3A_559 : i32 to index
    %get3A_561 = arith.constant 48 : index
    %get3A_562 = tpu.vector_load %arg12[%get3A_560, %get3A_561] {strides = array<i32>} : memref<26x128xi32, #tpu.memory_space<vmem>>, vector<16xi32>,
    %gather3A_563 = tpu.vector_load_idx %arg11[%get3A_562] : memref<26000xf32, #tpu.memory_space<vmem>>[vector<16xi32>], vector<16xf32>,
    %add3A_564 = arith.addf %add3A_558, %gather3A_563 : vector<16xf32>
    %get3A_565 = arith.constant 13 : i32
    %get3A_566 = arith.index_cast %get3A_565 : i32 to index
    %get3A_567 = arith.constant 48 : index
    %get3A_568 = tpu.vector_load %arg12[%get3A_566, %get3A_567] {strides = array<i32>} : memref<26x128xi32, #tpu.memory_space<vmem>>, vector<16xi32>,
    %gather3A_569 = tpu.vector_load_idx %arg11[%get3A_568] : memref<26000xf32, #tpu.memory_space<vmem>>[vector<16xi32>], vector<16xf32>,
    %add3A_570 = arith.addf %add3A_564, %gather3A_569 : vector<16xf32>
    %get3A_571 = arith.constant 14 : i32
    %get3A_572 = arith.index_cast %get3A_571 : i32 to index
    %get3A_573 = arith.constant 48 : index
    %get3A_574 = tpu.vector_load %arg12[%get3A_572, %get3A_573] {strides = array<i32>} : memref<26x128xi32, #tpu.memory_space<vmem>>, vector<16xi32>,
    %gather3A_575 = tpu.vector_load_idx %arg11[%get3A_574] : memref<26000xf32, #tpu.memory_space<vmem>>[vector<16xi32>], vector<16xf32>,
    %add3A_576 = arith.addf %add3A_570, %gather3A_575 : vector<16xf32>
    %get3A_577 = arith.constant 15 : i32
    %get3A_578 = arith.index_cast %get3A_577 : i32 to index
    %get3A_579 = arith.constant 48 : index
    %get3A_580 = tpu.vector_load %arg12[%get3A_578, %get3A_579] {strides = array<i32>} : memref<26x128xi32, #tpu.memory_space<vmem>>, vector<16xi32>,
    %gather3A_581 = tpu.vector_load_idx %arg11[%get3A_580] : memref<26000xf32, #tpu.memory_space<vmem>>[vector<16xi32>], vector<16xf32>,
    %add3A_582 = arith.addf %add3A_576, %gather3A_581 : vector<16xf32>
    %get3A_583 = arith.constant 16 : i32
    %get3A_584 = arith.index_cast %get3A_583 : i32 to index
    %get3A_585 = arith.constant 48 : index
    %get3A_586 = tpu.vector_load %arg12[%get3A_584, %get3A_585] {strides = array<i32>} : memref<26x128xi32, #tpu.memory_space<vmem>>, vector<16xi32>,
    %gather3A_587 = tpu.vector_load_idx %arg11[%get3A_586] : memref<26000xf32, #tpu.memory_space<vmem>>[vector<16xi32>], vector<16xf32>,
    %add3A_588 = arith.addf %add3A_582, %gather3A_587 : vector<16xf32>
    %get3A_589 = arith.constant 17 : i32
    %get3A_590 = arith.index_cast %get3A_589 : i32 to index
    %get3A_591 = arith.constant 48 : index
    %get3A_592 = tpu.vector_load %arg12[%get3A_590, %get3A_591] {strides = array<i32>} : memref<26x128xi32, #tpu.memory_space<vmem>>, vector<16xi32>,
    %gather3A_593 = tpu.vector_load_idx %arg11[%get3A_592] : memref<26000xf32, #tpu.memory_space<vmem>>[vector<16xi32>], vector<16xf32>,
    %add3A_594 = arith.addf %add3A_588, %gather3A_593 : vector<16xf32>
    %get3A_595 = arith.constant 18 : i32
    %get3A_596 = arith.index_cast %get3A_595 : i32 to index
    %get3A_597 = arith.constant 48 : index
    %get3A_598 = tpu.vector_load %arg12[%get3A_596, %get3A_597] {strides = array<i32>} : memref<26x128xi32, #tpu.memory_space<vmem>>, vector<16xi32>,
    %gather3A_599 = tpu.vector_load_idx %arg11[%get3A_598] : memref<26000xf32, #tpu.memory_space<vmem>>[vector<16xi32>], vector<16xf32>,
    %add3A_600 = arith.addf %add3A_594, %gather3A_599 : vector<16xf32>
    %get3A_601 = arith.constant 19 : i32
    %get3A_602 = arith.index_cast %get3A_601 : i32 to index
    %get3A_603 = arith.constant 48 : index
    %get3A_604 = tpu.vector_load %arg12[%get3A_602, %get3A_603] {strides = array<i32>} : memref<26x128xi32, #tpu.memory_space<vmem>>, vector<16xi32>,
    %gather3A_605 = tpu.vector_load_idx %arg11[%get3A_604] : memref<26000xf32, #tpu.memory_space<vmem>>[vector<16xi32>], vector<16xf32>,
    %add3A_606 = arith.addf %add3A_600, %gather3A_605 : vector<16xf32>
    %get3A_607 = arith.constant 20 : i32
    %get3A_608 = arith.index_cast %get3A_607 : i32 to index
    %get3A_609 = arith.constant 48 : index
    %get3A_610 = tpu.vector_load %arg12[%get3A_608, %get3A_609] {strides = array<i32>} : memref<26x128xi32, #tpu.memory_space<vmem>>, vector<16xi32>,
    %gather3A_611 = tpu.vector_load_idx %arg11[%get3A_610] : memref<26000xf32, #tpu.memory_space<vmem>>[vector<16xi32>], vector<16xf32>,
    %add3A_612 = arith.addf %add3A_606, %gather3A_611 : vector<16xf32>
    %get3A_613 = arith.constant 21 : i32
    %get3A_614 = arith.index_cast %get3A_613 : i32 to index
    %get3A_615 = arith.constant 48 : index
    %get3A_616 = tpu.vector_load %arg12[%get3A_614, %get3A_615] {strides = array<i32>} : memref<26x128xi32, #tpu.memory_space<vmem>>, vector<16xi32>,
    %gather3A_617 = tpu.vector_load_idx %arg11[%get3A_616] : memref<26000xf32, #tpu.memory_space<vmem>>[vector<16xi32>], vector<16xf32>,
    %add3A_618 = arith.addf %add3A_612, %gather3A_617 : vector<16xf32>
    %get3A_619 = arith.constant 22 : i32
    %get3A_620 = arith.index_cast %get3A_619 : i32 to index
    %get3A_621 = arith.constant 48 : index
    %get3A_622 = tpu.vector_load %arg12[%get3A_620, %get3A_621] {strides = array<i32>} : memref<26x128xi32, #tpu.memory_space<vmem>>, vector<16xi32>,
    %gather3A_623 = tpu.vector_load_idx %arg11[%get3A_622] : memref<26000xf32, #tpu.memory_space<vmem>>[vector<16xi32>], vector<16xf32>,
    %add3A_624 = arith.addf %add3A_618, %gather3A_623 : vector<16xf32>
    %get3A_625 = arith.constant 23 : i32
    %get3A_626 = arith.index_cast %get3A_625 : i32 to index
    %get3A_627 = arith.constant 48 : index
    %get3A_628 = tpu.vector_load %arg12[%get3A_626, %get3A_627] {strides = array<i32>} : memref<26x128xi32, #tpu.memory_space<vmem>>, vector<16xi32>,
    %gather3A_629 = tpu.vector_load_idx %arg11[%get3A_628] : memref<26000xf32, #tpu.memory_space<vmem>>[vector<16xi32>], vector<16xf32>,
    %add3A_630 = arith.addf %add3A_624, %gather3A_629 : vector<16xf32>
    %get3A_631 = arith.constant 24 : i32
    %get3A_632 = arith.index_cast %get3A_631 : i32 to index
    %get3A_633 = arith.constant 48 : index
    %get3A_634 = tpu.vector_load %arg12[%get3A_632, %get3A_633] {strides = array<i32>} : memref<26x128xi32, #tpu.memory_space<vmem>>, vector<16xi32>,
    %gather3A_635 = tpu.vector_load_idx %arg11[%get3A_634] : memref<26000xf32, #tpu.memory_space<vmem>>[vector<16xi32>], vector<16xf32>,
    %add3A_636 = arith.addf %add3A_630, %gather3A_635 : vector<16xf32>
    %get3A_637 = arith.constant 25 : i32
    %get3A_638 = arith.index_cast %get3A_637 : i32 to index
    %get3A_639 = arith.constant 48 : index
    %get3A_640 = tpu.vector_load %arg12[%get3A_638, %get3A_639] {strides = array<i32>} : memref<26x128xi32, #tpu.memory_space<vmem>>, vector<16xi32>,
    %gather3A_641 = tpu.vector_load_idx %arg11[%get3A_640] : memref<26000xf32, #tpu.memory_space<vmem>>[vector<16xi32>], vector<16xf32>,
    %add3A_642 = arith.addf %add3A_636, %gather3A_641 : vector<16xf32>
    %swap3A_643 = arith.constant 48 : index
    %swap3A_644 = tpu.vector_load %arg13[%swap3A_643] {strides = array<i32>} : memref<128xf32, #tpu.memory_space<vmem>>, vector<16xf32>,
    tpu.vector_store %arg13[%swap3A_643], %add3A_642 {strides = array<i32>} : memref<128xf32, #tpu.memory_space<vmem>>, vector<16xf32>,
    %broadcast_in_dim3A_645 = arith.constant 0.000000e+00 : f32
    %broadcast_in_dim3A_646 = vector.broadcast %broadcast_in_dim3A_645 : f32 to vector<16xf32>
    %get3A_647 = arith.constant 0 : i32
    %get3A_648 = arith.index_cast %get3A_647 : i32 to index
    %get3A_649 = arith.constant 64 : index
    %get3A_650 = tpu.vector_load %arg12[%get3A_648, %get3A_649] {strides = array<i32>} : memref<26x128xi32, #tpu.memory_space<vmem>>, vector<16xi32>,
    %gather3A_651 = tpu.vector_load_idx %arg11[%get3A_650] : memref<26000xf32, #tpu.memory_space<vmem>>[vector<16xi32>], vector<16xf32>,
    %add3A_652 = arith.addf %broadcast_in_dim3A_646, %gather3A_651 : vector<16xf32>
    %get3A_653 = arith.constant 1 : i32
    %get3A_654 = arith.index_cast %get3A_653 : i32 to index
    %get3A_655 = arith.constant 64 : index
    %get3A_656 = tpu.vector_load %arg12[%get3A_654, %get3A_655] {strides = array<i32>} : memref<26x128xi32, #tpu.memory_space<vmem>>, vector<16xi32>,
    %gather3A_657 = tpu.vector_load_idx %arg11[%get3A_656] : memref<26000xf32, #tpu.memory_space<vmem>>[vector<16xi32>], vector<16xf32>,
    %add3A_658 = arith.addf %add3A_652, %gather3A_657 : vector<16xf32>
    %get3A_659 = arith.constant 2 : i32
    %get3A_660 = arith.index_cast %get3A_659 : i32 to index
    %get3A_661 = arith.constant 64 : index
    %get3A_662 = tpu.vector_load %arg12[%get3A_660, %get3A_661] {strides = array<i32>} : memref<26x128xi32, #tpu.memory_space<vmem>>, vector<16xi32>,
    %gather3A_663 = tpu.vector_load_idx %arg11[%get3A_662] : memref<26000xf32, #tpu.memory_space<vmem>>[vector<16xi32>], vector<16xf32>,
    %add3A_664 = arith.addf %add3A_658, %gather3A_663 : vector<16xf32>
    %get3A_665 = arith.constant 3 : i32
    %get3A_666 = arith.index_cast %get3A_665 : i32 to index
    %get3A_667 = arith.constant 64 : index
    %get3A_668 = tpu.vector_load %arg12[%get3A_666, %get3A_667] {strides = array<i32>} : memref<26x128xi32, #tpu.memory_space<vmem>>, vector<16xi32>,
    %gather3A_669 = tpu.vector_load_idx %arg11[%get3A_668] : memref<26000xf32, #tpu.memory_space<vmem>>[vector<16xi32>], vector<16xf32>,
    %add3A_670 = arith.addf %add3A_664, %gather3A_669 : vector<16xf32>
    %get3A_671 = arith.constant 4 : i32
    %get3A_672 = arith.index_cast %get3A_671 : i32 to index
    %get3A_673 = arith.constant 64 : index
    %get3A_674 = tpu.vector_load %arg12[%get3A_672, %get3A_673] {strides = array<i32>} : memref<26x128xi32, #tpu.memory_space<vmem>>, vector<16xi32>,
    %gather3A_675 = tpu.vector_load_idx %arg11[%get3A_674] : memref<26000xf32, #tpu.memory_space<vmem>>[vector<16xi32>], vector<16xf32>,
    %add3A_676 = arith.addf %add3A_670, %gather3A_675 : vector<16xf32>
    %get3A_677 = arith.constant 5 : i32
    %get3A_678 = arith.index_cast %get3A_677 : i32 to index
    %get3A_679 = arith.constant 64 : index
    %get3A_680 = tpu.vector_load %arg12[%get3A_678, %get3A_679] {strides = array<i32>} : memref<26x128xi32, #tpu.memory_space<vmem>>, vector<16xi32>,
    %gather3A_681 = tpu.vector_load_idx %arg11[%get3A_680] : memref<26000xf32, #tpu.memory_space<vmem>>[vector<16xi32>], vector<16xf32>,
    %add3A_682 = arith.addf %add3A_676, %gather3A_681 : vector<16xf32>
    %get3A_683 = arith.constant 6 : i32
    %get3A_684 = arith.index_cast %get3A_683 : i32 to index
    %get3A_685 = arith.constant 64 : index
    %get3A_686 = tpu.vector_load %arg12[%get3A_684, %get3A_685] {strides = array<i32>} : memref<26x128xi32, #tpu.memory_space<vmem>>, vector<16xi32>,
    %gather3A_687 = tpu.vector_load_idx %arg11[%get3A_686] : memref<26000xf32, #tpu.memory_space<vmem>>[vector<16xi32>], vector<16xf32>,
    %add3A_688 = arith.addf %add3A_682, %gather3A_687 : vector<16xf32>
    %get3A_689 = arith.constant 7 : i32
    %get3A_690 = arith.index_cast %get3A_689 : i32 to index
    %get3A_691 = arith.constant 64 : index
    %get3A_692 = tpu.vector_load %arg12[%get3A_690, %get3A_691] {strides = array<i32>} : memref<26x128xi32, #tpu.memory_space<vmem>>, vector<16xi32>,
    %gather3A_693 = tpu.vector_load_idx %arg11[%get3A_692] : memref<26000xf32, #tpu.memory_space<vmem>>[vector<16xi32>], vector<16xf32>,
    %add3A_694 = arith.addf %add3A_688, %gather3A_693 : vector<16xf32>
    %get3A_695 = arith.constant 8 : i32
    %get3A_696 = arith.index_cast %get3A_695 : i32 to index
    %get3A_697 = arith.constant 64 : index
    %get3A_698 = tpu.vector_load %arg12[%get3A_696, %get3A_697] {strides = array<i32>} : memref<26x128xi32, #tpu.memory_space<vmem>>, vector<16xi32>,
    %gather3A_699 = tpu.vector_load_idx %arg11[%get3A_698] : memref<26000xf32, #tpu.memory_space<vmem>>[vector<16xi32>], vector<16xf32>,
    %add3A_700 = arith.addf %add3A_694, %gather3A_699 : vector<16xf32>
    %get3A_701 = arith.constant 9 : i32
    %get3A_702 = arith.index_cast %get3A_701 : i32 to index
    %get3A_703 = arith.constant 64 : index
    %get3A_704 = tpu.vector_load %arg12[%get3A_702, %get3A_703] {strides = array<i32>} : memref<26x128xi32, #tpu.memory_space<vmem>>, vector<16xi32>,
    %gather3A_705 = tpu.vector_load_idx %arg11[%get3A_704] : memref<26000xf32, #tpu.memory_space<vmem>>[vector<16xi32>], vector<16xf32>,
    %add3A_706 = arith.addf %add3A_700, %gather3A_705 : vector<16xf32>
    %get3A_707 = arith.constant 10 : i32
    %get3A_708 = arith.index_cast %get3A_707 : i32 to index
    %get3A_709 = arith.constant 64 : index
    %get3A_710 = tpu.vector_load %arg12[%get3A_708, %get3A_709] {strides = array<i32>} : memref<26x128xi32, #tpu.memory_space<vmem>>, vector<16xi32>,
    %gather3A_711 = tpu.vector_load_idx %arg11[%get3A_710] : memref<26000xf32, #tpu.memory_space<vmem>>[vector<16xi32>], vector<16xf32>,
    %add3A_712 = arith.addf %add3A_706, %gather3A_711 : vector<16xf32>
    %get3A_713 = arith.constant 11 : i32
    %get3A_714 = arith.index_cast %get3A_713 : i32 to index
    %get3A_715 = arith.constant 64 : index
    %get3A_716 = tpu.vector_load %arg12[%get3A_714, %get3A_715] {strides = array<i32>} : memref<26x128xi32, #tpu.memory_space<vmem>>, vector<16xi32>,
    %gather3A_717 = tpu.vector_load_idx %arg11[%get3A_716] : memref<26000xf32, #tpu.memory_space<vmem>>[vector<16xi32>], vector<16xf32>,
    %add3A_718 = arith.addf %add3A_712, %gather3A_717 : vector<16xf32>
    %get3A_719 = arith.constant 12 : i32
    %get3A_720 = arith.index_cast %get3A_719 : i32 to index
    %get3A_721 = arith.constant 64 : index
    %get3A_722 = tpu.vector_load %arg12[%get3A_720, %get3A_721] {strides = array<i32>} : memref<26x128xi32, #tpu.memory_space<vmem>>, vector<16xi32>,
    %gather3A_723 = tpu.vector_load_idx %arg11[%get3A_722] : memref<26000xf32, #tpu.memory_space<vmem>>[vector<16xi32>], vector<16xf32>,
    %add3A_724 = arith.addf %add3A_718, %gather3A_723 : vector<16xf32>
    %get3A_725 = arith.constant 13 : i32
    %get3A_726 = arith.index_cast %get3A_725 : i32 to index
    %get3A_727 = arith.constant 64 : index
    %get3A_728 = tpu.vector_load %arg12[%get3A_726, %get3A_727] {strides = array<i32>} : memref<26x128xi32, #tpu.memory_space<vmem>>, vector<16xi32>,
    %gather3A_729 = tpu.vector_load_idx %arg11[%get3A_728] : memref<26000xf32, #tpu.memory_space<vmem>>[vector<16xi32>], vector<16xf32>,
    %add3A_730 = arith.addf %add3A_724, %gather3A_729 : vector<16xf32>
    %get3A_731 = arith.constant 14 : i32
    %get3A_732 = arith.index_cast %get3A_731 : i32 to index
    %get3A_733 = arith.constant 64 : index
    %get3A_734 = tpu.vector_load %arg12[%get3A_732, %get3A_733] {strides = array<i32>} : memref<26x128xi32, #tpu.memory_space<vmem>>, vector<16xi32>,
    %gather3A_735 = tpu.vector_load_idx %arg11[%get3A_734] : memref<26000xf32, #tpu.memory_space<vmem>>[vector<16xi32>], vector<16xf32>,
    %add3A_736 = arith.addf %add3A_730, %gather3A_735 : vector<16xf32>
    %get3A_737 = arith.constant 15 : i32
    %get3A_738 = arith.index_cast %get3A_737 : i32 to index
    %get3A_739 = arith.constant 64 : index
    %get3A_740 = tpu.vector_load %arg12[%get3A_738, %get3A_739] {strides = array<i32>} : memref<26x128xi32, #tpu.memory_space<vmem>>, vector<16xi32>,
    %gather3A_741 = tpu.vector_load_idx %arg11[%get3A_740] : memref<26000xf32, #tpu.memory_space<vmem>>[vector<16xi32>], vector<16xf32>,
    %add3A_742 = arith.addf %add3A_736, %gather3A_741 : vector<16xf32>
    %get3A_743 = arith.constant 16 : i32
    %get3A_744 = arith.index_cast %get3A_743 : i32 to index
    %get3A_745 = arith.constant 64 : index
    %get3A_746 = tpu.vector_load %arg12[%get3A_744, %get3A_745] {strides = array<i32>} : memref<26x128xi32, #tpu.memory_space<vmem>>, vector<16xi32>,
    %gather3A_747 = tpu.vector_load_idx %arg11[%get3A_746] : memref<26000xf32, #tpu.memory_space<vmem>>[vector<16xi32>], vector<16xf32>,
    %add3A_748 = arith.addf %add3A_742, %gather3A_747 : vector<16xf32>
    %get3A_749 = arith.constant 17 : i32
    %get3A_750 = arith.index_cast %get3A_749 : i32 to index
    %get3A_751 = arith.constant 64 : index
    %get3A_752 = tpu.vector_load %arg12[%get3A_750, %get3A_751] {strides = array<i32>} : memref<26x128xi32, #tpu.memory_space<vmem>>, vector<16xi32>,
    %gather3A_753 = tpu.vector_load_idx %arg11[%get3A_752] : memref<26000xf32, #tpu.memory_space<vmem>>[vector<16xi32>], vector<16xf32>,
    %add3A_754 = arith.addf %add3A_748, %gather3A_753 : vector<16xf32>
    %get3A_755 = arith.constant 18 : i32
    %get3A_756 = arith.index_cast %get3A_755 : i32 to index
    %get3A_757 = arith.constant 64 : index
    %get3A_758 = tpu.vector_load %arg12[%get3A_756, %get3A_757] {strides = array<i32>} : memref<26x128xi32, #tpu.memory_space<vmem>>, vector<16xi32>,
    %gather3A_759 = tpu.vector_load_idx %arg11[%get3A_758] : memref<26000xf32, #tpu.memory_space<vmem>>[vector<16xi32>], vector<16xf32>,
    %add3A_760 = arith.addf %add3A_754, %gather3A_759 : vector<16xf32>
    %get3A_761 = arith.constant 19 : i32
    %get3A_762 = arith.index_cast %get3A_761 : i32 to index
    %get3A_763 = arith.constant 64 : index
    %get3A_764 = tpu.vector_load %arg12[%get3A_762, %get3A_763] {strides = array<i32>} : memref<26x128xi32, #tpu.memory_space<vmem>>, vector<16xi32>,
    %gather3A_765 = tpu.vector_load_idx %arg11[%get3A_764] : memref<26000xf32, #tpu.memory_space<vmem>>[vector<16xi32>], vector<16xf32>,
    %add3A_766 = arith.addf %add3A_760, %gather3A_765 : vector<16xf32>
    %get3A_767 = arith.constant 20 : i32
    %get3A_768 = arith.index_cast %get3A_767 : i32 to index
    %get3A_769 = arith.constant 64 : index
    %get3A_770 = tpu.vector_load %arg12[%get3A_768, %get3A_769] {strides = array<i32>} : memref<26x128xi32, #tpu.memory_space<vmem>>, vector<16xi32>,
    %gather3A_771 = tpu.vector_load_idx %arg11[%get3A_770] : memref<26000xf32, #tpu.memory_space<vmem>>[vector<16xi32>], vector<16xf32>,
    %add3A_772 = arith.addf %add3A_766, %gather3A_771 : vector<16xf32>
    %get3A_773 = arith.constant 21 : i32
    %get3A_774 = arith.index_cast %get3A_773 : i32 to index
    %get3A_775 = arith.constant 64 : index
    %get3A_776 = tpu.vector_load %arg12[%get3A_774, %get3A_775] {strides = array<i32>} : memref<26x128xi32, #tpu.memory_space<vmem>>, vector<16xi32>,
    %gather3A_777 = tpu.vector_load_idx %arg11[%get3A_776] : memref<26000xf32, #tpu.memory_space<vmem>>[vector<16xi32>], vector<16xf32>,
    %add3A_778 = arith.addf %add3A_772, %gather3A_777 : vector<16xf32>
    %get3A_779 = arith.constant 22 : i32
    %get3A_780 = arith.index_cast %get3A_779 : i32 to index
    %get3A_781 = arith.constant 64 : index
    %get3A_782 = tpu.vector_load %arg12[%get3A_780, %get3A_781] {strides = array<i32>} : memref<26x128xi32, #tpu.memory_space<vmem>>, vector<16xi32>,
    %gather3A_783 = tpu.vector_load_idx %arg11[%get3A_782] : memref<26000xf32, #tpu.memory_space<vmem>>[vector<16xi32>], vector<16xf32>,
    %add3A_784 = arith.addf %add3A_778, %gather3A_783 : vector<16xf32>
    %get3A_785 = arith.constant 23 : i32
    %get3A_786 = arith.index_cast %get3A_785 : i32 to index
    %get3A_787 = arith.constant 64 : index
    %get3A_788 = tpu.vector_load %arg12[%get3A_786, %get3A_787] {strides = array<i32>} : memref<26x128xi32, #tpu.memory_space<vmem>>, vector<16xi32>,
    %gather3A_789 = tpu.vector_load_idx %arg11[%get3A_788] : memref<26000xf32, #tpu.memory_space<vmem>>[vector<16xi32>], vector<16xf32>,
    %add3A_790 = arith.addf %add3A_784, %gather3A_789 : vector<16xf32>
    %get3A_791 = arith.constant 24 : i32
    %get3A_792 = arith.index_cast %get3A_791 : i32 to index
    %get3A_793 = arith.constant 64 : index
    %get3A_794 = tpu.vector_load %arg12[%get3A_792, %get3A_793] {strides = array<i32>} : memref<26x128xi32, #tpu.memory_space<vmem>>, vector<16xi32>,
    %gather3A_795 = tpu.vector_load_idx %arg11[%get3A_794] : memref<26000xf32, #tpu.memory_space<vmem>>[vector<16xi32>], vector<16xf32>,
    %add3A_796 = arith.addf %add3A_790, %gather3A_795 : vector<16xf32>
    %get3A_797 = arith.constant 25 : i32
    %get3A_798 = arith.index_cast %get3A_797 : i32 to index
    %get3A_799 = arith.constant 64 : index
    %get3A_800 = tpu.vector_load %arg12[%get3A_798, %get3A_799] {strides = array<i32>} : memref<26x128xi32, #tpu.memory_space<vmem>>, vector<16xi32>,
    %gather3A_801 = tpu.vector_load_idx %arg11[%get3A_800] : memref<26000xf32, #tpu.memory_space<vmem>>[vector<16xi32>], vector<16xf32>,
    %add3A_802 = arith.addf %add3A_796, %gather3A_801 : vector<16xf32>
    %swap3A_803 = arith.constant 64 : index
    %swap3A_804 = tpu.vector_load %arg13[%swap3A_803] {strides = array<i32>} : memref<128xf32, #tpu.memory_space<vmem>>, vector<16xf32>,
    tpu.vector_store %arg13[%swap3A_803], %add3A_802 {strides = array<i32>} : memref<128xf32, #tpu.memory_space<vmem>>, vector<16xf32>,
    %broadcast_in_dim3A_805 = arith.constant 0.000000e+00 : f32
    %broadcast_in_dim3A_806 = vector.broadcast %broadcast_in_dim3A_805 : f32 to vector<16xf32>
    %get3A_807 = arith.constant 0 : i32
    %get3A_808 = arith.index_cast %get3A_807 : i32 to index
    %get3A_809 = arith.constant 80 : index
    %get3A_810 = tpu.vector_load %arg12[%get3A_808, %get3A_809] {strides = array<i32>} : memref<26x128xi32, #tpu.memory_space<vmem>>, vector<16xi32>,
    %gather3A_811 = tpu.vector_load_idx %arg11[%get3A_810] : memref<26000xf32, #tpu.memory_space<vmem>>[vector<16xi32>], vector<16xf32>,
    %add3A_812 = arith.addf %broadcast_in_dim3A_806, %gather3A_811 : vector<16xf32>
    %get3A_813 = arith.constant 1 : i32
    %get3A_814 = arith.index_cast %get3A_813 : i32 to index
    %get3A_815 = arith.constant 80 : index
    %get3A_816 = tpu.vector_load %arg12[%get3A_814, %get3A_815] {strides = array<i32>} : memref<26x128xi32, #tpu.memory_space<vmem>>, vector<16xi32>,
    %gather3A_817 = tpu.vector_load_idx %arg11[%get3A_816] : memref<26000xf32, #tpu.memory_space<vmem>>[vector<16xi32>], vector<16xf32>,
    %add3A_818 = arith.addf %add3A_812, %gather3A_817 : vector<16xf32>
    %get3A_819 = arith.constant 2 : i32
    %get3A_820 = arith.index_cast %get3A_819 : i32 to index
    %get3A_821 = arith.constant 80 : index
    %get3A_822 = tpu.vector_load %arg12[%get3A_820, %get3A_821] {strides = array<i32>} : memref<26x128xi32, #tpu.memory_space<vmem>>, vector<16xi32>,
    %gather3A_823 = tpu.vector_load_idx %arg11[%get3A_822] : memref<26000xf32, #tpu.memory_space<vmem>>[vector<16xi32>], vector<16xf32>,
    %add3A_824 = arith.addf %add3A_818, %gather3A_823 : vector<16xf32>
    %get3A_825 = arith.constant 3 : i32
    %get3A_826 = arith.index_cast %get3A_825 : i32 to index
    %get3A_827 = arith.constant 80 : index
    %get3A_828 = tpu.vector_load %arg12[%get3A_826, %get3A_827] {strides = array<i32>} : memref<26x128xi32, #tpu.memory_space<vmem>>, vector<16xi32>,
    %gather3A_829 = tpu.vector_load_idx %arg11[%get3A_828] : memref<26000xf32, #tpu.memory_space<vmem>>[vector<16xi32>], vector<16xf32>,
    %add3A_830 = arith.addf %add3A_824, %gather3A_829 : vector<16xf32>
    %get3A_831 = arith.constant 4 : i32
    %get3A_832 = arith.index_cast %get3A_831 : i32 to index
    %get3A_833 = arith.constant 80 : index
    %get3A_834 = tpu.vector_load %arg12[%get3A_832, %get3A_833] {strides = array<i32>} : memref<26x128xi32, #tpu.memory_space<vmem>>, vector<16xi32>,
    %gather3A_835 = tpu.vector_load_idx %arg11[%get3A_834] : memref<26000xf32, #tpu.memory_space<vmem>>[vector<16xi32>], vector<16xf32>,
    %add3A_836 = arith.addf %add3A_830, %gather3A_835 : vector<16xf32>
    %get3A_837 = arith.constant 5 : i32
    %get3A_838 = arith.index_cast %get3A_837 : i32 to index
    %get3A_839 = arith.constant 80 : index
    %get3A_840 = tpu.vector_load %arg12[%get3A_838, %get3A_839] {strides = array<i32>} : memref<26x128xi32, #tpu.memory_space<vmem>>, vector<16xi32>,
    %gather3A_841 = tpu.vector_load_idx %arg11[%get3A_840] : memref<26000xf32, #tpu.memory_space<vmem>>[vector<16xi32>], vector<16xf32>,
    %add3A_842 = arith.addf %add3A_836, %gather3A_841 : vector<16xf32>
    %get3A_843 = arith.constant 6 : i32
    %get3A_844 = arith.index_cast %get3A_843 : i32 to index
    %get3A_845 = arith.constant 80 : index
    %get3A_846 = tpu.vector_load %arg12[%get3A_844, %get3A_845] {strides = array<i32>} : memref<26x128xi32, #tpu.memory_space<vmem>>, vector<16xi32>,
    %gather3A_847 = tpu.vector_load_idx %arg11[%get3A_846] : memref<26000xf32, #tpu.memory_space<vmem>>[vector<16xi32>], vector<16xf32>,
    %add3A_848 = arith.addf %add3A_842, %gather3A_847 : vector<16xf32>
    %get3A_849 = arith.constant 7 : i32
    %get3A_850 = arith.index_cast %get3A_849 : i32 to index
    %get3A_851 = arith.constant 80 : index
    %get3A_852 = tpu.vector_load %arg12[%get3A_850, %get3A_851] {strides = array<i32>} : memref<26x128xi32, #tpu.memory_space<vmem>>, vector<16xi32>,
    %gather3A_853 = tpu.vector_load_idx %arg11[%get3A_852] : memref<26000xf32, #tpu.memory_space<vmem>>[vector<16xi32>], vector<16xf32>,
    %add3A_854 = arith.addf %add3A_848, %gather3A_853 : vector<16xf32>
    %get3A_855 = arith.constant 8 : i32
    %get3A_856 = arith.index_cast %get3A_855 : i32 to index
    %get3A_857 = arith.constant 80 : index
    %get3A_858 = tpu.vector_load %arg12[%get3A_856, %get3A_857] {strides = array<i32>} : memref<26x128xi32, #tpu.memory_space<vmem>>, vector<16xi32>,
    %gather3A_859 = tpu.vector_load_idx %arg11[%get3A_858] : memref<26000xf32, #tpu.memory_space<vmem>>[vector<16xi32>], vector<16xf32>,
    %add3A_860 = arith.addf %add3A_854, %gather3A_859 : vector<16xf32>
    %get3A_861 = arith.constant 9 : i32
    %get3A_862 = arith.index_cast %get3A_861 : i32 to index
    %get3A_863 = arith.constant 80 : index
    %get3A_864 = tpu.vector_load %arg12[%get3A_862, %get3A_863] {strides = array<i32>} : memref<26x128xi32, #tpu.memory_space<vmem>>, vector<16xi32>,
    %gather3A_865 = tpu.vector_load_idx %arg11[%get3A_864] : memref<26000xf32, #tpu.memory_space<vmem>>[vector<16xi32>], vector<16xf32>,
    %add3A_866 = arith.addf %add3A_860, %gather3A_865 : vector<16xf32>
    %get3A_867 = arith.constant 10 : i32
    %get3A_868 = arith.index_cast %get3A_867 : i32 to index
    %get3A_869 = arith.constant 80 : index
    %get3A_870 = tpu.vector_load %arg12[%get3A_868, %get3A_869] {strides = array<i32>} : memref<26x128xi32, #tpu.memory_space<vmem>>, vector<16xi32>,
    %gather3A_871 = tpu.vector_load_idx %arg11[%get3A_870] : memref<26000xf32, #tpu.memory_space<vmem>>[vector<16xi32>], vector<16xf32>,
    %add3A_872 = arith.addf %add3A_866, %gather3A_871 : vector<16xf32>
    %get3A_873 = arith.constant 11 : i32
    %get3A_874 = arith.index_cast %get3A_873 : i32 to index
    %get3A_875 = arith.constant 80 : index
    %get3A_876 = tpu.vector_load %arg12[%get3A_874, %get3A_875] {strides = array<i32>} : memref<26x128xi32, #tpu.memory_space<vmem>>, vector<16xi32>,
    %gather3A_877 = tpu.vector_load_idx %arg11[%get3A_876] : memref<26000xf32, #tpu.memory_space<vmem>>[vector<16xi32>], vector<16xf32>,
    %add3A_878 = arith.addf %add3A_872, %gather3A_877 : vector<16xf32>
    %get3A_879 = arith.constant 12 : i32
    %get3A_880 = arith.index_cast %get3A_879 : i32 to index
    %get3A_881 = arith.constant 80 : index
    %get3A_882 = tpu.vector_load %arg12[%get3A_880, %get3A_881] {strides = array<i32>} : memref<26x128xi32, #tpu.memory_space<vmem>>, vector<16xi32>,
    %gather3A_883 = tpu.vector_load_idx %arg11[%get3A_882] : memref<26000xf32, #tpu.memory_space<vmem>>[vector<16xi32>], vector<16xf32>,
    %add3A_884 = arith.addf %add3A_878, %gather3A_883 : vector<16xf32>
    %get3A_885 = arith.constant 13 : i32
    %get3A_886 = arith.index_cast %get3A_885 : i32 to index
    %get3A_887 = arith.constant 80 : index
    %get3A_888 = tpu.vector_load %arg12[%get3A_886, %get3A_887] {strides = array<i32>} : memref<26x128xi32, #tpu.memory_space<vmem>>, vector<16xi32>,
    %gather3A_889 = tpu.vector_load_idx %arg11[%get3A_888] : memref<26000xf32, #tpu.memory_space<vmem>>[vector<16xi32>], vector<16xf32>,
    %add3A_890 = arith.addf %add3A_884, %gather3A_889 : vector<16xf32>
    %get3A_891 = arith.constant 14 : i32
    %get3A_892 = arith.index_cast %get3A_891 : i32 to index
    %get3A_893 = arith.constant 80 : index
    %get3A_894 = tpu.vector_load %arg12[%get3A_892, %get3A_893] {strides = array<i32>} : memref<26x128xi32, #tpu.memory_space<vmem>>, vector<16xi32>,
    %gather3A_895 = tpu.vector_load_idx %arg11[%get3A_894] : memref<26000xf32, #tpu.memory_space<vmem>>[vector<16xi32>], vector<16xf32>,
    %add3A_896 = arith.addf %add3A_890, %gather3A_895 : vector<16xf32>
    %get3A_897 = arith.constant 15 : i32
    %get3A_898 = arith.index_cast %get3A_897 : i32 to index
    %get3A_899 = arith.constant 80 : index
    %get3A_900 = tpu.vector_load %arg12[%get3A_898, %get3A_899] {strides = array<i32>} : memref<26x128xi32, #tpu.memory_space<vmem>>, vector<16xi32>,
    %gather3A_901 = tpu.vector_load_idx %arg11[%get3A_900] : memref<26000xf32, #tpu.memory_space<vmem>>[vector<16xi32>], vector<16xf32>,
    %add3A_902 = arith.addf %add3A_896, %gather3A_901 : vector<16xf32>
    %get3A_903 = arith.constant 16 : i32
    %get3A_904 = arith.index_cast %get3A_903 : i32 to index
    %get3A_905 = arith.constant 80 : index
    %get3A_906 = tpu.vector_load %arg12[%get3A_904, %get3A_905] {strides = array<i32>} : memref<26x128xi32, #tpu.memory_space<vmem>>, vector<16xi32>,
    %gather3A_907 = tpu.vector_load_idx %arg11[%get3A_906] : memref<26000xf32, #tpu.memory_space<vmem>>[vector<16xi32>], vector<16xf32>,
    %add3A_908 = arith.addf %add3A_902, %gather3A_907 : vector<16xf32>
    %get3A_909 = arith.constant 17 : i32
    %get3A_910 = arith.index_cast %get3A_909 : i32 to index
    %get3A_911 = arith.constant 80 : index
    %get3A_912 = tpu.vector_load %arg12[%get3A_910, %get3A_911] {strides = array<i32>} : memref<26x128xi32, #tpu.memory_space<vmem>>, vector<16xi32>,
    %gather3A_913 = tpu.vector_load_idx %arg11[%get3A_912] : memref<26000xf32, #tpu.memory_space<vmem>>[vector<16xi32>], vector<16xf32>,
    %add3A_914 = arith.addf %add3A_908, %gather3A_913 : vector<16xf32>
    %get3A_915 = arith.constant 18 : i32
    %get3A_916 = arith.index_cast %get3A_915 : i32 to index
    %get3A_917 = arith.constant 80 : index
    %get3A_918 = tpu.vector_load %arg12[%get3A_916, %get3A_917] {strides = array<i32>} : memref<26x128xi32, #tpu.memory_space<vmem>>, vector<16xi32>,
    %gather3A_919 = tpu.vector_load_idx %arg11[%get3A_918] : memref<26000xf32, #tpu.memory_space<vmem>>[vector<16xi32>], vector<16xf32>,
    %add3A_920 = arith.addf %add3A_914, %gather3A_919 : vector<16xf32>
    %get3A_921 = arith.constant 19 : i32
    %get3A_922 = arith.index_cast %get3A_921 : i32 to index
    %get3A_923 = arith.constant 80 : index
    %get3A_924 = tpu.vector_load %arg12[%get3A_922, %get3A_923] {strides = array<i32>} : memref<26x128xi32, #tpu.memory_space<vmem>>, vector<16xi32>,
    %gather3A_925 = tpu.vector_load_idx %arg11[%get3A_924] : memref<26000xf32, #tpu.memory_space<vmem>>[vector<16xi32>], vector<16xf32>,
    %add3A_926 = arith.addf %add3A_920, %gather3A_925 : vector<16xf32>
    %get3A_927 = arith.constant 20 : i32
    %get3A_928 = arith.index_cast %get3A_927 : i32 to index
    %get3A_929 = arith.constant 80 : index
    %get3A_930 = tpu.vector_load %arg12[%get3A_928, %get3A_929] {strides = array<i32>} : memref<26x128xi32, #tpu.memory_space<vmem>>, vector<16xi32>,
    %gather3A_931 = tpu.vector_load_idx %arg11[%get3A_930] : memref<26000xf32, #tpu.memory_space<vmem>>[vector<16xi32>], vector<16xf32>,
    %add3A_932 = arith.addf %add3A_926, %gather3A_931 : vector<16xf32>
    %get3A_933 = arith.constant 21 : i32
    %get3A_934 = arith.index_cast %get3A_933 : i32 to index
    %get3A_935 = arith.constant 80 : index
    %get3A_936 = tpu.vector_load %arg12[%get3A_934, %get3A_935] {strides = array<i32>} : memref<26x128xi32, #tpu.memory_space<vmem>>, vector<16xi32>,
    %gather3A_937 = tpu.vector_load_idx %arg11[%get3A_936] : memref<26000xf32, #tpu.memory_space<vmem>>[vector<16xi32>], vector<16xf32>,
    %add3A_938 = arith.addf %add3A_932, %gather3A_937 : vector<16xf32>
    %get3A_939 = arith.constant 22 : i32
    %get3A_940 = arith.index_cast %get3A_939 : i32 to index
    %get3A_941 = arith.constant 80 : index
    %get3A_942 = tpu.vector_load %arg12[%get3A_940, %get3A_941] {strides = array<i32>} : memref<26x128xi32, #tpu.memory_space<vmem>>, vector<16xi32>,
    %gather3A_943 = tpu.vector_load_idx %arg11[%get3A_942] : memref<26000xf32, #tpu.memory_space<vmem>>[vector<16xi32>], vector<16xf32>,
    %add3A_944 = arith.addf %add3A_938, %gather3A_943 : vector<16xf32>
    %get3A_945 = arith.constant 23 : i32
    %get3A_946 = arith.index_cast %get3A_945 : i32 to index
    %get3A_947 = arith.constant 80 : index
    %get3A_948 = tpu.vector_load %arg12[%get3A_946, %get3A_947] {strides = array<i32>} : memref<26x128xi32, #tpu.memory_space<vmem>>, vector<16xi32>,
    %gather3A_949 = tpu.vector_load_idx %arg11[%get3A_948] : memref<26000xf32, #tpu.memory_space<vmem>>[vector<16xi32>], vector<16xf32>,
    %add3A_950 = arith.addf %add3A_944, %gather3A_949 : vector<16xf32>
    %get3A_951 = arith.constant 24 : i32
    %get3A_952 = arith.index_cast %get3A_951 : i32 to index
    %get3A_953 = arith.constant 80 : index
    %get3A_954 = tpu.vector_load %arg12[%get3A_952, %get3A_953] {strides = array<i32>} : memref<26x128xi32, #tpu.memory_space<vmem>>, vector<16xi32>,
    %gather3A_955 = tpu.vector_load_idx %arg11[%get3A_954] : memref<26000xf32, #tpu.memory_space<vmem>>[vector<16xi32>], vector<16xf32>,
    %add3A_956 = arith.addf %add3A_950, %gather3A_955 : vector<16xf32>
    %get3A_957 = arith.constant 25 : i32
    %get3A_958 = arith.index_cast %get3A_957 : i32 to index
    %get3A_959 = arith.constant 80 : index
    %get3A_960 = tpu.vector_load %arg12[%get3A_958, %get3A_959] {strides = array<i32>} : memref<26x128xi32, #tpu.memory_space<vmem>>, vector<16xi32>,
    %gather3A_961 = tpu.vector_load_idx %arg11[%get3A_960] : memref<26000xf32, #tpu.memory_space<vmem>>[vector<16xi32>], vector<16xf32>,
    %add3A_962 = arith.addf %add3A_956, %gather3A_961 : vector<16xf32>
    %swap3A_963 = arith.constant 80 : index
    %swap3A_964 = tpu.vector_load %arg13[%swap3A_963] {strides = array<i32>} : memref<128xf32, #tpu.memory_space<vmem>>, vector<16xf32>,
    tpu.vector_store %arg13[%swap3A_963], %add3A_962 {strides = array<i32>} : memref<128xf32, #tpu.memory_space<vmem>>, vector<16xf32>,
    %broadcast_in_dim3A_965 = arith.constant 0.000000e+00 : f32
    %broadcast_in_dim3A_966 = vector.broadcast %broadcast_in_dim3A_965 : f32 to vector<16xf32>
    %get3A_967 = arith.constant 0 : i32
    %get3A_968 = arith.index_cast %get3A_967 : i32 to index
    %get3A_969 = arith.constant 96 : index
    %get3A_970 = tpu.vector_load %arg12[%get3A_968, %get3A_969] {strides = array<i32>} : memref<26x128xi32, #tpu.memory_space<vmem>>, vector<16xi32>,
    %gather3A_971 = tpu.vector_load_idx %arg11[%get3A_970] : memref<26000xf32, #tpu.memory_space<vmem>>[vector<16xi32>], vector<16xf32>,
    %add3A_972 = arith.addf %broadcast_in_dim3A_966, %gather3A_971 : vector<16xf32>
    %get3A_973 = arith.constant 1 : i32
    %get3A_974 = arith.index_cast %get3A_973 : i32 to index
    %get3A_975 = arith.constant 96 : index
    %get3A_976 = tpu.vector_load %arg12[%get3A_974, %get3A_975] {strides = array<i32>} : memref<26x128xi32, #tpu.memory_space<vmem>>, vector<16xi32>,
    %gather3A_977 = tpu.vector_load_idx %arg11[%get3A_976] : memref<26000xf32, #tpu.memory_space<vmem>>[vector<16xi32>], vector<16xf32>,
    %add3A_978 = arith.addf %add3A_972, %gather3A_977 : vector<16xf32>
    %get3A_979 = arith.constant 2 : i32
    %get3A_980 = arith.index_cast %get3A_979 : i32 to index
    %get3A_981 = arith.constant 96 : index
    %get3A_982 = tpu.vector_load %arg12[%get3A_980, %get3A_981] {strides = array<i32>} : memref<26x128xi32, #tpu.memory_space<vmem>>, vector<16xi32>,
    %gather3A_983 = tpu.vector_load_idx %arg11[%get3A_982] : memref<26000xf32, #tpu.memory_space<vmem>>[vector<16xi32>], vector<16xf32>,
    %add3A_984 = arith.addf %add3A_978, %gather3A_983 : vector<16xf32>
    %get3A_985 = arith.constant 3 : i32
    %get3A_986 = arith.index_cast %get3A_985 : i32 to index
    %get3A_987 = arith.constant 96 : index
    %get3A_988 = tpu.vector_load %arg12[%get3A_986, %get3A_987] {strides = array<i32>} : memref<26x128xi32, #tpu.memory_space<vmem>>, vector<16xi32>,
    %gather3A_989 = tpu.vector_load_idx %arg11[%get3A_988] : memref<26000xf32, #tpu.memory_space<vmem>>[vector<16xi32>], vector<16xf32>,
    %add3A_990 = arith.addf %add3A_984, %gather3A_989 : vector<16xf32>
    %get3A_991 = arith.constant 4 : i32
    %get3A_992 = arith.index_cast %get3A_991 : i32 to index
    %get3A_993 = arith.constant 96 : index
    %get3A_994 = tpu.vector_load %arg12[%get3A_992, %get3A_993] {strides = array<i32>} : memref<26x128xi32, #tpu.memory_space<vmem>>, vector<16xi32>,
    %gather3A_995 = tpu.vector_load_idx %arg11[%get3A_994] : memref<26000xf32, #tpu.memory_space<vmem>>[vector<16xi32>], vector<16xf32>,
    %add3A_996 = arith.addf %add3A_990, %gather3A_995 : vector<16xf32>
    %get3A_997 = arith.constant 5 : i32
    %get3A_998 = arith.index_cast %get3A_997 : i32 to index
    %get3A_999 = arith.constant 96 : index
    %get3A_1000 = tpu.vector_load %arg12[%get3A_998, %get3A_999] {strides = array<i32>} : memref<26x128xi32, #tpu.memory_space<vmem>>, vector<16xi32>,
    %gather3A_1001 = tpu.vector_load_idx %arg11[%get3A_1000] : memref<26000xf32, #tpu.memory_space<vmem>>[vector<16xi32>], vector<16xf32>,
    %add3A_1002 = arith.addf %add3A_996, %gather3A_1001 : vector<16xf32>
    %get3A_1003 = arith.constant 6 : i32
    %get3A_1004 = arith.index_cast %get3A_1003 : i32 to index
    %get3A_1005 = arith.constant 96 : index
    %get3A_1006 = tpu.vector_load %arg12[%get3A_1004, %get3A_1005] {strides = array<i32>} : memref<26x128xi32, #tpu.memory_space<vmem>>, vector<16xi32>,
    %gather3A_1007 = tpu.vector_load_idx %arg11[%get3A_1006] : memref<26000xf32, #tpu.memory_space<vmem>>[vector<16xi32>], vector<16xf32>,
    %add3A_1008 = arith.addf %add3A_1002, %gather3A_1007 : vector<16xf32>
    %get3A_1009 = arith.constant 7 : i32
    %get3A_1010 = arith.index_cast %get3A_1009 : i32 to index
    %get3A_1011 = arith.constant 96 : index
    %get3A_1012 = tpu.vector_load %arg12[%get3A_1010, %get3A_1011] {strides = array<i32>} : memref<26x128xi32, #tpu.memory_space<vmem>>, vector<16xi32>,
    %gather3A_1013 = tpu.vector_load_idx %arg11[%get3A_1012] : memref<26000xf32, #tpu.memory_space<vmem>>[vector<16xi32>], vector<16xf32>,
    %add3A_1014 = arith.addf %add3A_1008, %gather3A_1013 : vector<16xf32>
    %get3A_1015 = arith.constant 8 : i32
    %get3A_1016 = arith.index_cast %get3A_1015 : i32 to index
    %get3A_1017 = arith.constant 96 : index
    %get3A_1018 = tpu.vector_load %arg12[%get3A_1016, %get3A_1017] {strides = array<i32>} : memref<26x128xi32, #tpu.memory_space<vmem>>, vector<16xi32>,
    %gather3A_1019 = tpu.vector_load_idx %arg11[%get3A_1018] : memref<26000xf32, #tpu.memory_space<vmem>>[vector<16xi32>], vector<16xf32>,
    %add3A_1020 = arith.addf %add3A_1014, %gather3A_1019 : vector<16xf32>
    %get3A_1021 = arith.constant 9 : i32
    %get3A_1022 = arith.index_cast %get3A_1021 : i32 to index
    %get3A_1023 = arith.constant 96 : index
    %get3A_1024 = tpu.vector_load %arg12[%get3A_1022, %get3A_1023] {strides = array<i32>} : memref<26x128xi32, #tpu.memory_space<vmem>>, vector<16xi32>,
    %gather3A_1025 = tpu.vector_load_idx %arg11[%get3A_1024] : memref<26000xf32, #tpu.memory_space<vmem>>[vector<16xi32>], vector<16xf32>,
    %add3A_1026 = arith.addf %add3A_1020, %gather3A_1025 : vector<16xf32>
    %get3A_1027 = arith.constant 10 : i32
    %get3A_1028 = arith.index_cast %get3A_1027 : i32 to index
    %get3A_1029 = arith.constant 96 : index
    %get3A_1030 = tpu.vector_load %arg12[%get3A_1028, %get3A_1029] {strides = array<i32>} : memref<26x128xi32, #tpu.memory_space<vmem>>, vector<16xi32>,
    %gather3A_1031 = tpu.vector_load_idx %arg11[%get3A_1030] : memref<26000xf32, #tpu.memory_space<vmem>>[vector<16xi32>], vector<16xf32>,
    %add3A_1032 = arith.addf %add3A_1026, %gather3A_1031 : vector<16xf32>
    %get3A_1033 = arith.constant 11 : i32
    %get3A_1034 = arith.index_cast %get3A_1033 : i32 to index
    %get3A_1035 = arith.constant 96 : index
    %get3A_1036 = tpu.vector_load %arg12[%get3A_1034, %get3A_1035] {strides = array<i32>} : memref<26x128xi32, #tpu.memory_space<vmem>>, vector<16xi32>,
    %gather3A_1037 = tpu.vector_load_idx %arg11[%get3A_1036] : memref<26000xf32, #tpu.memory_space<vmem>>[vector<16xi32>], vector<16xf32>,
    %add3A_1038 = arith.addf %add3A_1032, %gather3A_1037 : vector<16xf32>
    %get3A_1039 = arith.constant 12 : i32
    %get3A_1040 = arith.index_cast %get3A_1039 : i32 to index
    %get3A_1041 = arith.constant 96 : index
    %get3A_1042 = tpu.vector_load %arg12[%get3A_1040, %get3A_1041] {strides = array<i32>} : memref<26x128xi32, #tpu.memory_space<vmem>>, vector<16xi32>,
    %gather3A_1043 = tpu.vector_load_idx %arg11[%get3A_1042] : memref<26000xf32, #tpu.memory_space<vmem>>[vector<16xi32>], vector<16xf32>,
    %add3A_1044 = arith.addf %add3A_1038, %gather3A_1043 : vector<16xf32>
    %get3A_1045 = arith.constant 13 : i32
    %get3A_1046 = arith.index_cast %get3A_1045 : i32 to index
    %get3A_1047 = arith.constant 96 : index
    %get3A_1048 = tpu.vector_load %arg12[%get3A_1046, %get3A_1047] {strides = array<i32>} : memref<26x128xi32, #tpu.memory_space<vmem>>, vector<16xi32>,
    %gather3A_1049 = tpu.vector_load_idx %arg11[%get3A_1048] : memref<26000xf32, #tpu.memory_space<vmem>>[vector<16xi32>], vector<16xf32>,
    %add3A_1050 = arith.addf %add3A_1044, %gather3A_1049 : vector<16xf32>
    %get3A_1051 = arith.constant 14 : i32
    %get3A_1052 = arith.index_cast %get3A_1051 : i32 to index
    %get3A_1053 = arith.constant 96 : index
    %get3A_1054 = tpu.vector_load %arg12[%get3A_1052, %get3A_1053] {strides = array<i32>} : memref<26x128xi32, #tpu.memory_space<vmem>>, vector<16xi32>,
    %gather3A_1055 = tpu.vector_load_idx %arg11[%get3A_1054] : memref<26000xf32, #tpu.memory_space<vmem>>[vector<16xi32>], vector<16xf32>,
    %add3A_1056 = arith.addf %add3A_1050, %gather3A_1055 : vector<16xf32>
    %get3A_1057 = arith.constant 15 : i32
    %get3A_1058 = arith.index_cast %get3A_1057 : i32 to index
    %get3A_1059 = arith.constant 96 : index
    %get3A_1060 = tpu.vector_load %arg12[%get3A_1058, %get3A_1059] {strides = array<i32>} : memref<26x128xi32, #tpu.memory_space<vmem>>, vector<16xi32>,
    %gather3A_1061 = tpu.vector_load_idx %arg11[%get3A_1060] : memref<26000xf32, #tpu.memory_space<vmem>>[vector<16xi32>], vector<16xf32>,
    %add3A_1062 = arith.addf %add3A_1056, %gather3A_1061 : vector<16xf32>
    %get3A_1063 = arith.constant 16 : i32
    %get3A_1064 = arith.index_cast %get3A_1063 : i32 to index
    %get3A_1065 = arith.constant 96 : index
    %get3A_1066 = tpu.vector_load %arg12[%get3A_1064, %get3A_1065] {strides = array<i32>} : memref<26x128xi32, #tpu.memory_space<vmem>>, vector<16xi32>,
    %gather3A_1067 = tpu.vector_load_idx %arg11[%get3A_1066] : memref<26000xf32, #tpu.memory_space<vmem>>[vector<16xi32>], vector<16xf32>,
    %add3A_1068 = arith.addf %add3A_1062, %gather3A_1067 : vector<16xf32>
    %get3A_1069 = arith.constant 17 : i32
    %get3A_1070 = arith.index_cast %get3A_1069 : i32 to index
    %get3A_1071 = arith.constant 96 : index
    %get3A_1072 = tpu.vector_load %arg12[%get3A_1070, %get3A_1071] {strides = array<i32>} : memref<26x128xi32, #tpu.memory_space<vmem>>, vector<16xi32>,
    %gather3A_1073 = tpu.vector_load_idx %arg11[%get3A_1072] : memref<26000xf32, #tpu.memory_space<vmem>>[vector<16xi32>], vector<16xf32>,
    %add3A_1074 = arith.addf %add3A_1068, %gather3A_1073 : vector<16xf32>
    %get3A_1075 = arith.constant 18 : i32
    %get3A_1076 = arith.index_cast %get3A_1075 : i32 to index
    %get3A_1077 = arith.constant 96 : index
    %get3A_1078 = tpu.vector_load %arg12[%get3A_1076, %get3A_1077] {strides = array<i32>} : memref<26x128xi32, #tpu.memory_space<vmem>>, vector<16xi32>,
    %gather3A_1079 = tpu.vector_load_idx %arg11[%get3A_1078] : memref<26000xf32, #tpu.memory_space<vmem>>[vector<16xi32>], vector<16xf32>,
    %add3A_1080 = arith.addf %add3A_1074, %gather3A_1079 : vector<16xf32>
    %get3A_1081 = arith.constant 19 : i32
    %get3A_1082 = arith.index_cast %get3A_1081 : i32 to index
    %get3A_1083 = arith.constant 96 : index
    %get3A_1084 = tpu.vector_load %arg12[%get3A_1082, %get3A_1083] {strides = array<i32>} : memref<26x128xi32, #tpu.memory_space<vmem>>, vector<16xi32>,
    %gather3A_1085 = tpu.vector_load_idx %arg11[%get3A_1084] : memref<26000xf32, #tpu.memory_space<vmem>>[vector<16xi32>], vector<16xf32>,
    %add3A_1086 = arith.addf %add3A_1080, %gather3A_1085 : vector<16xf32>
    %get3A_1087 = arith.constant 20 : i32
    %get3A_1088 = arith.index_cast %get3A_1087 : i32 to index
    %get3A_1089 = arith.constant 96 : index
    %get3A_1090 = tpu.vector_load %arg12[%get3A_1088, %get3A_1089] {strides = array<i32>} : memref<26x128xi32, #tpu.memory_space<vmem>>, vector<16xi32>,
    %gather3A_1091 = tpu.vector_load_idx %arg11[%get3A_1090] : memref<26000xf32, #tpu.memory_space<vmem>>[vector<16xi32>], vector<16xf32>,
    %add3A_1092 = arith.addf %add3A_1086, %gather3A_1091 : vector<16xf32>
    %get3A_1093 = arith.constant 21 : i32
    %get3A_1094 = arith.index_cast %get3A_1093 : i32 to index
    %get3A_1095 = arith.constant 96 : index
    %get3A_1096 = tpu.vector_load %arg12[%get3A_1094, %get3A_1095] {strides = array<i32>} : memref<26x128xi32, #tpu.memory_space<vmem>>, vector<16xi32>,
    %gather3A_1097 = tpu.vector_load_idx %arg11[%get3A_1096] : memref<26000xf32, #tpu.memory_space<vmem>>[vector<16xi32>], vector<16xf32>,
    %add3A_1098 = arith.addf %add3A_1092, %gather3A_1097 : vector<16xf32>
    %get3A_1099 = arith.constant 22 : i32
    %get3A_1100 = arith.index_cast %get3A_1099 : i32 to index
    %get3A_1101 = arith.constant 96 : index
    %get3A_1102 = tpu.vector_load %arg12[%get3A_1100, %get3A_1101] {strides = array<i32>} : memref<26x128xi32, #tpu.memory_space<vmem>>, vector<16xi32>,
    %gather3A_1103 = tpu.vector_load_idx %arg11[%get3A_1102] : memref<26000xf32, #tpu.memory_space<vmem>>[vector<16xi32>], vector<16xf32>,
    %add3A_1104 = arith.addf %add3A_1098, %gather3A_1103 : vector<16xf32>
    %get3A_1105 = arith.constant 23 : i32
    %get3A_1106 = arith.index_cast %get3A_1105 : i32 to index
    %get3A_1107 = arith.constant 96 : index
    %get3A_1108 = tpu.vector_load %arg12[%get3A_1106, %get3A_1107] {strides = array<i32>} : memref<26x128xi32, #tpu.memory_space<vmem>>, vector<16xi32>,
    %gather3A_1109 = tpu.vector_load_idx %arg11[%get3A_1108] : memref<26000xf32, #tpu.memory_space<vmem>>[vector<16xi32>], vector<16xf32>,
    %add3A_1110 = arith.addf %add3A_1104, %gather3A_1109 : vector<16xf32>
    %get3A_1111 = arith.constant 24 : i32
    %get3A_1112 = arith.index_cast %get3A_1111 : i32 to index
    %get3A_1113 = arith.constant 96 : index
    %get3A_1114 = tpu.vector_load %arg12[%get3A_1112, %get3A_1113] {strides = array<i32>} : memref<26x128xi32, #tpu.memory_space<vmem>>, vector<16xi32>,
    %gather3A_1115 = tpu.vector_load_idx %arg11[%get3A_1114] : memref<26000xf32, #tpu.memory_space<vmem>>[vector<16xi32>], vector<16xf32>,
    %add3A_1116 = arith.addf %add3A_1110, %gather3A_1115 : vector<16xf32>
    %get3A_1117 = arith.constant 25 : i32
    %get3A_1118 = arith.index_cast %get3A_1117 : i32 to index
    %get3A_1119 = arith.constant 96 : index
    %get3A_1120 = tpu.vector_load %arg12[%get3A_1118, %get3A_1119] {strides = array<i32>} : memref<26x128xi32, #tpu.memory_space<vmem>>, vector<16xi32>,
    %gather3A_1121 = tpu.vector_load_idx %arg11[%get3A_1120] : memref<26000xf32, #tpu.memory_space<vmem>>[vector<16xi32>], vector<16xf32>,
    %add3A_1122 = arith.addf %add3A_1116, %gather3A_1121 : vector<16xf32>
    %swap3A_1123 = arith.constant 96 : index
    %swap3A_1124 = tpu.vector_load %arg13[%swap3A_1123] {strides = array<i32>} : memref<128xf32, #tpu.memory_space<vmem>>, vector<16xf32>,
    tpu.vector_store %arg13[%swap3A_1123], %add3A_1122 {strides = array<i32>} : memref<128xf32, #tpu.memory_space<vmem>>, vector<16xf32>,
    %broadcast_in_dim3A_1125 = arith.constant 0.000000e+00 : f32
    %broadcast_in_dim3A_1126 = vector.broadcast %broadcast_in_dim3A_1125 : f32 to vector<16xf32>
    %get3A_1127 = arith.constant 0 : i32
    %get3A_1128 = arith.index_cast %get3A_1127 : i32 to index
    %get3A_1129 = arith.constant 112 : index
    %get3A_1130 = tpu.vector_load %arg12[%get3A_1128, %get3A_1129] {strides = array<i32>} : memref<26x128xi32, #tpu.memory_space<vmem>>, vector<16xi32>,
    %gather3A_1131 = tpu.vector_load_idx %arg11[%get3A_1130] : memref<26000xf32, #tpu.memory_space<vmem>>[vector<16xi32>], vector<16xf32>,
    %add3A_1132 = arith.addf %broadcast_in_dim3A_1126, %gather3A_1131 : vector<16xf32>
    %get3A_1133 = arith.constant 1 : i32
    %get3A_1134 = arith.index_cast %get3A_1133 : i32 to index
    %get3A_1135 = arith.constant 112 : index
    %get3A_1136 = tpu.vector_load %arg12[%get3A_1134, %get3A_1135] {strides = array<i32>} : memref<26x128xi32, #tpu.memory_space<vmem>>, vector<16xi32>,
    %gather3A_1137 = tpu.vector_load_idx %arg11[%get3A_1136] : memref<26000xf32, #tpu.memory_space<vmem>>[vector<16xi32>], vector<16xf32>,
    %add3A_1138 = arith.addf %add3A_1132, %gather3A_1137 : vector<16xf32>
    %get3A_1139 = arith.constant 2 : i32
    %get3A_1140 = arith.index_cast %get3A_1139 : i32 to index
    %get3A_1141 = arith.constant 112 : index
    %get3A_1142 = tpu.vector_load %arg12[%get3A_1140, %get3A_1141] {strides = array<i32>} : memref<26x128xi32, #tpu.memory_space<vmem>>, vector<16xi32>,
    %gather3A_1143 = tpu.vector_load_idx %arg11[%get3A_1142] : memref<26000xf32, #tpu.memory_space<vmem>>[vector<16xi32>], vector<16xf32>,
    %add3A_1144 = arith.addf %add3A_1138, %gather3A_1143 : vector<16xf32>
    %get3A_1145 = arith.constant 3 : i32
    %get3A_1146 = arith.index_cast %get3A_1145 : i32 to index
    %get3A_1147 = arith.constant 112 : index
    %get3A_1148 = tpu.vector_load %arg12[%get3A_1146, %get3A_1147] {strides = array<i32>} : memref<26x128xi32, #tpu.memory_space<vmem>>, vector<16xi32>,
    %gather3A_1149 = tpu.vector_load_idx %arg11[%get3A_1148] : memref<26000xf32, #tpu.memory_space<vmem>>[vector<16xi32>], vector<16xf32>,
    %add3A_1150 = arith.addf %add3A_1144, %gather3A_1149 : vector<16xf32>
    %get3A_1151 = arith.constant 4 : i32
    %get3A_1152 = arith.index_cast %get3A_1151 : i32 to index
    %get3A_1153 = arith.constant 112 : index
    %get3A_1154 = tpu.vector_load %arg12[%get3A_1152, %get3A_1153] {strides = array<i32>} : memref<26x128xi32, #tpu.memory_space<vmem>>, vector<16xi32>,
    %gather3A_1155 = tpu.vector_load_idx %arg11[%get3A_1154] : memref<26000xf32, #tpu.memory_space<vmem>>[vector<16xi32>], vector<16xf32>,
    %add3A_1156 = arith.addf %add3A_1150, %gather3A_1155 : vector<16xf32>
    %get3A_1157 = arith.constant 5 : i32
    %get3A_1158 = arith.index_cast %get3A_1157 : i32 to index
    %get3A_1159 = arith.constant 112 : index
    %get3A_1160 = tpu.vector_load %arg12[%get3A_1158, %get3A_1159] {strides = array<i32>} : memref<26x128xi32, #tpu.memory_space<vmem>>, vector<16xi32>,
    %gather3A_1161 = tpu.vector_load_idx %arg11[%get3A_1160] : memref<26000xf32, #tpu.memory_space<vmem>>[vector<16xi32>], vector<16xf32>,
    %add3A_1162 = arith.addf %add3A_1156, %gather3A_1161 : vector<16xf32>
    %get3A_1163 = arith.constant 6 : i32
    %get3A_1164 = arith.index_cast %get3A_1163 : i32 to index
    %get3A_1165 = arith.constant 112 : index
    %get3A_1166 = tpu.vector_load %arg12[%get3A_1164, %get3A_1165] {strides = array<i32>} : memref<26x128xi32, #tpu.memory_space<vmem>>, vector<16xi32>,
    %gather3A_1167 = tpu.vector_load_idx %arg11[%get3A_1166] : memref<26000xf32, #tpu.memory_space<vmem>>[vector<16xi32>], vector<16xf32>,
    %add3A_1168 = arith.addf %add3A_1162, %gather3A_1167 : vector<16xf32>
    %get3A_1169 = arith.constant 7 : i32
    %get3A_1170 = arith.index_cast %get3A_1169 : i32 to index
    %get3A_1171 = arith.constant 112 : index
    %get3A_1172 = tpu.vector_load %arg12[%get3A_1170, %get3A_1171] {strides = array<i32>} : memref<26x128xi32, #tpu.memory_space<vmem>>, vector<16xi32>,
    %gather3A_1173 = tpu.vector_load_idx %arg11[%get3A_1172] : memref<26000xf32, #tpu.memory_space<vmem>>[vector<16xi32>], vector<16xf32>,
    %add3A_1174 = arith.addf %add3A_1168, %gather3A_1173 : vector<16xf32>
    %get3A_1175 = arith.constant 8 : i32
    %get3A_1176 = arith.index_cast %get3A_1175 : i32 to index
    %get3A_1177 = arith.constant 112 : index
    %get3A_1178 = tpu.vector_load %arg12[%get3A_1176, %get3A_1177] {strides = array<i32>} : memref<26x128xi32, #tpu.memory_space<vmem>>, vector<16xi32>,
    %gather3A_1179 = tpu.vector_load_idx %arg11[%get3A_1178] : memref<26000xf32, #tpu.memory_space<vmem>>[vector<16xi32>], vector<16xf32>,
    %add3A_1180 = arith.addf %add3A_1174, %gather3A_1179 : vector<16xf32>
    %get3A_1181 = arith.constant 9 : i32
    %get3A_1182 = arith.index_cast %get3A_1181 : i32 to index
    %get3A_1183 = arith.constant 112 : index
    %get3A_1184 = tpu.vector_load %arg12[%get3A_1182, %get3A_1183] {strides = array<i32>} : memref<26x128xi32, #tpu.memory_space<vmem>>, vector<16xi32>,
    %gather3A_1185 = tpu.vector_load_idx %arg11[%get3A_1184] : memref<26000xf32, #tpu.memory_space<vmem>>[vector<16xi32>], vector<16xf32>,
    %add3A_1186 = arith.addf %add3A_1180, %gather3A_1185 : vector<16xf32>
    %get3A_1187 = arith.constant 10 : i32
    %get3A_1188 = arith.index_cast %get3A_1187 : i32 to index
    %get3A_1189 = arith.constant 112 : index
    %get3A_1190 = tpu.vector_load %arg12[%get3A_1188, %get3A_1189] {strides = array<i32>} : memref<26x128xi32, #tpu.memory_space<vmem>>, vector<16xi32>,
    %gather3A_1191 = tpu.vector_load_idx %arg11[%get3A_1190] : memref<26000xf32, #tpu.memory_space<vmem>>[vector<16xi32>], vector<16xf32>,
    %add3A_1192 = arith.addf %add3A_1186, %gather3A_1191 : vector<16xf32>
    %get3A_1193 = arith.constant 11 : i32
    %get3A_1194 = arith.index_cast %get3A_1193 : i32 to index
    %get3A_1195 = arith.constant 112 : index
    %get3A_1196 = tpu.vector_load %arg12[%get3A_1194, %get3A_1195] {strides = array<i32>} : memref<26x128xi32, #tpu.memory_space<vmem>>, vector<16xi32>,
    %gather3A_1197 = tpu.vector_load_idx %arg11[%get3A_1196] : memref<26000xf32, #tpu.memory_space<vmem>>[vector<16xi32>], vector<16xf32>,
    %add3A_1198 = arith.addf %add3A_1192, %gather3A_1197 : vector<16xf32>
    %get3A_1199 = arith.constant 12 : i32
    %get3A_1200 = arith.index_cast %get3A_1199 : i32 to index
    %get3A_1201 = arith.constant 112 : index
    %get3A_1202 = tpu.vector_load %arg12[%get3A_1200, %get3A_1201] {strides = array<i32>} : memref<26x128xi32, #tpu.memory_space<vmem>>, vector<16xi32>,
    %gather3A_1203 = tpu.vector_load_idx %arg11[%get3A_1202] : memref<26000xf32, #tpu.memory_space<vmem>>[vector<16xi32>], vector<16xf32>,
    %add3A_1204 = arith.addf %add3A_1198, %gather3A_1203 : vector<16xf32>
    %get3A_1205 = arith.constant 13 : i32
    %get3A_1206 = arith.index_cast %get3A_1205 : i32 to index
    %get3A_1207 = arith.constant 112 : index
    %get3A_1208 = tpu.vector_load %arg12[%get3A_1206, %get3A_1207] {strides = array<i32>} : memref<26x128xi32, #tpu.memory_space<vmem>>, vector<16xi32>,
    %gather3A_1209 = tpu.vector_load_idx %arg11[%get3A_1208] : memref<26000xf32, #tpu.memory_space<vmem>>[vector<16xi32>], vector<16xf32>,
    %add3A_1210 = arith.addf %add3A_1204, %gather3A_1209 : vector<16xf32>
    %get3A_1211 = arith.constant 14 : i32
    %get3A_1212 = arith.index_cast %get3A_1211 : i32 to index
    %get3A_1213 = arith.constant 112 : index
    %get3A_1214 = tpu.vector_load %arg12[%get3A_1212, %get3A_1213] {strides = array<i32>} : memref<26x128xi32, #tpu.memory_space<vmem>>, vector<16xi32>,
    %gather3A_1215 = tpu.vector_load_idx %arg11[%get3A_1214] : memref<26000xf32, #tpu.memory_space<vmem>>[vector<16xi32>], vector<16xf32>,
    %add3A_1216 = arith.addf %add3A_1210, %gather3A_1215 : vector<16xf32>
    %get3A_1217 = arith.constant 15 : i32
    %get3A_1218 = arith.index_cast %get3A_1217 : i32 to index
    %get3A_1219 = arith.constant 112 : index
    %get3A_1220 = tpu.vector_load %arg12[%get3A_1218, %get3A_1219] {strides = array<i32>} : memref<26x128xi32, #tpu.memory_space<vmem>>, vector<16xi32>,
    %gather3A_1221 = tpu.vector_load_idx %arg11[%get3A_1220] : memref<26000xf32, #tpu.memory_space<vmem>>[vector<16xi32>], vector<16xf32>,
    %add3A_1222 = arith.addf %add3A_1216, %gather3A_1221 : vector<16xf32>
    %get3A_1223 = arith.constant 16 : i32
    %get3A_1224 = arith.index_cast %get3A_1223 : i32 to index
    %get3A_1225 = arith.constant 112 : index
    %get3A_1226 = tpu.vector_load %arg12[%get3A_1224, %get3A_1225] {strides = array<i32>} : memref<26x128xi32, #tpu.memory_space<vmem>>, vector<16xi32>,
    %gather3A_1227 = tpu.vector_load_idx %arg11[%get3A_1226] : memref<26000xf32, #tpu.memory_space<vmem>>[vector<16xi32>], vector<16xf32>,
    %add3A_1228 = arith.addf %add3A_1222, %gather3A_1227 : vector<16xf32>
    %get3A_1229 = arith.constant 17 : i32
    %get3A_1230 = arith.index_cast %get3A_1229 : i32 to index
    %get3A_1231 = arith.constant 112 : index
    %get3A_1232 = tpu.vector_load %arg12[%get3A_1230, %get3A_1231] {strides = array<i32>} : memref<26x128xi32, #tpu.memory_space<vmem>>, vector<16xi32>,
    %gather3A_1233 = tpu.vector_load_idx %arg11[%get3A_1232] : memref<26000xf32, #tpu.memory_space<vmem>>[vector<16xi32>], vector<16xf32>,
    %add3A_1234 = arith.addf %add3A_1228, %gather3A_1233 : vector<16xf32>
    %get3A_1235 = arith.constant 18 : i32
    %get3A_1236 = arith.index_cast %get3A_1235 : i32 to index
    %get3A_1237 = arith.constant 112 : index
    %get3A_1238 = tpu.vector_load %arg12[%get3A_1236, %get3A_1237] {strides = array<i32>} : memref<26x128xi32, #tpu.memory_space<vmem>>, vector<16xi32>,
    %gather3A_1239 = tpu.vector_load_idx %arg11[%get3A_1238] : memref<26000xf32, #tpu.memory_space<vmem>>[vector<16xi32>], vector<16xf32>,
    %add3A_1240 = arith.addf %add3A_1234, %gather3A_1239 : vector<16xf32>
    %get3A_1241 = arith.constant 19 : i32
    %get3A_1242 = arith.index_cast %get3A_1241 : i32 to index
    %get3A_1243 = arith.constant 112 : index
    %get3A_1244 = tpu.vector_load %arg12[%get3A_1242, %get3A_1243] {strides = array<i32>} : memref<26x128xi32, #tpu.memory_space<vmem>>, vector<16xi32>,
    %gather3A_1245 = tpu.vector_load_idx %arg11[%get3A_1244] : memref<26000xf32, #tpu.memory_space<vmem>>[vector<16xi32>], vector<16xf32>,
    %add3A_1246 = arith.addf %add3A_1240, %gather3A_1245 : vector<16xf32>
    %get3A_1247 = arith.constant 20 : i32
    %get3A_1248 = arith.index_cast %get3A_1247 : i32 to index
    %get3A_1249 = arith.constant 112 : index
    %get3A_1250 = tpu.vector_load %arg12[%get3A_1248, %get3A_1249] {strides = array<i32>} : memref<26x128xi32, #tpu.memory_space<vmem>>, vector<16xi32>,
    %gather3A_1251 = tpu.vector_load_idx %arg11[%get3A_1250] : memref<26000xf32, #tpu.memory_space<vmem>>[vector<16xi32>], vector<16xf32>,
    %add3A_1252 = arith.addf %add3A_1246, %gather3A_1251 : vector<16xf32>
    %get3A_1253 = arith.constant 21 : i32
    %get3A_1254 = arith.index_cast %get3A_1253 : i32 to index
    %get3A_1255 = arith.constant 112 : index
    %get3A_1256 = tpu.vector_load %arg12[%get3A_1254, %get3A_1255] {strides = array<i32>} : memref<26x128xi32, #tpu.memory_space<vmem>>, vector<16xi32>,
    %gather3A_1257 = tpu.vector_load_idx %arg11[%get3A_1256] : memref<26000xf32, #tpu.memory_space<vmem>>[vector<16xi32>], vector<16xf32>,
    %add3A_1258 = arith.addf %add3A_1252, %gather3A_1257 : vector<16xf32>
    %get3A_1259 = arith.constant 22 : i32
    %get3A_1260 = arith.index_cast %get3A_1259 : i32 to index
    %get3A_1261 = arith.constant 112 : index
    %get3A_1262 = tpu.vector_load %arg12[%get3A_1260, %get3A_1261] {strides = array<i32>} : memref<26x128xi32, #tpu.memory_space<vmem>>, vector<16xi32>,
    %gather3A_1263 = tpu.vector_load_idx %arg11[%get3A_1262] : memref<26000xf32, #tpu.memory_space<vmem>>[vector<16xi32>], vector<16xf32>,
    %add3A_1264 = arith.addf %add3A_1258, %gather3A_1263 : vector<16xf32>
    %get3A_1265 = arith.constant 23 : i32
    %get3A_1266 = arith.index_cast %get3A_1265 : i32 to index
    %get3A_1267 = arith.constant 112 : index
    %get3A_1268 = tpu.vector_load %arg12[%get3A_1266, %get3A_1267] {strides = array<i32>} : memref<26x128xi32, #tpu.memory_space<vmem>>, vector<16xi32>,
    %gather3A_1269 = tpu.vector_load_idx %arg11[%get3A_1268] : memref<26000xf32, #tpu.memory_space<vmem>>[vector<16xi32>], vector<16xf32>,
    %add3A_1270 = arith.addf %add3A_1264, %gather3A_1269 : vector<16xf32>
    %get3A_1271 = arith.constant 24 : i32
    %get3A_1272 = arith.index_cast %get3A_1271 : i32 to index
    %get3A_1273 = arith.constant 112 : index
    %get3A_1274 = tpu.vector_load %arg12[%get3A_1272, %get3A_1273] {strides = array<i32>} : memref<26x128xi32, #tpu.memory_space<vmem>>, vector<16xi32>,
    %gather3A_1275 = tpu.vector_load_idx %arg11[%get3A_1274] : memref<26000xf32, #tpu.memory_space<vmem>>[vector<16xi32>], vector<16xf32>,
    %add3A_1276 = arith.addf %add3A_1270, %gather3A_1275 : vector<16xf32>
    %get3A_1277 = arith.constant 25 : i32
    %get3A_1278 = arith.index_cast %get3A_1277 : i32 to index
    %get3A_1279 = arith.constant 112 : index
    %get3A_1280 = tpu.vector_load %arg12[%get3A_1278, %get3A_1279] {strides = array<i32>} : memref<26x128xi32, #tpu.memory_space<vmem>>, vector<16xi32>,
    %gather3A_1281 = tpu.vector_load_idx %arg11[%get3A_1280] : memref<26000xf32, #tpu.memory_space<vmem>>[vector<16xi32>], vector<16xf32>,
    %add3A_1282 = arith.addf %add3A_1276, %gather3A_1281 : vector<16xf32>
    %swap3A_1283 = arith.constant 112 : index
    %swap3A_1284 = tpu.vector_load %arg13[%swap3A_1283] {strides = array<i32>} : memref<128xf32, #tpu.memory_space<vmem>>, vector<16xf32>,
    tpu.vector_store %arg13[%swap3A_1283], %add3A_1282 {strides = array<i32>} : memref<128xf32, #tpu.memory_space<vmem>>, vector<16xf32>,
    %mul3A_1285 = arith.constant 128 : i32
    %mul3A_1286 = arith.muli %add3A, %mul3A_1285 : i32
    "tpu.region"() ({
      %run_scoped3A = tpu.sem_alloc : memref<!tpu.dma_semaphore, #tpu.memory_space<semaphore_mem>>
      %dma_start3A_1297 = tpu.memref_slice %arg7[%mul3A_1286] : memref<4096xf32, #tpu.memory_space<hbm>> -> memref<128xf32, #tpu.memory_space<hbm>>
      %dma_start3A_1298 = tpu.memref_slice %arg7[%mul3A_1286] : memref<4096xf32, #tpu.memory_space<hbm>> -> memref<128xf32, #tpu.memory_space<hbm>>
      tpu.enqueue_dma source(%arg13 : memref<128xf32, #tpu.memory_space<vmem>>) target(%dma_start3A_1298 : memref<128xf32, #tpu.memory_space<hbm>>) target_semaphore(%run_scoped3A : memref<!tpu.dma_semaphore, #tpu.memory_space<semaphore_mem>>)
      %dma_wait3A_1299 = tpu.memref_slice %arg7[%mul3A_1286] : memref<4096xf32, #tpu.memory_space<hbm>> -> memref<128xf32, #tpu.memory_space<hbm>>
      %dma_wait3A_1300 = tpu.memref_slice %arg7[%mul3A_1286] : memref<4096xf32, #tpu.memory_space<hbm>> -> memref<128xf32, #tpu.memory_space<hbm>>
      tpu.wait_dma2 semaphore(%run_scoped3A : memref<!tpu.dma_semaphore, #tpu.memory_space<semaphore_mem>>) src(%arg13 : memref<128xf32, #tpu.memory_space<vmem>>) dst(%dma_wait3A_1300 : memref<128xf32, #tpu.memory_space<hbm>>)
      tpu.yield
    }) : () -> ()
    %scan3A = arith.constant 0 : i32
    %scan3A_1287 = arith.constant 0 : i32
    %scan3A_1288 = arith.constant 16 : i32
    %scan3A_1289 = arith.addi %scan3A_1287, %scan3A_1288 : i32
    %scan3A_1290 = arith.constant 1 : i32
    %scan3A_1291 = scf.for %scan3A_1297 = %scan3A_1287 to %scan3A_1289 step %scan3A_1290 iter_args(%scan3A_1298 = %scan3A) -> (i32)  : i32 {
      %mul3A_1299 = arith.constant 2 : i32
      %mul3A_1300 = arith.muli %mul3A_1299, %scan3A_1297 : i32
      %mul3A_1301 = arith.constant 104 : i32
      %mul3A_1302 = arith.muli %mul3A_1300, %mul3A_1301 : i32
      %dma_wait3A_1303 = tpu.memref_slice %arg8[%mul3A_1302] : memref<3328xi32, #tpu.memory_space<vmem>> -> memref<104xi32, #tpu.memory_space<vmem>>
      %dma_wait3A_1304 = arith.constant 0 : i32
      %dma_wait3A_1305 = arith.constant 0 : i32
      %dma_wait3A_1306 = tpu.memref_slice %arg2[%dma_wait3A_1304, %dma_wait3A_1305] : memref<26000x128xi32, #tpu.memory_space<hbm>> -> memref<26000x128xi32, #tpu.memory_space<hbm>>
      tpu.wait_indirect_dma semaphore(%arg14 : memref<!tpu.dma_semaphore, #tpu.memory_space<semaphore_mem>>) src(%dma_wait3A_1306 : memref<26000x128xi32, #tpu.memory_space<hbm>>) dst(%arg9 : memref<104x128xi32, #tpu.memory_space<vmem>>)
      %add3A_1307 = arith.constant 1 : i32
      %add3A_1308 = arith.addi %mul3A_1300, %add3A_1307 : i32
      %mul3A_1309 = arith.constant 104 : i32
      %mul3A_1310 = arith.muli %add3A_1308, %mul3A_1309 : i32
      %dma_start3A_1311 = tpu.memref_slice %arg8[%mul3A_1310] : memref<3328xi32, #tpu.memory_space<vmem>> -> memref<104xi32, #tpu.memory_space<vmem>>
      %dma_start3A_1312 = arith.constant 0 : i32
      %dma_start3A_1313 = arith.constant 0 : i32
      %dma_start3A_1314 = tpu.memref_slice %arg2[%dma_start3A_1312, %dma_start3A_1313] : memref<26000x128xi32, #tpu.memory_space<hbm>> -> memref<26000x128xi32, #tpu.memory_space<hbm>>
      tpu.enqueue_indirect_dma source(%dma_start3A_1314 : memref<26000x128xi32, #tpu.memory_space<hbm>>) target(%arg10 : memref<104x128xi32, #tpu.memory_space<vmem>>) offsets(%dma_start3A_1311 : memref<104xi32, #tpu.memory_space<vmem>>) semaphore(%arg15 : memref<!tpu.dma_semaphore, #tpu.memory_space<semaphore_mem>>)
      %mul3A_1315 = arith.constant 104 : i32
      %mul3A_1316 = arith.muli %mul3A_1300, %mul3A_1315 : i32
      %add3A_1317 = arith.addi %mul3A_2, %mul3A_1316 : i32
      "tpu.region"() ({
        %run_scoped3A = tpu.sem_alloc : memref<!tpu.dma_semaphore, #tpu.memory_space<semaphore_mem>>
        %dma_start3A_1341 = arith.constant 0 : i32
        %dma_start3A_1342 = tpu.memref_slice %arg6[%add3A_1317, %dma_start3A_1341] : memref<106496x128xi32, #tpu.memory_space<hbm>> -> memref<104x128xi32, #tpu.memory_space<hbm>>
        %dma_start3A_1343 = arith.constant 0 : i32
        %dma_start3A_1344 = tpu.memref_slice %arg6[%add3A_1317, %dma_start3A_1343] : memref<106496x128xi32, #tpu.memory_space<hbm>> -> memref<104x128xi32, #tpu.memory_space<hbm>>
        tpu.enqueue_dma source(%arg9 : memref<104x128xi32, #tpu.memory_space<vmem>>) target(%dma_start3A_1344 : memref<104x128xi32, #tpu.memory_space<hbm>>) target_semaphore(%run_scoped3A : memref<!tpu.dma_semaphore, #tpu.memory_space<semaphore_mem>>)
        %dma_wait3A_1345 = arith.constant 0 : i32
        %dma_wait3A_1346 = tpu.memref_slice %arg6[%add3A_1317, %dma_wait3A_1345] : memref<106496x128xi32, #tpu.memory_space<hbm>> -> memref<104x128xi32, #tpu.memory_space<hbm>>
        %dma_wait3A_1347 = arith.constant 0 : i32
        %dma_wait3A_1348 = tpu.memref_slice %arg6[%add3A_1317, %dma_wait3A_1347] : memref<106496x128xi32, #tpu.memory_space<hbm>> -> memref<104x128xi32, #tpu.memory_space<hbm>>
        tpu.wait_dma2 semaphore(%run_scoped3A : memref<!tpu.dma_semaphore, #tpu.memory_space<semaphore_mem>>) src(%arg9 : memref<104x128xi32, #tpu.memory_space<vmem>>) dst(%dma_wait3A_1348 : memref<104x128xi32, #tpu.memory_space<hbm>>)
        tpu.yield
      }) : () -> ()
      %add3A_1318 = arith.constant 1 : i32
      %add3A_1319 = arith.addi %mul3A_1300, %add3A_1318 : i32
      %mul3A_1320 = arith.constant 104 : i32
      %mul3A_1321 = arith.muli %add3A_1319, %mul3A_1320 : i32
      %dma_wait3A_1322 = tpu.memref_slice %arg8[%mul3A_1321] : memref<3328xi32, #tpu.memory_space<vmem>> -> memref<104xi32, #tpu.memory_space<vmem>>
      %dma_wait3A_1323 = arith.constant 0 : i32
      %dma_wait3A_1324 = arith.constant 0 : i32
      %dma_wait3A_1325 = tpu.memref_slice %arg2[%dma_wait3A_1323, %dma_wait3A_1324] : memref<26000x128xi32, #tpu.memory_space<hbm>> -> memref<26000x128xi32, #tpu.memory_space<hbm>>
      tpu.wait_indirect_dma semaphore(%arg15 : memref<!tpu.dma_semaphore, #tpu.memory_space<semaphore_mem>>) src(%dma_wait3A_1325 : memref<26000x128xi32, #tpu.memory_space<hbm>>) dst(%arg10 : memref<104x128xi32, #tpu.memory_space<vmem>>)
      %add3A_1326 = arith.constant 2 : i32
      %add3A_1327 = arith.addi %mul3A_1300, %add3A_1326 : i32
      %min3A = arith.constant 31 : i32
      %min3A_1328 = arith.minsi %add3A_1327, %min3A : i32
      %mul3A_1329 = arith.constant 104 : i32
      %mul3A_1330 = arith.muli %min3A_1328, %mul3A_1329 : i32
      %dma_start3A_1331 = tpu.memref_slice %arg8[%mul3A_1330] : memref<3328xi32, #tpu.memory_space<vmem>> -> memref<104xi32, #tpu.memory_space<vmem>>
      %dma_start3A_1332 = arith.constant 0 : i32
      %dma_start3A_1333 = arith.constant 0 : i32
      %dma_start3A_1334 = tpu.memref_slice %arg2[%dma_start3A_1332, %dma_start3A_1333] : memref<26000x128xi32, #tpu.memory_space<hbm>> -> memref<26000x128xi32, #tpu.memory_space<hbm>>
      tpu.enqueue_indirect_dma source(%dma_start3A_1334 : memref<26000x128xi32, #tpu.memory_space<hbm>>) target(%arg9 : memref<104x128xi32, #tpu.memory_space<vmem>>) offsets(%dma_start3A_1331 : memref<104xi32, #tpu.memory_space<vmem>>) semaphore(%arg14 : memref<!tpu.dma_semaphore, #tpu.memory_space<semaphore_mem>>)
      %add3A_1335 = arith.constant 1 : i32
      %add3A_1336 = arith.addi %mul3A_1300, %add3A_1335 : i32
      %mul3A_1337 = arith.constant 104 : i32
      %mul3A_1338 = arith.muli %add3A_1336, %mul3A_1337 : i32
      %add3A_1339 = arith.addi %mul3A_2, %mul3A_1338 : i32
      "tpu.region"() ({
        %run_scoped3A = tpu.sem_alloc : memref<!tpu.dma_semaphore, #tpu.memory_space<semaphore_mem>>
        %dma_start3A_1341 = arith.constant 0 : i32
        %dma_start3A_1342 = tpu.memref_slice %arg6[%add3A_1339, %dma_start3A_1341] : memref<106496x128xi32, #tpu.memory_space<hbm>> -> memref<104x128xi32, #tpu.memory_space<hbm>>
        %dma_start3A_1343 = arith.constant 0 : i32
        %dma_start3A_1344 = tpu.memref_slice %arg6[%add3A_1339, %dma_start3A_1343] : memref<106496x128xi32, #tpu.memory_space<hbm>> -> memref<104x128xi32, #tpu.memory_space<hbm>>
        tpu.enqueue_dma source(%arg10 : memref<104x128xi32, #tpu.memory_space<vmem>>) target(%dma_start3A_1344 : memref<104x128xi32, #tpu.memory_space<hbm>>) target_semaphore(%run_scoped3A : memref<!tpu.dma_semaphore, #tpu.memory_space<semaphore_mem>>)
        %dma_wait3A_1345 = arith.constant 0 : i32
        %dma_wait3A_1346 = tpu.memref_slice %arg6[%add3A_1339, %dma_wait3A_1345] : memref<106496x128xi32, #tpu.memory_space<hbm>> -> memref<104x128xi32, #tpu.memory_space<hbm>>
        %dma_wait3A_1347 = arith.constant 0 : i32
        %dma_wait3A_1348 = tpu.memref_slice %arg6[%add3A_1339, %dma_wait3A_1347] : memref<106496x128xi32, #tpu.memory_space<hbm>> -> memref<104x128xi32, #tpu.memory_space<hbm>>
        tpu.wait_dma2 semaphore(%run_scoped3A : memref<!tpu.dma_semaphore, #tpu.memory_space<semaphore_mem>>) src(%arg10 : memref<104x128xi32, #tpu.memory_space<vmem>>) dst(%dma_wait3A_1348 : memref<104x128xi32, #tpu.memory_space<hbm>>)
        tpu.yield
      }) : () -> ()
      %scan3A_1340 = arith.constant 0 : i32
      scf.yield %scan3A_1340 : i32
    }
    %scan3A_1292 = arith.constant 16 : i32
    %dma_wait3A = arith.constant 3224 : i32
    %dma_wait3A_1293 = tpu.memref_slice %arg8[%dma_wait3A] : memref<3328xi32, #tpu.memory_space<vmem>> -> memref<104xi32, #tpu.memory_space<vmem>>
    %dma_wait3A_1294 = arith.constant 0 : i32
    %dma_wait3A_1295 = arith.constant 0 : i32
    %dma_wait3A_1296 = tpu.memref_slice %arg2[%dma_wait3A_1294, %dma_wait3A_1295] : memref<26000x128xi32, #tpu.memory_space<hbm>> -> memref<26000x128xi32, #tpu.memory_space<hbm>>
    tpu.wait_indirect_dma semaphore(%arg14 : memref<!tpu.dma_semaphore, #tpu.memory_space<semaphore_mem>>) src(%dma_wait3A_1296 : memref<26000x128xi32, #tpu.memory_space<hbm>>) dst(%arg9 : memref<104x128xi32, #tpu.memory_space<vmem>>)
    return
  }
}

module attributes {stable_mosaic.version = 14 : i64} {
  func.func @_pack_body(%arg0: i32, %arg1: memref<2600x128xf32, #tpu.memory_space<vmem>>, %arg2: memref<2600x128xf32, #tpu.memory_space<vmem>>, %arg3: memref<2600x128xi32, #tpu.memory_space<vmem>>) attributes {dimension_semantics = [#tpu.dimension_semantics<arbitrary>], iteration_bounds = array<i64: 10>, scalar_prefetch = 0 : i64, scratch_operands = 0 : i64, tpu.core_type = #tpu.core_type<tc>, window_params = [{transform_indices = @transform_0, window_bounds = array<i64: 2600, 128>}, {transform_indices = @transform_1, window_bounds = array<i64: 2600, 128>}, {transform_indices = @transform_2, window_bounds = array<i64: 2600, 128>}]} {
    %get3A = arith.constant 0 : index
    %get3A_0 = arith.constant 0 : index
    %get3A_1 = vector.load %arg1[%get3A, %get3A_0] : memref<2600x128xf32, #tpu.memory_space<vmem>>, vector<2600x128xf32>
    %convert_element_type3A = arith.truncf %get3A_1 : vector<2600x128xf32> to vector<2600x128xbf16>
    %convert_element_type3A_2 = arith.extf %convert_element_type3A : vector<2600x128xbf16> to vector<2600x128xf32>
    %bitcast_convert_type3A = tpu.bitcast %convert_element_type3A_2 : vector<2600x128xf32> -> vector<2600x128xi32>
    %slice3A = vector.extract_strided_slice %bitcast_convert_type3A {offsets = [0, 0], sizes = [2600, 64], strides = [1, 1]} : vector<2600x128xi32> to vector<2600x64xi32>
    %shift_right_logical3A = arith.constant 16 : i32
    %shift_right_logical3A_3 = vector.broadcast %shift_right_logical3A : i32 to vector<2600x64xi32>
    %shift_right_logical3A_4 = arith.shrui %slice3A, %shift_right_logical3A_3 : vector<2600x64xi32>
    %slice3A_5 = vector.extract_strided_slice %bitcast_convert_type3A {offsets = [0, 64], sizes = [2600, 64], strides = [1, 1]} : vector<2600x128xi32> to vector<2600x64xi32>
    %or3A = arith.ori %shift_right_logical3A_4, %slice3A_5 : vector<2600x64xi32>
    %get3A_6 = arith.constant 0 : index
    %get3A_7 = arith.constant 0 : index
    %get3A_8 = vector.load %arg2[%get3A_6, %get3A_7] : memref<2600x128xf32, #tpu.memory_space<vmem>>, vector<2600x128xf32>
    %convert_element_type3A_9 = arith.truncf %get3A_8 : vector<2600x128xf32> to vector<2600x128xbf16>
    %convert_element_type3A_10 = arith.extf %convert_element_type3A_9 : vector<2600x128xbf16> to vector<2600x128xf32>
    %bitcast_convert_type3A_11 = tpu.bitcast %convert_element_type3A_10 : vector<2600x128xf32> -> vector<2600x128xi32>
    %slice3A_12 = vector.extract_strided_slice %bitcast_convert_type3A_11 {offsets = [0, 0], sizes = [2600, 64], strides = [1, 1]} : vector<2600x128xi32> to vector<2600x64xi32>
    %shift_right_logical3A_13 = arith.constant 16 : i32
    %shift_right_logical3A_14 = vector.broadcast %shift_right_logical3A_13 : i32 to vector<2600x64xi32>
    %shift_right_logical3A_15 = arith.shrui %slice3A_12, %shift_right_logical3A_14 : vector<2600x64xi32>
    %slice3A_16 = vector.extract_strided_slice %bitcast_convert_type3A_11 {offsets = [0, 64], sizes = [2600, 64], strides = [1, 1]} : vector<2600x128xi32> to vector<2600x64xi32>
    %or3A_17 = arith.ori %shift_right_logical3A_15, %slice3A_16 : vector<2600x64xi32>
    %concatenate3A = tpu.concatenate %or3A, %or3A_17 in 1 : vector<2600x64xi32>, vector<2600x64xi32> -> vector<2600x128xi32>
    %bitcast_convert_type3A_18 = tpu.bitcast %concatenate3A : vector<2600x128xi32> -> vector<2600x128xi32>
    %swap3A = arith.constant 0 : index
    %swap3A_19 = arith.constant 0 : index
    %swap3A_20 = vector.load %arg3[%swap3A, %swap3A_19] : memref<2600x128xi32, #tpu.memory_space<vmem>>, vector<2600x128xi32>
    tpu.vector_store %arg3[%swap3A, %swap3A_19], %bitcast_convert_type3A_18 {strides = array<i32>} : memref<2600x128xi32, #tpu.memory_space<vmem>>, vector<2600x128xi32>,
    return
  }
  func.func @transform_0(%arg0: i32) -> (i32, i32) {
    %c0_i32 = arith.constant 0 : i32
    %c0_i32_0 = arith.constant 0 : i32
    return %arg0, %c0_i32 : i32, i32
  }
  func.func @transform_1(%arg0: i32) -> (i32, i32) {
    %c0_i32 = arith.constant 0 : i32
    %c0_i32_0 = arith.constant 0 : i32
    return %arg0, %c0_i32 : i32, i32
  }
  func.func @transform_2(%arg0: i32) -> (i32, i32) {
    %c0_i32 = arith.constant 0 : i32
    %c0_i32_0 = arith.constant 0 : i32
    return %arg0, %c0_i32 : i32, i32
  }
}

module attributes {stable_mosaic.version = 14 : i64} {
  func.func @_tc_body(%arg0: i32, %arg1: memref<26x512x128xi32, #tpu.memory_space<vmem>>, %arg2: memref<512xf32, #tpu.memory_space<vmem>>, %arg3: memref<3328x1024xbf16, #tpu.memory_space<vmem>>, %arg4: memref<1x1024xf32, #tpu.memory_space<vmem>>, %arg5: memref<1024x512xbf16, #tpu.memory_space<vmem>>, %arg6: memref<1x512xf32, #tpu.memory_space<vmem>>, %arg7: memref<512x128xbf16, #tpu.memory_space<vmem>>, %arg8: memref<5xf32, #tpu.memory_space<smem>>, %arg9: memref<512xf32, #tpu.memory_space<vmem>>) attributes {dimension_semantics = [#tpu.dimension_semantics<arbitrary>], iteration_bounds = array<i64: 8>, scalar_prefetch = 0 : i64, scratch_operands = 0 : i64, tpu.core_type = #tpu.core_type<tc>, window_params = [{transform_indices = @transform_0, window_bounds = array<i64: 26, 512, 128>}, {transform_indices = @transform_1, window_bounds = array<i64: 512>}, {pipeline_mode = #tpu.pipeline_mode<synchronous>, transform_indices = @transform_2, window_bounds = array<i64: 3328, 1024>}, {pipeline_mode = #tpu.pipeline_mode<synchronous>, transform_indices = @transform_3, window_bounds = array<i64: 1, 1024>}, {pipeline_mode = #tpu.pipeline_mode<synchronous>, transform_indices = @transform_4, window_bounds = array<i64: 1024, 512>}, {pipeline_mode = #tpu.pipeline_mode<synchronous>, transform_indices = @transform_5, window_bounds = array<i64: 1, 512>}, {pipeline_mode = #tpu.pipeline_mode<synchronous>, transform_indices = @transform_6, window_bounds = array<i64: 512, 128>}, {transform_indices = @transform_7, window_bounds = array<i64: 5>}, {transform_indices = @transform_8, window_bounds = array<i64: 512>}]} {
    %broadcast_in_dim3A = arith.constant 0.000000e+00 : f32
    %broadcast_in_dim3A_0 = vector.broadcast %broadcast_in_dim3A : f32 to vector<512x128xf32>
    %broadcast_in_dim3A_1 = arith.constant 0.000000e+00 : f32
    %broadcast_in_dim3A_2 = vector.broadcast %broadcast_in_dim3A_1 : f32 to vector<512x128xf32>
    %get3A = arith.constant 0 : index
    %get3A_3 = arith.constant 0 : index
    %get3A_4 = arith.constant 0 : index
    %get3A_5 = vector.load %arg1[%get3A, %get3A_3, %get3A_4] : memref<26x512x128xi32, #tpu.memory_space<vmem>>, vector<1x512x128xi32>
    %get3A_6 = vector.shape_cast %get3A_5 : vector<1x512x128xi32> to vector<512x128xi32>
    %bitcast_convert_type3A = tpu.bitcast %get3A_6 : vector<512x128xi32> -> vector<512x128xi32>
    %slice3A = vector.extract_strided_slice %bitcast_convert_type3A {offsets = [0, 0], sizes = [512, 64], strides = [1, 1]} : vector<512x128xi32> to vector<512x64xi32>
    %shift_left3A = arith.constant 16 : i32
    %shift_left3A_7 = vector.broadcast %shift_left3A : i32 to vector<512x64xi32>
    %shift_left3A_8 = arith.shli %slice3A, %shift_left3A_7 : vector<512x64xi32>
    %bitcast_convert_type3A_9 = tpu.bitcast %shift_left3A_8 : vector<512x64xi32> -> vector<512x64xf32>
    %and3A = arith.constant -65536 : i32
    %and3A_10 = vector.broadcast %and3A : i32 to vector<512x64xi32>
    %and3A_11 = arith.andi %slice3A, %and3A_10 : vector<512x64xi32>
    %bitcast_convert_type3A_12 = tpu.bitcast %and3A_11 : vector<512x64xi32> -> vector<512x64xf32>
    %concatenate3A = tpu.concatenate %bitcast_convert_type3A_9, %bitcast_convert_type3A_12 in 1 : vector<512x64xf32>, vector<512x64xf32> -> vector<512x128xf32>
    %convert_element_type3A = arith.truncf %concatenate3A : vector<512x128xf32> to vector<512x128xbf16>
    %slice3A_13 = vector.extract_strided_slice %bitcast_convert_type3A {offsets = [0, 64], sizes = [512, 64], strides = [1, 1]} : vector<512x128xi32> to vector<512x64xi32>
    %shift_left3A_14 = arith.constant 16 : i32
    %shift_left3A_15 = vector.broadcast %shift_left3A_14 : i32 to vector<512x64xi32>
    %shift_left3A_16 = arith.shli %slice3A_13, %shift_left3A_15 : vector<512x64xi32>
    %bitcast_convert_type3A_17 = tpu.bitcast %shift_left3A_16 : vector<512x64xi32> -> vector<512x64xf32>
    %and3A_18 = arith.constant -65536 : i32
    %and3A_19 = vector.broadcast %and3A_18 : i32 to vector<512x64xi32>
    %and3A_20 = arith.andi %slice3A_13, %and3A_19 : vector<512x64xi32>
    %bitcast_convert_type3A_21 = tpu.bitcast %and3A_20 : vector<512x64xi32> -> vector<512x64xf32>
    %concatenate3A_22 = tpu.concatenate %bitcast_convert_type3A_17, %bitcast_convert_type3A_21 in 1 : vector<512x64xf32>, vector<512x64xf32> -> vector<512x128xf32>
    %add3A = arith.addf %broadcast_in_dim3A_0, %concatenate3A_22 : vector<512x128xf32>
    %mul3A = arith.mulf %concatenate3A_22, %concatenate3A_22 : vector<512x128xf32>
    %add3A_23 = arith.addf %broadcast_in_dim3A_2, %mul3A : vector<512x128xf32>
    %get3A_24 = arith.constant 1 : index
    %get3A_25 = arith.constant 0 : index
    %get3A_26 = arith.constant 0 : index
    %get3A_27 = vector.load %arg1[%get3A_24, %get3A_25, %get3A_26] : memref<26x512x128xi32, #tpu.memory_space<vmem>>, vector<1x512x128xi32>
    %get3A_28 = vector.shape_cast %get3A_27 : vector<1x512x128xi32> to vector<512x128xi32>
    %bitcast_convert_type3A_29 = tpu.bitcast %get3A_28 : vector<512x128xi32> -> vector<512x128xi32>
    %slice3A_30 = vector.extract_strided_slice %bitcast_convert_type3A_29 {offsets = [0, 0], sizes = [512, 64], strides = [1, 1]} : vector<512x128xi32> to vector<512x64xi32>
    %shift_left3A_31 = arith.constant 16 : i32
    %shift_left3A_32 = vector.broadcast %shift_left3A_31 : i32 to vector<512x64xi32>
    %shift_left3A_33 = arith.shli %slice3A_30, %shift_left3A_32 : vector<512x64xi32>
    %bitcast_convert_type3A_34 = tpu.bitcast %shift_left3A_33 : vector<512x64xi32> -> vector<512x64xf32>
    %and3A_35 = arith.constant -65536 : i32
    %and3A_36 = vector.broadcast %and3A_35 : i32 to vector<512x64xi32>
    %and3A_37 = arith.andi %slice3A_30, %and3A_36 : vector<512x64xi32>
    %bitcast_convert_type3A_38 = tpu.bitcast %and3A_37 : vector<512x64xi32> -> vector<512x64xf32>
    %concatenate3A_39 = tpu.concatenate %bitcast_convert_type3A_34, %bitcast_convert_type3A_38 in 1 : vector<512x64xf32>, vector<512x64xf32> -> vector<512x128xf32>
    %convert_element_type3A_40 = arith.truncf %concatenate3A_39 : vector<512x128xf32> to vector<512x128xbf16>
    %slice3A_41 = vector.extract_strided_slice %bitcast_convert_type3A_29 {offsets = [0, 64], sizes = [512, 64], strides = [1, 1]} : vector<512x128xi32> to vector<512x64xi32>
    %shift_left3A_42 = arith.constant 16 : i32
    %shift_left3A_43 = vector.broadcast %shift_left3A_42 : i32 to vector<512x64xi32>
    %shift_left3A_44 = arith.shli %slice3A_41, %shift_left3A_43 : vector<512x64xi32>
    %bitcast_convert_type3A_45 = tpu.bitcast %shift_left3A_44 : vector<512x64xi32> -> vector<512x64xf32>
    %and3A_46 = arith.constant -65536 : i32
    %and3A_47 = vector.broadcast %and3A_46 : i32 to vector<512x64xi32>
    %and3A_48 = arith.andi %slice3A_41, %and3A_47 : vector<512x64xi32>
    %bitcast_convert_type3A_49 = tpu.bitcast %and3A_48 : vector<512x64xi32> -> vector<512x64xf32>
    %concatenate3A_50 = tpu.concatenate %bitcast_convert_type3A_45, %bitcast_convert_type3A_49 in 1 : vector<512x64xf32>, vector<512x64xf32> -> vector<512x128xf32>
    %add3A_51 = arith.addf %add3A, %concatenate3A_50 : vector<512x128xf32>
    %mul3A_52 = arith.mulf %concatenate3A_50, %concatenate3A_50 : vector<512x128xf32>
    %add3A_53 = arith.addf %add3A_23, %mul3A_52 : vector<512x128xf32>
    %get3A_54 = arith.constant 2 : index
    %get3A_55 = arith.constant 0 : index
    %get3A_56 = arith.constant 0 : index
    %get3A_57 = vector.load %arg1[%get3A_54, %get3A_55, %get3A_56] : memref<26x512x128xi32, #tpu.memory_space<vmem>>, vector<1x512x128xi32>
    %get3A_58 = vector.shape_cast %get3A_57 : vector<1x512x128xi32> to vector<512x128xi32>
    %bitcast_convert_type3A_59 = tpu.bitcast %get3A_58 : vector<512x128xi32> -> vector<512x128xi32>
    %slice3A_60 = vector.extract_strided_slice %bitcast_convert_type3A_59 {offsets = [0, 0], sizes = [512, 64], strides = [1, 1]} : vector<512x128xi32> to vector<512x64xi32>
    %shift_left3A_61 = arith.constant 16 : i32
    %shift_left3A_62 = vector.broadcast %shift_left3A_61 : i32 to vector<512x64xi32>
    %shift_left3A_63 = arith.shli %slice3A_60, %shift_left3A_62 : vector<512x64xi32>
    %bitcast_convert_type3A_64 = tpu.bitcast %shift_left3A_63 : vector<512x64xi32> -> vector<512x64xf32>
    %and3A_65 = arith.constant -65536 : i32
    %and3A_66 = vector.broadcast %and3A_65 : i32 to vector<512x64xi32>
    %and3A_67 = arith.andi %slice3A_60, %and3A_66 : vector<512x64xi32>
    %bitcast_convert_type3A_68 = tpu.bitcast %and3A_67 : vector<512x64xi32> -> vector<512x64xf32>
    %concatenate3A_69 = tpu.concatenate %bitcast_convert_type3A_64, %bitcast_convert_type3A_68 in 1 : vector<512x64xf32>, vector<512x64xf32> -> vector<512x128xf32>
    %convert_element_type3A_70 = arith.truncf %concatenate3A_69 : vector<512x128xf32> to vector<512x128xbf16>
    %slice3A_71 = vector.extract_strided_slice %bitcast_convert_type3A_59 {offsets = [0, 64], sizes = [512, 64], strides = [1, 1]} : vector<512x128xi32> to vector<512x64xi32>
    %shift_left3A_72 = arith.constant 16 : i32
    %shift_left3A_73 = vector.broadcast %shift_left3A_72 : i32 to vector<512x64xi32>
    %shift_left3A_74 = arith.shli %slice3A_71, %shift_left3A_73 : vector<512x64xi32>
    %bitcast_convert_type3A_75 = tpu.bitcast %shift_left3A_74 : vector<512x64xi32> -> vector<512x64xf32>
    %and3A_76 = arith.constant -65536 : i32
    %and3A_77 = vector.broadcast %and3A_76 : i32 to vector<512x64xi32>
    %and3A_78 = arith.andi %slice3A_71, %and3A_77 : vector<512x64xi32>
    %bitcast_convert_type3A_79 = tpu.bitcast %and3A_78 : vector<512x64xi32> -> vector<512x64xf32>
    %concatenate3A_80 = tpu.concatenate %bitcast_convert_type3A_75, %bitcast_convert_type3A_79 in 1 : vector<512x64xf32>, vector<512x64xf32> -> vector<512x128xf32>
    %add3A_81 = arith.addf %add3A_51, %concatenate3A_80 : vector<512x128xf32>
    %mul3A_82 = arith.mulf %concatenate3A_80, %concatenate3A_80 : vector<512x128xf32>
    %add3A_83 = arith.addf %add3A_53, %mul3A_82 : vector<512x128xf32>
    %get3A_84 = arith.constant 3 : index
    %get3A_85 = arith.constant 0 : index
    %get3A_86 = arith.constant 0 : index
    %get3A_87 = vector.load %arg1[%get3A_84, %get3A_85, %get3A_86] : memref<26x512x128xi32, #tpu.memory_space<vmem>>, vector<1x512x128xi32>
    %get3A_88 = vector.shape_cast %get3A_87 : vector<1x512x128xi32> to vector<512x128xi32>
    %bitcast_convert_type3A_89 = tpu.bitcast %get3A_88 : vector<512x128xi32> -> vector<512x128xi32>
    %slice3A_90 = vector.extract_strided_slice %bitcast_convert_type3A_89 {offsets = [0, 0], sizes = [512, 64], strides = [1, 1]} : vector<512x128xi32> to vector<512x64xi32>
    %shift_left3A_91 = arith.constant 16 : i32
    %shift_left3A_92 = vector.broadcast %shift_left3A_91 : i32 to vector<512x64xi32>
    %shift_left3A_93 = arith.shli %slice3A_90, %shift_left3A_92 : vector<512x64xi32>
    %bitcast_convert_type3A_94 = tpu.bitcast %shift_left3A_93 : vector<512x64xi32> -> vector<512x64xf32>
    %and3A_95 = arith.constant -65536 : i32
    %and3A_96 = vector.broadcast %and3A_95 : i32 to vector<512x64xi32>
    %and3A_97 = arith.andi %slice3A_90, %and3A_96 : vector<512x64xi32>
    %bitcast_convert_type3A_98 = tpu.bitcast %and3A_97 : vector<512x64xi32> -> vector<512x64xf32>
    %concatenate3A_99 = tpu.concatenate %bitcast_convert_type3A_94, %bitcast_convert_type3A_98 in 1 : vector<512x64xf32>, vector<512x64xf32> -> vector<512x128xf32>
    %convert_element_type3A_100 = arith.truncf %concatenate3A_99 : vector<512x128xf32> to vector<512x128xbf16>
    %slice3A_101 = vector.extract_strided_slice %bitcast_convert_type3A_89 {offsets = [0, 64], sizes = [512, 64], strides = [1, 1]} : vector<512x128xi32> to vector<512x64xi32>
    %shift_left3A_102 = arith.constant 16 : i32
    %shift_left3A_103 = vector.broadcast %shift_left3A_102 : i32 to vector<512x64xi32>
    %shift_left3A_104 = arith.shli %slice3A_101, %shift_left3A_103 : vector<512x64xi32>
    %bitcast_convert_type3A_105 = tpu.bitcast %shift_left3A_104 : vector<512x64xi32> -> vector<512x64xf32>
    %and3A_106 = arith.constant -65536 : i32
    %and3A_107 = vector.broadcast %and3A_106 : i32 to vector<512x64xi32>
    %and3A_108 = arith.andi %slice3A_101, %and3A_107 : vector<512x64xi32>
    %bitcast_convert_type3A_109 = tpu.bitcast %and3A_108 : vector<512x64xi32> -> vector<512x64xf32>
    %concatenate3A_110 = tpu.concatenate %bitcast_convert_type3A_105, %bitcast_convert_type3A_109 in 1 : vector<512x64xf32>, vector<512x64xf32> -> vector<512x128xf32>
    %add3A_111 = arith.addf %add3A_81, %concatenate3A_110 : vector<512x128xf32>
    %mul3A_112 = arith.mulf %concatenate3A_110, %concatenate3A_110 : vector<512x128xf32>
    %add3A_113 = arith.addf %add3A_83, %mul3A_112 : vector<512x128xf32>
    %get3A_114 = arith.constant 4 : index
    %get3A_115 = arith.constant 0 : index
    %get3A_116 = arith.constant 0 : index
    %get3A_117 = vector.load %arg1[%get3A_114, %get3A_115, %get3A_116] : memref<26x512x128xi32, #tpu.memory_space<vmem>>, vector<1x512x128xi32>
    %get3A_118 = vector.shape_cast %get3A_117 : vector<1x512x128xi32> to vector<512x128xi32>
    %bitcast_convert_type3A_119 = tpu.bitcast %get3A_118 : vector<512x128xi32> -> vector<512x128xi32>
    %slice3A_120 = vector.extract_strided_slice %bitcast_convert_type3A_119 {offsets = [0, 0], sizes = [512, 64], strides = [1, 1]} : vector<512x128xi32> to vector<512x64xi32>
    %shift_left3A_121 = arith.constant 16 : i32
    %shift_left3A_122 = vector.broadcast %shift_left3A_121 : i32 to vector<512x64xi32>
    %shift_left3A_123 = arith.shli %slice3A_120, %shift_left3A_122 : vector<512x64xi32>
    %bitcast_convert_type3A_124 = tpu.bitcast %shift_left3A_123 : vector<512x64xi32> -> vector<512x64xf32>
    %and3A_125 = arith.constant -65536 : i32
    %and3A_126 = vector.broadcast %and3A_125 : i32 to vector<512x64xi32>
    %and3A_127 = arith.andi %slice3A_120, %and3A_126 : vector<512x64xi32>
    %bitcast_convert_type3A_128 = tpu.bitcast %and3A_127 : vector<512x64xi32> -> vector<512x64xf32>
    %concatenate3A_129 = tpu.concatenate %bitcast_convert_type3A_124, %bitcast_convert_type3A_128 in 1 : vector<512x64xf32>, vector<512x64xf32> -> vector<512x128xf32>
    %convert_element_type3A_130 = arith.truncf %concatenate3A_129 : vector<512x128xf32> to vector<512x128xbf16>
    %slice3A_131 = vector.extract_strided_slice %bitcast_convert_type3A_119 {offsets = [0, 64], sizes = [512, 64], strides = [1, 1]} : vector<512x128xi32> to vector<512x64xi32>
    %shift_left3A_132 = arith.constant 16 : i32
    %shift_left3A_133 = vector.broadcast %shift_left3A_132 : i32 to vector<512x64xi32>
    %shift_left3A_134 = arith.shli %slice3A_131, %shift_left3A_133 : vector<512x64xi32>
    %bitcast_convert_type3A_135 = tpu.bitcast %shift_left3A_134 : vector<512x64xi32> -> vector<512x64xf32>
    %and3A_136 = arith.constant -65536 : i32
    %and3A_137 = vector.broadcast %and3A_136 : i32 to vector<512x64xi32>
    %and3A_138 = arith.andi %slice3A_131, %and3A_137 : vector<512x64xi32>
    %bitcast_convert_type3A_139 = tpu.bitcast %and3A_138 : vector<512x64xi32> -> vector<512x64xf32>
    %concatenate3A_140 = tpu.concatenate %bitcast_convert_type3A_135, %bitcast_convert_type3A_139 in 1 : vector<512x64xf32>, vector<512x64xf32> -> vector<512x128xf32>
    %add3A_141 = arith.addf %add3A_111, %concatenate3A_140 : vector<512x128xf32>
    %mul3A_142 = arith.mulf %concatenate3A_140, %concatenate3A_140 : vector<512x128xf32>
    %add3A_143 = arith.addf %add3A_113, %mul3A_142 : vector<512x128xf32>
    %get3A_144 = arith.constant 5 : index
    %get3A_145 = arith.constant 0 : index
    %get3A_146 = arith.constant 0 : index
    %get3A_147 = vector.load %arg1[%get3A_144, %get3A_145, %get3A_146] : memref<26x512x128xi32, #tpu.memory_space<vmem>>, vector<1x512x128xi32>
    %get3A_148 = vector.shape_cast %get3A_147 : vector<1x512x128xi32> to vector<512x128xi32>
    %bitcast_convert_type3A_149 = tpu.bitcast %get3A_148 : vector<512x128xi32> -> vector<512x128xi32>
    %slice3A_150 = vector.extract_strided_slice %bitcast_convert_type3A_149 {offsets = [0, 0], sizes = [512, 64], strides = [1, 1]} : vector<512x128xi32> to vector<512x64xi32>
    %shift_left3A_151 = arith.constant 16 : i32
    %shift_left3A_152 = vector.broadcast %shift_left3A_151 : i32 to vector<512x64xi32>
    %shift_left3A_153 = arith.shli %slice3A_150, %shift_left3A_152 : vector<512x64xi32>
    %bitcast_convert_type3A_154 = tpu.bitcast %shift_left3A_153 : vector<512x64xi32> -> vector<512x64xf32>
    %and3A_155 = arith.constant -65536 : i32
    %and3A_156 = vector.broadcast %and3A_155 : i32 to vector<512x64xi32>
    %and3A_157 = arith.andi %slice3A_150, %and3A_156 : vector<512x64xi32>
    %bitcast_convert_type3A_158 = tpu.bitcast %and3A_157 : vector<512x64xi32> -> vector<512x64xf32>
    %concatenate3A_159 = tpu.concatenate %bitcast_convert_type3A_154, %bitcast_convert_type3A_158 in 1 : vector<512x64xf32>, vector<512x64xf32> -> vector<512x128xf32>
    %convert_element_type3A_160 = arith.truncf %concatenate3A_159 : vector<512x128xf32> to vector<512x128xbf16>
    %slice3A_161 = vector.extract_strided_slice %bitcast_convert_type3A_149 {offsets = [0, 64], sizes = [512, 64], strides = [1, 1]} : vector<512x128xi32> to vector<512x64xi32>
    %shift_left3A_162 = arith.constant 16 : i32
    %shift_left3A_163 = vector.broadcast %shift_left3A_162 : i32 to vector<512x64xi32>
    %shift_left3A_164 = arith.shli %slice3A_161, %shift_left3A_163 : vector<512x64xi32>
    %bitcast_convert_type3A_165 = tpu.bitcast %shift_left3A_164 : vector<512x64xi32> -> vector<512x64xf32>
    %and3A_166 = arith.constant -65536 : i32
    %and3A_167 = vector.broadcast %and3A_166 : i32 to vector<512x64xi32>
    %and3A_168 = arith.andi %slice3A_161, %and3A_167 : vector<512x64xi32>
    %bitcast_convert_type3A_169 = tpu.bitcast %and3A_168 : vector<512x64xi32> -> vector<512x64xf32>
    %concatenate3A_170 = tpu.concatenate %bitcast_convert_type3A_165, %bitcast_convert_type3A_169 in 1 : vector<512x64xf32>, vector<512x64xf32> -> vector<512x128xf32>
    %add3A_171 = arith.addf %add3A_141, %concatenate3A_170 : vector<512x128xf32>
    %mul3A_172 = arith.mulf %concatenate3A_170, %concatenate3A_170 : vector<512x128xf32>
    %add3A_173 = arith.addf %add3A_143, %mul3A_172 : vector<512x128xf32>
    %get3A_174 = arith.constant 6 : index
    %get3A_175 = arith.constant 0 : index
    %get3A_176 = arith.constant 0 : index
    %get3A_177 = vector.load %arg1[%get3A_174, %get3A_175, %get3A_176] : memref<26x512x128xi32, #tpu.memory_space<vmem>>, vector<1x512x128xi32>
    %get3A_178 = vector.shape_cast %get3A_177 : vector<1x512x128xi32> to vector<512x128xi32>
    %bitcast_convert_type3A_179 = tpu.bitcast %get3A_178 : vector<512x128xi32> -> vector<512x128xi32>
    %slice3A_180 = vector.extract_strided_slice %bitcast_convert_type3A_179 {offsets = [0, 0], sizes = [512, 64], strides = [1, 1]} : vector<512x128xi32> to vector<512x64xi32>
    %shift_left3A_181 = arith.constant 16 : i32
    %shift_left3A_182 = vector.broadcast %shift_left3A_181 : i32 to vector<512x64xi32>
    %shift_left3A_183 = arith.shli %slice3A_180, %shift_left3A_182 : vector<512x64xi32>
    %bitcast_convert_type3A_184 = tpu.bitcast %shift_left3A_183 : vector<512x64xi32> -> vector<512x64xf32>
    %and3A_185 = arith.constant -65536 : i32
    %and3A_186 = vector.broadcast %and3A_185 : i32 to vector<512x64xi32>
    %and3A_187 = arith.andi %slice3A_180, %and3A_186 : vector<512x64xi32>
    %bitcast_convert_type3A_188 = tpu.bitcast %and3A_187 : vector<512x64xi32> -> vector<512x64xf32>
    %concatenate3A_189 = tpu.concatenate %bitcast_convert_type3A_184, %bitcast_convert_type3A_188 in 1 : vector<512x64xf32>, vector<512x64xf32> -> vector<512x128xf32>
    %convert_element_type3A_190 = arith.truncf %concatenate3A_189 : vector<512x128xf32> to vector<512x128xbf16>
    %slice3A_191 = vector.extract_strided_slice %bitcast_convert_type3A_179 {offsets = [0, 64], sizes = [512, 64], strides = [1, 1]} : vector<512x128xi32> to vector<512x64xi32>
    %shift_left3A_192 = arith.constant 16 : i32
    %shift_left3A_193 = vector.broadcast %shift_left3A_192 : i32 to vector<512x64xi32>
    %shift_left3A_194 = arith.shli %slice3A_191, %shift_left3A_193 : vector<512x64xi32>
    %bitcast_convert_type3A_195 = tpu.bitcast %shift_left3A_194 : vector<512x64xi32> -> vector<512x64xf32>
    %and3A_196 = arith.constant -65536 : i32
    %and3A_197 = vector.broadcast %and3A_196 : i32 to vector<512x64xi32>
    %and3A_198 = arith.andi %slice3A_191, %and3A_197 : vector<512x64xi32>
    %bitcast_convert_type3A_199 = tpu.bitcast %and3A_198 : vector<512x64xi32> -> vector<512x64xf32>
    %concatenate3A_200 = tpu.concatenate %bitcast_convert_type3A_195, %bitcast_convert_type3A_199 in 1 : vector<512x64xf32>, vector<512x64xf32> -> vector<512x128xf32>
    %add3A_201 = arith.addf %add3A_171, %concatenate3A_200 : vector<512x128xf32>
    %mul3A_202 = arith.mulf %concatenate3A_200, %concatenate3A_200 : vector<512x128xf32>
    %add3A_203 = arith.addf %add3A_173, %mul3A_202 : vector<512x128xf32>
    %get3A_204 = arith.constant 7 : index
    %get3A_205 = arith.constant 0 : index
    %get3A_206 = arith.constant 0 : index
    %get3A_207 = vector.load %arg1[%get3A_204, %get3A_205, %get3A_206] : memref<26x512x128xi32, #tpu.memory_space<vmem>>, vector<1x512x128xi32>
    %get3A_208 = vector.shape_cast %get3A_207 : vector<1x512x128xi32> to vector<512x128xi32>
    %bitcast_convert_type3A_209 = tpu.bitcast %get3A_208 : vector<512x128xi32> -> vector<512x128xi32>
    %slice3A_210 = vector.extract_strided_slice %bitcast_convert_type3A_209 {offsets = [0, 0], sizes = [512, 64], strides = [1, 1]} : vector<512x128xi32> to vector<512x64xi32>
    %shift_left3A_211 = arith.constant 16 : i32
    %shift_left3A_212 = vector.broadcast %shift_left3A_211 : i32 to vector<512x64xi32>
    %shift_left3A_213 = arith.shli %slice3A_210, %shift_left3A_212 : vector<512x64xi32>
    %bitcast_convert_type3A_214 = tpu.bitcast %shift_left3A_213 : vector<512x64xi32> -> vector<512x64xf32>
    %and3A_215 = arith.constant -65536 : i32
    %and3A_216 = vector.broadcast %and3A_215 : i32 to vector<512x64xi32>
    %and3A_217 = arith.andi %slice3A_210, %and3A_216 : vector<512x64xi32>
    %bitcast_convert_type3A_218 = tpu.bitcast %and3A_217 : vector<512x64xi32> -> vector<512x64xf32>
    %concatenate3A_219 = tpu.concatenate %bitcast_convert_type3A_214, %bitcast_convert_type3A_218 in 1 : vector<512x64xf32>, vector<512x64xf32> -> vector<512x128xf32>
    %convert_element_type3A_220 = arith.truncf %concatenate3A_219 : vector<512x128xf32> to vector<512x128xbf16>
    %slice3A_221 = vector.extract_strided_slice %bitcast_convert_type3A_209 {offsets = [0, 64], sizes = [512, 64], strides = [1, 1]} : vector<512x128xi32> to vector<512x64xi32>
    %shift_left3A_222 = arith.constant 16 : i32
    %shift_left3A_223 = vector.broadcast %shift_left3A_222 : i32 to vector<512x64xi32>
    %shift_left3A_224 = arith.shli %slice3A_221, %shift_left3A_223 : vector<512x64xi32>
    %bitcast_convert_type3A_225 = tpu.bitcast %shift_left3A_224 : vector<512x64xi32> -> vector<512x64xf32>
    %and3A_226 = arith.constant -65536 : i32
    %and3A_227 = vector.broadcast %and3A_226 : i32 to vector<512x64xi32>
    %and3A_228 = arith.andi %slice3A_221, %and3A_227 : vector<512x64xi32>
    %bitcast_convert_type3A_229 = tpu.bitcast %and3A_228 : vector<512x64xi32> -> vector<512x64xf32>
    %concatenate3A_230 = tpu.concatenate %bitcast_convert_type3A_225, %bitcast_convert_type3A_229 in 1 : vector<512x64xf32>, vector<512x64xf32> -> vector<512x128xf32>
    %add3A_231 = arith.addf %add3A_201, %concatenate3A_230 : vector<512x128xf32>
    %mul3A_232 = arith.mulf %concatenate3A_230, %concatenate3A_230 : vector<512x128xf32>
    %add3A_233 = arith.addf %add3A_203, %mul3A_232 : vector<512x128xf32>
    %get3A_234 = arith.constant 8 : index
    %get3A_235 = arith.constant 0 : index
    %get3A_236 = arith.constant 0 : index
    %get3A_237 = vector.load %arg1[%get3A_234, %get3A_235, %get3A_236] : memref<26x512x128xi32, #tpu.memory_space<vmem>>, vector<1x512x128xi32>
    %get3A_238 = vector.shape_cast %get3A_237 : vector<1x512x128xi32> to vector<512x128xi32>
    %bitcast_convert_type3A_239 = tpu.bitcast %get3A_238 : vector<512x128xi32> -> vector<512x128xi32>
    %slice3A_240 = vector.extract_strided_slice %bitcast_convert_type3A_239 {offsets = [0, 0], sizes = [512, 64], strides = [1, 1]} : vector<512x128xi32> to vector<512x64xi32>
    %shift_left3A_241 = arith.constant 16 : i32
    %shift_left3A_242 = vector.broadcast %shift_left3A_241 : i32 to vector<512x64xi32>
    %shift_left3A_243 = arith.shli %slice3A_240, %shift_left3A_242 : vector<512x64xi32>
    %bitcast_convert_type3A_244 = tpu.bitcast %shift_left3A_243 : vector<512x64xi32> -> vector<512x64xf32>
    %and3A_245 = arith.constant -65536 : i32
    %and3A_246 = vector.broadcast %and3A_245 : i32 to vector<512x64xi32>
    %and3A_247 = arith.andi %slice3A_240, %and3A_246 : vector<512x64xi32>
    %bitcast_convert_type3A_248 = tpu.bitcast %and3A_247 : vector<512x64xi32> -> vector<512x64xf32>
    %concatenate3A_249 = tpu.concatenate %bitcast_convert_type3A_244, %bitcast_convert_type3A_248 in 1 : vector<512x64xf32>, vector<512x64xf32> -> vector<512x128xf32>
    %convert_element_type3A_250 = arith.truncf %concatenate3A_249 : vector<512x128xf32> to vector<512x128xbf16>
    %slice3A_251 = vector.extract_strided_slice %bitcast_convert_type3A_239 {offsets = [0, 64], sizes = [512, 64], strides = [1, 1]} : vector<512x128xi32> to vector<512x64xi32>
    %shift_left3A_252 = arith.constant 16 : i32
    %shift_left3A_253 = vector.broadcast %shift_left3A_252 : i32 to vector<512x64xi32>
    %shift_left3A_254 = arith.shli %slice3A_251, %shift_left3A_253 : vector<512x64xi32>
    %bitcast_convert_type3A_255 = tpu.bitcast %shift_left3A_254 : vector<512x64xi32> -> vector<512x64xf32>
    %and3A_256 = arith.constant -65536 : i32
    %and3A_257 = vector.broadcast %and3A_256 : i32 to vector<512x64xi32>
    %and3A_258 = arith.andi %slice3A_251, %and3A_257 : vector<512x64xi32>
    %bitcast_convert_type3A_259 = tpu.bitcast %and3A_258 : vector<512x64xi32> -> vector<512x64xf32>
    %concatenate3A_260 = tpu.concatenate %bitcast_convert_type3A_255, %bitcast_convert_type3A_259 in 1 : vector<512x64xf32>, vector<512x64xf32> -> vector<512x128xf32>
    %add3A_261 = arith.addf %add3A_231, %concatenate3A_260 : vector<512x128xf32>
    %mul3A_262 = arith.mulf %concatenate3A_260, %concatenate3A_260 : vector<512x128xf32>
    %add3A_263 = arith.addf %add3A_233, %mul3A_262 : vector<512x128xf32>
    %get3A_264 = arith.constant 9 : index
    %get3A_265 = arith.constant 0 : index
    %get3A_266 = arith.constant 0 : index
    %get3A_267 = vector.load %arg1[%get3A_264, %get3A_265, %get3A_266] : memref<26x512x128xi32, #tpu.memory_space<vmem>>, vector<1x512x128xi32>
    %get3A_268 = vector.shape_cast %get3A_267 : vector<1x512x128xi32> to vector<512x128xi32>
    %bitcast_convert_type3A_269 = tpu.bitcast %get3A_268 : vector<512x128xi32> -> vector<512x128xi32>
    %slice3A_270 = vector.extract_strided_slice %bitcast_convert_type3A_269 {offsets = [0, 0], sizes = [512, 64], strides = [1, 1]} : vector<512x128xi32> to vector<512x64xi32>
    %shift_left3A_271 = arith.constant 16 : i32
    %shift_left3A_272 = vector.broadcast %shift_left3A_271 : i32 to vector<512x64xi32>
    %shift_left3A_273 = arith.shli %slice3A_270, %shift_left3A_272 : vector<512x64xi32>
    %bitcast_convert_type3A_274 = tpu.bitcast %shift_left3A_273 : vector<512x64xi32> -> vector<512x64xf32>
    %and3A_275 = arith.constant -65536 : i32
    %and3A_276 = vector.broadcast %and3A_275 : i32 to vector<512x64xi32>
    %and3A_277 = arith.andi %slice3A_270, %and3A_276 : vector<512x64xi32>
    %bitcast_convert_type3A_278 = tpu.bitcast %and3A_277 : vector<512x64xi32> -> vector<512x64xf32>
    %concatenate3A_279 = tpu.concatenate %bitcast_convert_type3A_274, %bitcast_convert_type3A_278 in 1 : vector<512x64xf32>, vector<512x64xf32> -> vector<512x128xf32>
    %convert_element_type3A_280 = arith.truncf %concatenate3A_279 : vector<512x128xf32> to vector<512x128xbf16>
    %slice3A_281 = vector.extract_strided_slice %bitcast_convert_type3A_269 {offsets = [0, 64], sizes = [512, 64], strides = [1, 1]} : vector<512x128xi32> to vector<512x64xi32>
    %shift_left3A_282 = arith.constant 16 : i32
    %shift_left3A_283 = vector.broadcast %shift_left3A_282 : i32 to vector<512x64xi32>
    %shift_left3A_284 = arith.shli %slice3A_281, %shift_left3A_283 : vector<512x64xi32>
    %bitcast_convert_type3A_285 = tpu.bitcast %shift_left3A_284 : vector<512x64xi32> -> vector<512x64xf32>
    %and3A_286 = arith.constant -65536 : i32
    %and3A_287 = vector.broadcast %and3A_286 : i32 to vector<512x64xi32>
    %and3A_288 = arith.andi %slice3A_281, %and3A_287 : vector<512x64xi32>
    %bitcast_convert_type3A_289 = tpu.bitcast %and3A_288 : vector<512x64xi32> -> vector<512x64xf32>
    %concatenate3A_290 = tpu.concatenate %bitcast_convert_type3A_285, %bitcast_convert_type3A_289 in 1 : vector<512x64xf32>, vector<512x64xf32> -> vector<512x128xf32>
    %add3A_291 = arith.addf %add3A_261, %concatenate3A_290 : vector<512x128xf32>
    %mul3A_292 = arith.mulf %concatenate3A_290, %concatenate3A_290 : vector<512x128xf32>
    %add3A_293 = arith.addf %add3A_263, %mul3A_292 : vector<512x128xf32>
    %get3A_294 = arith.constant 10 : index
    %get3A_295 = arith.constant 0 : index
    %get3A_296 = arith.constant 0 : index
    %get3A_297 = vector.load %arg1[%get3A_294, %get3A_295, %get3A_296] : memref<26x512x128xi32, #tpu.memory_space<vmem>>, vector<1x512x128xi32>
    %get3A_298 = vector.shape_cast %get3A_297 : vector<1x512x128xi32> to vector<512x128xi32>
    %bitcast_convert_type3A_299 = tpu.bitcast %get3A_298 : vector<512x128xi32> -> vector<512x128xi32>
    %slice3A_300 = vector.extract_strided_slice %bitcast_convert_type3A_299 {offsets = [0, 0], sizes = [512, 64], strides = [1, 1]} : vector<512x128xi32> to vector<512x64xi32>
    %shift_left3A_301 = arith.constant 16 : i32
    %shift_left3A_302 = vector.broadcast %shift_left3A_301 : i32 to vector<512x64xi32>
    %shift_left3A_303 = arith.shli %slice3A_300, %shift_left3A_302 : vector<512x64xi32>
    %bitcast_convert_type3A_304 = tpu.bitcast %shift_left3A_303 : vector<512x64xi32> -> vector<512x64xf32>
    %and3A_305 = arith.constant -65536 : i32
    %and3A_306 = vector.broadcast %and3A_305 : i32 to vector<512x64xi32>
    %and3A_307 = arith.andi %slice3A_300, %and3A_306 : vector<512x64xi32>
    %bitcast_convert_type3A_308 = tpu.bitcast %and3A_307 : vector<512x64xi32> -> vector<512x64xf32>
    %concatenate3A_309 = tpu.concatenate %bitcast_convert_type3A_304, %bitcast_convert_type3A_308 in 1 : vector<512x64xf32>, vector<512x64xf32> -> vector<512x128xf32>
    %convert_element_type3A_310 = arith.truncf %concatenate3A_309 : vector<512x128xf32> to vector<512x128xbf16>
    %slice3A_311 = vector.extract_strided_slice %bitcast_convert_type3A_299 {offsets = [0, 64], sizes = [512, 64], strides = [1, 1]} : vector<512x128xi32> to vector<512x64xi32>
    %shift_left3A_312 = arith.constant 16 : i32
    %shift_left3A_313 = vector.broadcast %shift_left3A_312 : i32 to vector<512x64xi32>
    %shift_left3A_314 = arith.shli %slice3A_311, %shift_left3A_313 : vector<512x64xi32>
    %bitcast_convert_type3A_315 = tpu.bitcast %shift_left3A_314 : vector<512x64xi32> -> vector<512x64xf32>
    %and3A_316 = arith.constant -65536 : i32
    %and3A_317 = vector.broadcast %and3A_316 : i32 to vector<512x64xi32>
    %and3A_318 = arith.andi %slice3A_311, %and3A_317 : vector<512x64xi32>
    %bitcast_convert_type3A_319 = tpu.bitcast %and3A_318 : vector<512x64xi32> -> vector<512x64xf32>
    %concatenate3A_320 = tpu.concatenate %bitcast_convert_type3A_315, %bitcast_convert_type3A_319 in 1 : vector<512x64xf32>, vector<512x64xf32> -> vector<512x128xf32>
    %add3A_321 = arith.addf %add3A_291, %concatenate3A_320 : vector<512x128xf32>
    %mul3A_322 = arith.mulf %concatenate3A_320, %concatenate3A_320 : vector<512x128xf32>
    %add3A_323 = arith.addf %add3A_293, %mul3A_322 : vector<512x128xf32>
    %get3A_324 = arith.constant 11 : index
    %get3A_325 = arith.constant 0 : index
    %get3A_326 = arith.constant 0 : index
    %get3A_327 = vector.load %arg1[%get3A_324, %get3A_325, %get3A_326] : memref<26x512x128xi32, #tpu.memory_space<vmem>>, vector<1x512x128xi32>
    %get3A_328 = vector.shape_cast %get3A_327 : vector<1x512x128xi32> to vector<512x128xi32>
    %bitcast_convert_type3A_329 = tpu.bitcast %get3A_328 : vector<512x128xi32> -> vector<512x128xi32>
    %slice3A_330 = vector.extract_strided_slice %bitcast_convert_type3A_329 {offsets = [0, 0], sizes = [512, 64], strides = [1, 1]} : vector<512x128xi32> to vector<512x64xi32>
    %shift_left3A_331 = arith.constant 16 : i32
    %shift_left3A_332 = vector.broadcast %shift_left3A_331 : i32 to vector<512x64xi32>
    %shift_left3A_333 = arith.shli %slice3A_330, %shift_left3A_332 : vector<512x64xi32>
    %bitcast_convert_type3A_334 = tpu.bitcast %shift_left3A_333 : vector<512x64xi32> -> vector<512x64xf32>
    %and3A_335 = arith.constant -65536 : i32
    %and3A_336 = vector.broadcast %and3A_335 : i32 to vector<512x64xi32>
    %and3A_337 = arith.andi %slice3A_330, %and3A_336 : vector<512x64xi32>
    %bitcast_convert_type3A_338 = tpu.bitcast %and3A_337 : vector<512x64xi32> -> vector<512x64xf32>
    %concatenate3A_339 = tpu.concatenate %bitcast_convert_type3A_334, %bitcast_convert_type3A_338 in 1 : vector<512x64xf32>, vector<512x64xf32> -> vector<512x128xf32>
    %convert_element_type3A_340 = arith.truncf %concatenate3A_339 : vector<512x128xf32> to vector<512x128xbf16>
    %slice3A_341 = vector.extract_strided_slice %bitcast_convert_type3A_329 {offsets = [0, 64], sizes = [512, 64], strides = [1, 1]} : vector<512x128xi32> to vector<512x64xi32>
    %shift_left3A_342 = arith.constant 16 : i32
    %shift_left3A_343 = vector.broadcast %shift_left3A_342 : i32 to vector<512x64xi32>
    %shift_left3A_344 = arith.shli %slice3A_341, %shift_left3A_343 : vector<512x64xi32>
    %bitcast_convert_type3A_345 = tpu.bitcast %shift_left3A_344 : vector<512x64xi32> -> vector<512x64xf32>
    %and3A_346 = arith.constant -65536 : i32
    %and3A_347 = vector.broadcast %and3A_346 : i32 to vector<512x64xi32>
    %and3A_348 = arith.andi %slice3A_341, %and3A_347 : vector<512x64xi32>
    %bitcast_convert_type3A_349 = tpu.bitcast %and3A_348 : vector<512x64xi32> -> vector<512x64xf32>
    %concatenate3A_350 = tpu.concatenate %bitcast_convert_type3A_345, %bitcast_convert_type3A_349 in 1 : vector<512x64xf32>, vector<512x64xf32> -> vector<512x128xf32>
    %add3A_351 = arith.addf %add3A_321, %concatenate3A_350 : vector<512x128xf32>
    %mul3A_352 = arith.mulf %concatenate3A_350, %concatenate3A_350 : vector<512x128xf32>
    %add3A_353 = arith.addf %add3A_323, %mul3A_352 : vector<512x128xf32>
    %get3A_354 = arith.constant 12 : index
    %get3A_355 = arith.constant 0 : index
    %get3A_356 = arith.constant 0 : index
    %get3A_357 = vector.load %arg1[%get3A_354, %get3A_355, %get3A_356] : memref<26x512x128xi32, #tpu.memory_space<vmem>>, vector<1x512x128xi32>
    %get3A_358 = vector.shape_cast %get3A_357 : vector<1x512x128xi32> to vector<512x128xi32>
    %bitcast_convert_type3A_359 = tpu.bitcast %get3A_358 : vector<512x128xi32> -> vector<512x128xi32>
    %slice3A_360 = vector.extract_strided_slice %bitcast_convert_type3A_359 {offsets = [0, 0], sizes = [512, 64], strides = [1, 1]} : vector<512x128xi32> to vector<512x64xi32>
    %shift_left3A_361 = arith.constant 16 : i32
    %shift_left3A_362 = vector.broadcast %shift_left3A_361 : i32 to vector<512x64xi32>
    %shift_left3A_363 = arith.shli %slice3A_360, %shift_left3A_362 : vector<512x64xi32>
    %bitcast_convert_type3A_364 = tpu.bitcast %shift_left3A_363 : vector<512x64xi32> -> vector<512x64xf32>
    %and3A_365 = arith.constant -65536 : i32
    %and3A_366 = vector.broadcast %and3A_365 : i32 to vector<512x64xi32>
    %and3A_367 = arith.andi %slice3A_360, %and3A_366 : vector<512x64xi32>
    %bitcast_convert_type3A_368 = tpu.bitcast %and3A_367 : vector<512x64xi32> -> vector<512x64xf32>
    %concatenate3A_369 = tpu.concatenate %bitcast_convert_type3A_364, %bitcast_convert_type3A_368 in 1 : vector<512x64xf32>, vector<512x64xf32> -> vector<512x128xf32>
    %convert_element_type3A_370 = arith.truncf %concatenate3A_369 : vector<512x128xf32> to vector<512x128xbf16>
    %slice3A_371 = vector.extract_strided_slice %bitcast_convert_type3A_359 {offsets = [0, 64], sizes = [512, 64], strides = [1, 1]} : vector<512x128xi32> to vector<512x64xi32>
    %shift_left3A_372 = arith.constant 16 : i32
    %shift_left3A_373 = vector.broadcast %shift_left3A_372 : i32 to vector<512x64xi32>
    %shift_left3A_374 = arith.shli %slice3A_371, %shift_left3A_373 : vector<512x64xi32>
    %bitcast_convert_type3A_375 = tpu.bitcast %shift_left3A_374 : vector<512x64xi32> -> vector<512x64xf32>
    %and3A_376 = arith.constant -65536 : i32
    %and3A_377 = vector.broadcast %and3A_376 : i32 to vector<512x64xi32>
    %and3A_378 = arith.andi %slice3A_371, %and3A_377 : vector<512x64xi32>
    %bitcast_convert_type3A_379 = tpu.bitcast %and3A_378 : vector<512x64xi32> -> vector<512x64xf32>
    %concatenate3A_380 = tpu.concatenate %bitcast_convert_type3A_375, %bitcast_convert_type3A_379 in 1 : vector<512x64xf32>, vector<512x64xf32> -> vector<512x128xf32>
    %add3A_381 = arith.addf %add3A_351, %concatenate3A_380 : vector<512x128xf32>
    %mul3A_382 = arith.mulf %concatenate3A_380, %concatenate3A_380 : vector<512x128xf32>
    %add3A_383 = arith.addf %add3A_353, %mul3A_382 : vector<512x128xf32>
    %get3A_384 = arith.constant 13 : index
    %get3A_385 = arith.constant 0 : index
    %get3A_386 = arith.constant 0 : index
    %get3A_387 = vector.load %arg1[%get3A_384, %get3A_385, %get3A_386] : memref<26x512x128xi32, #tpu.memory_space<vmem>>, vector<1x512x128xi32>
    %get3A_388 = vector.shape_cast %get3A_387 : vector<1x512x128xi32> to vector<512x128xi32>
    %bitcast_convert_type3A_389 = tpu.bitcast %get3A_388 : vector<512x128xi32> -> vector<512x128xi32>
    %slice3A_390 = vector.extract_strided_slice %bitcast_convert_type3A_389 {offsets = [0, 0], sizes = [512, 64], strides = [1, 1]} : vector<512x128xi32> to vector<512x64xi32>
    %shift_left3A_391 = arith.constant 16 : i32
    %shift_left3A_392 = vector.broadcast %shift_left3A_391 : i32 to vector<512x64xi32>
    %shift_left3A_393 = arith.shli %slice3A_390, %shift_left3A_392 : vector<512x64xi32>
    %bitcast_convert_type3A_394 = tpu.bitcast %shift_left3A_393 : vector<512x64xi32> -> vector<512x64xf32>
    %and3A_395 = arith.constant -65536 : i32
    %and3A_396 = vector.broadcast %and3A_395 : i32 to vector<512x64xi32>
    %and3A_397 = arith.andi %slice3A_390, %and3A_396 : vector<512x64xi32>
    %bitcast_convert_type3A_398 = tpu.bitcast %and3A_397 : vector<512x64xi32> -> vector<512x64xf32>
    %concatenate3A_399 = tpu.concatenate %bitcast_convert_type3A_394, %bitcast_convert_type3A_398 in 1 : vector<512x64xf32>, vector<512x64xf32> -> vector<512x128xf32>
    %convert_element_type3A_400 = arith.truncf %concatenate3A_399 : vector<512x128xf32> to vector<512x128xbf16>
    %slice3A_401 = vector.extract_strided_slice %bitcast_convert_type3A_389 {offsets = [0, 64], sizes = [512, 64], strides = [1, 1]} : vector<512x128xi32> to vector<512x64xi32>
    %shift_left3A_402 = arith.constant 16 : i32
    %shift_left3A_403 = vector.broadcast %shift_left3A_402 : i32 to vector<512x64xi32>
    %shift_left3A_404 = arith.shli %slice3A_401, %shift_left3A_403 : vector<512x64xi32>
    %bitcast_convert_type3A_405 = tpu.bitcast %shift_left3A_404 : vector<512x64xi32> -> vector<512x64xf32>
    %and3A_406 = arith.constant -65536 : i32
    %and3A_407 = vector.broadcast %and3A_406 : i32 to vector<512x64xi32>
    %and3A_408 = arith.andi %slice3A_401, %and3A_407 : vector<512x64xi32>
    %bitcast_convert_type3A_409 = tpu.bitcast %and3A_408 : vector<512x64xi32> -> vector<512x64xf32>
    %concatenate3A_410 = tpu.concatenate %bitcast_convert_type3A_405, %bitcast_convert_type3A_409 in 1 : vector<512x64xf32>, vector<512x64xf32> -> vector<512x128xf32>
    %add3A_411 = arith.addf %add3A_381, %concatenate3A_410 : vector<512x128xf32>
    %mul3A_412 = arith.mulf %concatenate3A_410, %concatenate3A_410 : vector<512x128xf32>
    %add3A_413 = arith.addf %add3A_383, %mul3A_412 : vector<512x128xf32>
    %get3A_414 = arith.constant 14 : index
    %get3A_415 = arith.constant 0 : index
    %get3A_416 = arith.constant 0 : index
    %get3A_417 = vector.load %arg1[%get3A_414, %get3A_415, %get3A_416] : memref<26x512x128xi32, #tpu.memory_space<vmem>>, vector<1x512x128xi32>
    %get3A_418 = vector.shape_cast %get3A_417 : vector<1x512x128xi32> to vector<512x128xi32>
    %bitcast_convert_type3A_419 = tpu.bitcast %get3A_418 : vector<512x128xi32> -> vector<512x128xi32>
    %slice3A_420 = vector.extract_strided_slice %bitcast_convert_type3A_419 {offsets = [0, 0], sizes = [512, 64], strides = [1, 1]} : vector<512x128xi32> to vector<512x64xi32>
    %shift_left3A_421 = arith.constant 16 : i32
    %shift_left3A_422 = vector.broadcast %shift_left3A_421 : i32 to vector<512x64xi32>
    %shift_left3A_423 = arith.shli %slice3A_420, %shift_left3A_422 : vector<512x64xi32>
    %bitcast_convert_type3A_424 = tpu.bitcast %shift_left3A_423 : vector<512x64xi32> -> vector<512x64xf32>
    %and3A_425 = arith.constant -65536 : i32
    %and3A_426 = vector.broadcast %and3A_425 : i32 to vector<512x64xi32>
    %and3A_427 = arith.andi %slice3A_420, %and3A_426 : vector<512x64xi32>
    %bitcast_convert_type3A_428 = tpu.bitcast %and3A_427 : vector<512x64xi32> -> vector<512x64xf32>
    %concatenate3A_429 = tpu.concatenate %bitcast_convert_type3A_424, %bitcast_convert_type3A_428 in 1 : vector<512x64xf32>, vector<512x64xf32> -> vector<512x128xf32>
    %convert_element_type3A_430 = arith.truncf %concatenate3A_429 : vector<512x128xf32> to vector<512x128xbf16>
    %slice3A_431 = vector.extract_strided_slice %bitcast_convert_type3A_419 {offsets = [0, 64], sizes = [512, 64], strides = [1, 1]} : vector<512x128xi32> to vector<512x64xi32>
    %shift_left3A_432 = arith.constant 16 : i32
    %shift_left3A_433 = vector.broadcast %shift_left3A_432 : i32 to vector<512x64xi32>
    %shift_left3A_434 = arith.shli %slice3A_431, %shift_left3A_433 : vector<512x64xi32>
    %bitcast_convert_type3A_435 = tpu.bitcast %shift_left3A_434 : vector<512x64xi32> -> vector<512x64xf32>
    %and3A_436 = arith.constant -65536 : i32
    %and3A_437 = vector.broadcast %and3A_436 : i32 to vector<512x64xi32>
    %and3A_438 = arith.andi %slice3A_431, %and3A_437 : vector<512x64xi32>
    %bitcast_convert_type3A_439 = tpu.bitcast %and3A_438 : vector<512x64xi32> -> vector<512x64xf32>
    %concatenate3A_440 = tpu.concatenate %bitcast_convert_type3A_435, %bitcast_convert_type3A_439 in 1 : vector<512x64xf32>, vector<512x64xf32> -> vector<512x128xf32>
    %add3A_441 = arith.addf %add3A_411, %concatenate3A_440 : vector<512x128xf32>
    %mul3A_442 = arith.mulf %concatenate3A_440, %concatenate3A_440 : vector<512x128xf32>
    %add3A_443 = arith.addf %add3A_413, %mul3A_442 : vector<512x128xf32>
    %get3A_444 = arith.constant 15 : index
    %get3A_445 = arith.constant 0 : index
    %get3A_446 = arith.constant 0 : index
    %get3A_447 = vector.load %arg1[%get3A_444, %get3A_445, %get3A_446] : memref<26x512x128xi32, #tpu.memory_space<vmem>>, vector<1x512x128xi32>
    %get3A_448 = vector.shape_cast %get3A_447 : vector<1x512x128xi32> to vector<512x128xi32>
    %bitcast_convert_type3A_449 = tpu.bitcast %get3A_448 : vector<512x128xi32> -> vector<512x128xi32>
    %slice3A_450 = vector.extract_strided_slice %bitcast_convert_type3A_449 {offsets = [0, 0], sizes = [512, 64], strides = [1, 1]} : vector<512x128xi32> to vector<512x64xi32>
    %shift_left3A_451 = arith.constant 16 : i32
    %shift_left3A_452 = vector.broadcast %shift_left3A_451 : i32 to vector<512x64xi32>
    %shift_left3A_453 = arith.shli %slice3A_450, %shift_left3A_452 : vector<512x64xi32>
    %bitcast_convert_type3A_454 = tpu.bitcast %shift_left3A_453 : vector<512x64xi32> -> vector<512x64xf32>
    %and3A_455 = arith.constant -65536 : i32
    %and3A_456 = vector.broadcast %and3A_455 : i32 to vector<512x64xi32>
    %and3A_457 = arith.andi %slice3A_450, %and3A_456 : vector<512x64xi32>
    %bitcast_convert_type3A_458 = tpu.bitcast %and3A_457 : vector<512x64xi32> -> vector<512x64xf32>
    %concatenate3A_459 = tpu.concatenate %bitcast_convert_type3A_454, %bitcast_convert_type3A_458 in 1 : vector<512x64xf32>, vector<512x64xf32> -> vector<512x128xf32>
    %convert_element_type3A_460 = arith.truncf %concatenate3A_459 : vector<512x128xf32> to vector<512x128xbf16>
    %slice3A_461 = vector.extract_strided_slice %bitcast_convert_type3A_449 {offsets = [0, 64], sizes = [512, 64], strides = [1, 1]} : vector<512x128xi32> to vector<512x64xi32>
    %shift_left3A_462 = arith.constant 16 : i32
    %shift_left3A_463 = vector.broadcast %shift_left3A_462 : i32 to vector<512x64xi32>
    %shift_left3A_464 = arith.shli %slice3A_461, %shift_left3A_463 : vector<512x64xi32>
    %bitcast_convert_type3A_465 = tpu.bitcast %shift_left3A_464 : vector<512x64xi32> -> vector<512x64xf32>
    %and3A_466 = arith.constant -65536 : i32
    %and3A_467 = vector.broadcast %and3A_466 : i32 to vector<512x64xi32>
    %and3A_468 = arith.andi %slice3A_461, %and3A_467 : vector<512x64xi32>
    %bitcast_convert_type3A_469 = tpu.bitcast %and3A_468 : vector<512x64xi32> -> vector<512x64xf32>
    %concatenate3A_470 = tpu.concatenate %bitcast_convert_type3A_465, %bitcast_convert_type3A_469 in 1 : vector<512x64xf32>, vector<512x64xf32> -> vector<512x128xf32>
    %add3A_471 = arith.addf %add3A_441, %concatenate3A_470 : vector<512x128xf32>
    %mul3A_472 = arith.mulf %concatenate3A_470, %concatenate3A_470 : vector<512x128xf32>
    %add3A_473 = arith.addf %add3A_443, %mul3A_472 : vector<512x128xf32>
    %get3A_474 = arith.constant 16 : index
    %get3A_475 = arith.constant 0 : index
    %get3A_476 = arith.constant 0 : index
    %get3A_477 = vector.load %arg1[%get3A_474, %get3A_475, %get3A_476] : memref<26x512x128xi32, #tpu.memory_space<vmem>>, vector<1x512x128xi32>
    %get3A_478 = vector.shape_cast %get3A_477 : vector<1x512x128xi32> to vector<512x128xi32>
    %bitcast_convert_type3A_479 = tpu.bitcast %get3A_478 : vector<512x128xi32> -> vector<512x128xi32>
    %slice3A_480 = vector.extract_strided_slice %bitcast_convert_type3A_479 {offsets = [0, 0], sizes = [512, 64], strides = [1, 1]} : vector<512x128xi32> to vector<512x64xi32>
    %shift_left3A_481 = arith.constant 16 : i32
    %shift_left3A_482 = vector.broadcast %shift_left3A_481 : i32 to vector<512x64xi32>
    %shift_left3A_483 = arith.shli %slice3A_480, %shift_left3A_482 : vector<512x64xi32>
    %bitcast_convert_type3A_484 = tpu.bitcast %shift_left3A_483 : vector<512x64xi32> -> vector<512x64xf32>
    %and3A_485 = arith.constant -65536 : i32
    %and3A_486 = vector.broadcast %and3A_485 : i32 to vector<512x64xi32>
    %and3A_487 = arith.andi %slice3A_480, %and3A_486 : vector<512x64xi32>
    %bitcast_convert_type3A_488 = tpu.bitcast %and3A_487 : vector<512x64xi32> -> vector<512x64xf32>
    %concatenate3A_489 = tpu.concatenate %bitcast_convert_type3A_484, %bitcast_convert_type3A_488 in 1 : vector<512x64xf32>, vector<512x64xf32> -> vector<512x128xf32>
    %convert_element_type3A_490 = arith.truncf %concatenate3A_489 : vector<512x128xf32> to vector<512x128xbf16>
    %slice3A_491 = vector.extract_strided_slice %bitcast_convert_type3A_479 {offsets = [0, 64], sizes = [512, 64], strides = [1, 1]} : vector<512x128xi32> to vector<512x64xi32>
    %shift_left3A_492 = arith.constant 16 : i32
    %shift_left3A_493 = vector.broadcast %shift_left3A_492 : i32 to vector<512x64xi32>
    %shift_left3A_494 = arith.shli %slice3A_491, %shift_left3A_493 : vector<512x64xi32>
    %bitcast_convert_type3A_495 = tpu.bitcast %shift_left3A_494 : vector<512x64xi32> -> vector<512x64xf32>
    %and3A_496 = arith.constant -65536 : i32
    %and3A_497 = vector.broadcast %and3A_496 : i32 to vector<512x64xi32>
    %and3A_498 = arith.andi %slice3A_491, %and3A_497 : vector<512x64xi32>
    %bitcast_convert_type3A_499 = tpu.bitcast %and3A_498 : vector<512x64xi32> -> vector<512x64xf32>
    %concatenate3A_500 = tpu.concatenate %bitcast_convert_type3A_495, %bitcast_convert_type3A_499 in 1 : vector<512x64xf32>, vector<512x64xf32> -> vector<512x128xf32>
    %add3A_501 = arith.addf %add3A_471, %concatenate3A_500 : vector<512x128xf32>
    %mul3A_502 = arith.mulf %concatenate3A_500, %concatenate3A_500 : vector<512x128xf32>
    %add3A_503 = arith.addf %add3A_473, %mul3A_502 : vector<512x128xf32>
    %get3A_504 = arith.constant 17 : index
    %get3A_505 = arith.constant 0 : index
    %get3A_506 = arith.constant 0 : index
    %get3A_507 = vector.load %arg1[%get3A_504, %get3A_505, %get3A_506] : memref<26x512x128xi32, #tpu.memory_space<vmem>>, vector<1x512x128xi32>
    %get3A_508 = vector.shape_cast %get3A_507 : vector<1x512x128xi32> to vector<512x128xi32>
    %bitcast_convert_type3A_509 = tpu.bitcast %get3A_508 : vector<512x128xi32> -> vector<512x128xi32>
    %slice3A_510 = vector.extract_strided_slice %bitcast_convert_type3A_509 {offsets = [0, 0], sizes = [512, 64], strides = [1, 1]} : vector<512x128xi32> to vector<512x64xi32>
    %shift_left3A_511 = arith.constant 16 : i32
    %shift_left3A_512 = vector.broadcast %shift_left3A_511 : i32 to vector<512x64xi32>
    %shift_left3A_513 = arith.shli %slice3A_510, %shift_left3A_512 : vector<512x64xi32>
    %bitcast_convert_type3A_514 = tpu.bitcast %shift_left3A_513 : vector<512x64xi32> -> vector<512x64xf32>
    %and3A_515 = arith.constant -65536 : i32
    %and3A_516 = vector.broadcast %and3A_515 : i32 to vector<512x64xi32>
    %and3A_517 = arith.andi %slice3A_510, %and3A_516 : vector<512x64xi32>
    %bitcast_convert_type3A_518 = tpu.bitcast %and3A_517 : vector<512x64xi32> -> vector<512x64xf32>
    %concatenate3A_519 = tpu.concatenate %bitcast_convert_type3A_514, %bitcast_convert_type3A_518 in 1 : vector<512x64xf32>, vector<512x64xf32> -> vector<512x128xf32>
    %convert_element_type3A_520 = arith.truncf %concatenate3A_519 : vector<512x128xf32> to vector<512x128xbf16>
    %slice3A_521 = vector.extract_strided_slice %bitcast_convert_type3A_509 {offsets = [0, 64], sizes = [512, 64], strides = [1, 1]} : vector<512x128xi32> to vector<512x64xi32>
    %shift_left3A_522 = arith.constant 16 : i32
    %shift_left3A_523 = vector.broadcast %shift_left3A_522 : i32 to vector<512x64xi32>
    %shift_left3A_524 = arith.shli %slice3A_521, %shift_left3A_523 : vector<512x64xi32>
    %bitcast_convert_type3A_525 = tpu.bitcast %shift_left3A_524 : vector<512x64xi32> -> vector<512x64xf32>
    %and3A_526 = arith.constant -65536 : i32
    %and3A_527 = vector.broadcast %and3A_526 : i32 to vector<512x64xi32>
    %and3A_528 = arith.andi %slice3A_521, %and3A_527 : vector<512x64xi32>
    %bitcast_convert_type3A_529 = tpu.bitcast %and3A_528 : vector<512x64xi32> -> vector<512x64xf32>
    %concatenate3A_530 = tpu.concatenate %bitcast_convert_type3A_525, %bitcast_convert_type3A_529 in 1 : vector<512x64xf32>, vector<512x64xf32> -> vector<512x128xf32>
    %add3A_531 = arith.addf %add3A_501, %concatenate3A_530 : vector<512x128xf32>
    %mul3A_532 = arith.mulf %concatenate3A_530, %concatenate3A_530 : vector<512x128xf32>
    %add3A_533 = arith.addf %add3A_503, %mul3A_532 : vector<512x128xf32>
    %get3A_534 = arith.constant 18 : index
    %get3A_535 = arith.constant 0 : index
    %get3A_536 = arith.constant 0 : index
    %get3A_537 = vector.load %arg1[%get3A_534, %get3A_535, %get3A_536] : memref<26x512x128xi32, #tpu.memory_space<vmem>>, vector<1x512x128xi32>
    %get3A_538 = vector.shape_cast %get3A_537 : vector<1x512x128xi32> to vector<512x128xi32>
    %bitcast_convert_type3A_539 = tpu.bitcast %get3A_538 : vector<512x128xi32> -> vector<512x128xi32>
    %slice3A_540 = vector.extract_strided_slice %bitcast_convert_type3A_539 {offsets = [0, 0], sizes = [512, 64], strides = [1, 1]} : vector<512x128xi32> to vector<512x64xi32>
    %shift_left3A_541 = arith.constant 16 : i32
    %shift_left3A_542 = vector.broadcast %shift_left3A_541 : i32 to vector<512x64xi32>
    %shift_left3A_543 = arith.shli %slice3A_540, %shift_left3A_542 : vector<512x64xi32>
    %bitcast_convert_type3A_544 = tpu.bitcast %shift_left3A_543 : vector<512x64xi32> -> vector<512x64xf32>
    %and3A_545 = arith.constant -65536 : i32
    %and3A_546 = vector.broadcast %and3A_545 : i32 to vector<512x64xi32>
    %and3A_547 = arith.andi %slice3A_540, %and3A_546 : vector<512x64xi32>
    %bitcast_convert_type3A_548 = tpu.bitcast %and3A_547 : vector<512x64xi32> -> vector<512x64xf32>
    %concatenate3A_549 = tpu.concatenate %bitcast_convert_type3A_544, %bitcast_convert_type3A_548 in 1 : vector<512x64xf32>, vector<512x64xf32> -> vector<512x128xf32>
    %convert_element_type3A_550 = arith.truncf %concatenate3A_549 : vector<512x128xf32> to vector<512x128xbf16>
    %slice3A_551 = vector.extract_strided_slice %bitcast_convert_type3A_539 {offsets = [0, 64], sizes = [512, 64], strides = [1, 1]} : vector<512x128xi32> to vector<512x64xi32>
    %shift_left3A_552 = arith.constant 16 : i32
    %shift_left3A_553 = vector.broadcast %shift_left3A_552 : i32 to vector<512x64xi32>
    %shift_left3A_554 = arith.shli %slice3A_551, %shift_left3A_553 : vector<512x64xi32>
    %bitcast_convert_type3A_555 = tpu.bitcast %shift_left3A_554 : vector<512x64xi32> -> vector<512x64xf32>
    %and3A_556 = arith.constant -65536 : i32
    %and3A_557 = vector.broadcast %and3A_556 : i32 to vector<512x64xi32>
    %and3A_558 = arith.andi %slice3A_551, %and3A_557 : vector<512x64xi32>
    %bitcast_convert_type3A_559 = tpu.bitcast %and3A_558 : vector<512x64xi32> -> vector<512x64xf32>
    %concatenate3A_560 = tpu.concatenate %bitcast_convert_type3A_555, %bitcast_convert_type3A_559 in 1 : vector<512x64xf32>, vector<512x64xf32> -> vector<512x128xf32>
    %add3A_561 = arith.addf %add3A_531, %concatenate3A_560 : vector<512x128xf32>
    %mul3A_562 = arith.mulf %concatenate3A_560, %concatenate3A_560 : vector<512x128xf32>
    %add3A_563 = arith.addf %add3A_533, %mul3A_562 : vector<512x128xf32>
    %get3A_564 = arith.constant 19 : index
    %get3A_565 = arith.constant 0 : index
    %get3A_566 = arith.constant 0 : index
    %get3A_567 = vector.load %arg1[%get3A_564, %get3A_565, %get3A_566] : memref<26x512x128xi32, #tpu.memory_space<vmem>>, vector<1x512x128xi32>
    %get3A_568 = vector.shape_cast %get3A_567 : vector<1x512x128xi32> to vector<512x128xi32>
    %bitcast_convert_type3A_569 = tpu.bitcast %get3A_568 : vector<512x128xi32> -> vector<512x128xi32>
    %slice3A_570 = vector.extract_strided_slice %bitcast_convert_type3A_569 {offsets = [0, 0], sizes = [512, 64], strides = [1, 1]} : vector<512x128xi32> to vector<512x64xi32>
    %shift_left3A_571 = arith.constant 16 : i32
    %shift_left3A_572 = vector.broadcast %shift_left3A_571 : i32 to vector<512x64xi32>
    %shift_left3A_573 = arith.shli %slice3A_570, %shift_left3A_572 : vector<512x64xi32>
    %bitcast_convert_type3A_574 = tpu.bitcast %shift_left3A_573 : vector<512x64xi32> -> vector<512x64xf32>
    %and3A_575 = arith.constant -65536 : i32
    %and3A_576 = vector.broadcast %and3A_575 : i32 to vector<512x64xi32>
    %and3A_577 = arith.andi %slice3A_570, %and3A_576 : vector<512x64xi32>
    %bitcast_convert_type3A_578 = tpu.bitcast %and3A_577 : vector<512x64xi32> -> vector<512x64xf32>
    %concatenate3A_579 = tpu.concatenate %bitcast_convert_type3A_574, %bitcast_convert_type3A_578 in 1 : vector<512x64xf32>, vector<512x64xf32> -> vector<512x128xf32>
    %convert_element_type3A_580 = arith.truncf %concatenate3A_579 : vector<512x128xf32> to vector<512x128xbf16>
    %slice3A_581 = vector.extract_strided_slice %bitcast_convert_type3A_569 {offsets = [0, 64], sizes = [512, 64], strides = [1, 1]} : vector<512x128xi32> to vector<512x64xi32>
    %shift_left3A_582 = arith.constant 16 : i32
    %shift_left3A_583 = vector.broadcast %shift_left3A_582 : i32 to vector<512x64xi32>
    %shift_left3A_584 = arith.shli %slice3A_581, %shift_left3A_583 : vector<512x64xi32>
    %bitcast_convert_type3A_585 = tpu.bitcast %shift_left3A_584 : vector<512x64xi32> -> vector<512x64xf32>
    %and3A_586 = arith.constant -65536 : i32
    %and3A_587 = vector.broadcast %and3A_586 : i32 to vector<512x64xi32>
    %and3A_588 = arith.andi %slice3A_581, %and3A_587 : vector<512x64xi32>
    %bitcast_convert_type3A_589 = tpu.bitcast %and3A_588 : vector<512x64xi32> -> vector<512x64xf32>
    %concatenate3A_590 = tpu.concatenate %bitcast_convert_type3A_585, %bitcast_convert_type3A_589 in 1 : vector<512x64xf32>, vector<512x64xf32> -> vector<512x128xf32>
    %add3A_591 = arith.addf %add3A_561, %concatenate3A_590 : vector<512x128xf32>
    %mul3A_592 = arith.mulf %concatenate3A_590, %concatenate3A_590 : vector<512x128xf32>
    %add3A_593 = arith.addf %add3A_563, %mul3A_592 : vector<512x128xf32>
    %get3A_594 = arith.constant 20 : index
    %get3A_595 = arith.constant 0 : index
    %get3A_596 = arith.constant 0 : index
    %get3A_597 = vector.load %arg1[%get3A_594, %get3A_595, %get3A_596] : memref<26x512x128xi32, #tpu.memory_space<vmem>>, vector<1x512x128xi32>
    %get3A_598 = vector.shape_cast %get3A_597 : vector<1x512x128xi32> to vector<512x128xi32>
    %bitcast_convert_type3A_599 = tpu.bitcast %get3A_598 : vector<512x128xi32> -> vector<512x128xi32>
    %slice3A_600 = vector.extract_strided_slice %bitcast_convert_type3A_599 {offsets = [0, 0], sizes = [512, 64], strides = [1, 1]} : vector<512x128xi32> to vector<512x64xi32>
    %shift_left3A_601 = arith.constant 16 : i32
    %shift_left3A_602 = vector.broadcast %shift_left3A_601 : i32 to vector<512x64xi32>
    %shift_left3A_603 = arith.shli %slice3A_600, %shift_left3A_602 : vector<512x64xi32>
    %bitcast_convert_type3A_604 = tpu.bitcast %shift_left3A_603 : vector<512x64xi32> -> vector<512x64xf32>
    %and3A_605 = arith.constant -65536 : i32
    %and3A_606 = vector.broadcast %and3A_605 : i32 to vector<512x64xi32>
    %and3A_607 = arith.andi %slice3A_600, %and3A_606 : vector<512x64xi32>
    %bitcast_convert_type3A_608 = tpu.bitcast %and3A_607 : vector<512x64xi32> -> vector<512x64xf32>
    %concatenate3A_609 = tpu.concatenate %bitcast_convert_type3A_604, %bitcast_convert_type3A_608 in 1 : vector<512x64xf32>, vector<512x64xf32> -> vector<512x128xf32>
    %convert_element_type3A_610 = arith.truncf %concatenate3A_609 : vector<512x128xf32> to vector<512x128xbf16>
    %slice3A_611 = vector.extract_strided_slice %bitcast_convert_type3A_599 {offsets = [0, 64], sizes = [512, 64], strides = [1, 1]} : vector<512x128xi32> to vector<512x64xi32>
    %shift_left3A_612 = arith.constant 16 : i32
    %shift_left3A_613 = vector.broadcast %shift_left3A_612 : i32 to vector<512x64xi32>
    %shift_left3A_614 = arith.shli %slice3A_611, %shift_left3A_613 : vector<512x64xi32>
    %bitcast_convert_type3A_615 = tpu.bitcast %shift_left3A_614 : vector<512x64xi32> -> vector<512x64xf32>
    %and3A_616 = arith.constant -65536 : i32
    %and3A_617 = vector.broadcast %and3A_616 : i32 to vector<512x64xi32>
    %and3A_618 = arith.andi %slice3A_611, %and3A_617 : vector<512x64xi32>
    %bitcast_convert_type3A_619 = tpu.bitcast %and3A_618 : vector<512x64xi32> -> vector<512x64xf32>
    %concatenate3A_620 = tpu.concatenate %bitcast_convert_type3A_615, %bitcast_convert_type3A_619 in 1 : vector<512x64xf32>, vector<512x64xf32> -> vector<512x128xf32>
    %add3A_621 = arith.addf %add3A_591, %concatenate3A_620 : vector<512x128xf32>
    %mul3A_622 = arith.mulf %concatenate3A_620, %concatenate3A_620 : vector<512x128xf32>
    %add3A_623 = arith.addf %add3A_593, %mul3A_622 : vector<512x128xf32>
    %get3A_624 = arith.constant 21 : index
    %get3A_625 = arith.constant 0 : index
    %get3A_626 = arith.constant 0 : index
    %get3A_627 = vector.load %arg1[%get3A_624, %get3A_625, %get3A_626] : memref<26x512x128xi32, #tpu.memory_space<vmem>>, vector<1x512x128xi32>
    %get3A_628 = vector.shape_cast %get3A_627 : vector<1x512x128xi32> to vector<512x128xi32>
    %bitcast_convert_type3A_629 = tpu.bitcast %get3A_628 : vector<512x128xi32> -> vector<512x128xi32>
    %slice3A_630 = vector.extract_strided_slice %bitcast_convert_type3A_629 {offsets = [0, 0], sizes = [512, 64], strides = [1, 1]} : vector<512x128xi32> to vector<512x64xi32>
    %shift_left3A_631 = arith.constant 16 : i32
    %shift_left3A_632 = vector.broadcast %shift_left3A_631 : i32 to vector<512x64xi32>
    %shift_left3A_633 = arith.shli %slice3A_630, %shift_left3A_632 : vector<512x64xi32>
    %bitcast_convert_type3A_634 = tpu.bitcast %shift_left3A_633 : vector<512x64xi32> -> vector<512x64xf32>
    %and3A_635 = arith.constant -65536 : i32
    %and3A_636 = vector.broadcast %and3A_635 : i32 to vector<512x64xi32>
    %and3A_637 = arith.andi %slice3A_630, %and3A_636 : vector<512x64xi32>
    %bitcast_convert_type3A_638 = tpu.bitcast %and3A_637 : vector<512x64xi32> -> vector<512x64xf32>
    %concatenate3A_639 = tpu.concatenate %bitcast_convert_type3A_634, %bitcast_convert_type3A_638 in 1 : vector<512x64xf32>, vector<512x64xf32> -> vector<512x128xf32>
    %convert_element_type3A_640 = arith.truncf %concatenate3A_639 : vector<512x128xf32> to vector<512x128xbf16>
    %slice3A_641 = vector.extract_strided_slice %bitcast_convert_type3A_629 {offsets = [0, 64], sizes = [512, 64], strides = [1, 1]} : vector<512x128xi32> to vector<512x64xi32>
    %shift_left3A_642 = arith.constant 16 : i32
    %shift_left3A_643 = vector.broadcast %shift_left3A_642 : i32 to vector<512x64xi32>
    %shift_left3A_644 = arith.shli %slice3A_641, %shift_left3A_643 : vector<512x64xi32>
    %bitcast_convert_type3A_645 = tpu.bitcast %shift_left3A_644 : vector<512x64xi32> -> vector<512x64xf32>
    %and3A_646 = arith.constant -65536 : i32
    %and3A_647 = vector.broadcast %and3A_646 : i32 to vector<512x64xi32>
    %and3A_648 = arith.andi %slice3A_641, %and3A_647 : vector<512x64xi32>
    %bitcast_convert_type3A_649 = tpu.bitcast %and3A_648 : vector<512x64xi32> -> vector<512x64xf32>
    %concatenate3A_650 = tpu.concatenate %bitcast_convert_type3A_645, %bitcast_convert_type3A_649 in 1 : vector<512x64xf32>, vector<512x64xf32> -> vector<512x128xf32>
    %add3A_651 = arith.addf %add3A_621, %concatenate3A_650 : vector<512x128xf32>
    %mul3A_652 = arith.mulf %concatenate3A_650, %concatenate3A_650 : vector<512x128xf32>
    %add3A_653 = arith.addf %add3A_623, %mul3A_652 : vector<512x128xf32>
    %get3A_654 = arith.constant 22 : index
    %get3A_655 = arith.constant 0 : index
    %get3A_656 = arith.constant 0 : index
    %get3A_657 = vector.load %arg1[%get3A_654, %get3A_655, %get3A_656] : memref<26x512x128xi32, #tpu.memory_space<vmem>>, vector<1x512x128xi32>
    %get3A_658 = vector.shape_cast %get3A_657 : vector<1x512x128xi32> to vector<512x128xi32>
    %bitcast_convert_type3A_659 = tpu.bitcast %get3A_658 : vector<512x128xi32> -> vector<512x128xi32>
    %slice3A_660 = vector.extract_strided_slice %bitcast_convert_type3A_659 {offsets = [0, 0], sizes = [512, 64], strides = [1, 1]} : vector<512x128xi32> to vector<512x64xi32>
    %shift_left3A_661 = arith.constant 16 : i32
    %shift_left3A_662 = vector.broadcast %shift_left3A_661 : i32 to vector<512x64xi32>
    %shift_left3A_663 = arith.shli %slice3A_660, %shift_left3A_662 : vector<512x64xi32>
    %bitcast_convert_type3A_664 = tpu.bitcast %shift_left3A_663 : vector<512x64xi32> -> vector<512x64xf32>
    %and3A_665 = arith.constant -65536 : i32
    %and3A_666 = vector.broadcast %and3A_665 : i32 to vector<512x64xi32>
    %and3A_667 = arith.andi %slice3A_660, %and3A_666 : vector<512x64xi32>
    %bitcast_convert_type3A_668 = tpu.bitcast %and3A_667 : vector<512x64xi32> -> vector<512x64xf32>
    %concatenate3A_669 = tpu.concatenate %bitcast_convert_type3A_664, %bitcast_convert_type3A_668 in 1 : vector<512x64xf32>, vector<512x64xf32> -> vector<512x128xf32>
    %convert_element_type3A_670 = arith.truncf %concatenate3A_669 : vector<512x128xf32> to vector<512x128xbf16>
    %slice3A_671 = vector.extract_strided_slice %bitcast_convert_type3A_659 {offsets = [0, 64], sizes = [512, 64], strides = [1, 1]} : vector<512x128xi32> to vector<512x64xi32>
    %shift_left3A_672 = arith.constant 16 : i32
    %shift_left3A_673 = vector.broadcast %shift_left3A_672 : i32 to vector<512x64xi32>
    %shift_left3A_674 = arith.shli %slice3A_671, %shift_left3A_673 : vector<512x64xi32>
    %bitcast_convert_type3A_675 = tpu.bitcast %shift_left3A_674 : vector<512x64xi32> -> vector<512x64xf32>
    %and3A_676 = arith.constant -65536 : i32
    %and3A_677 = vector.broadcast %and3A_676 : i32 to vector<512x64xi32>
    %and3A_678 = arith.andi %slice3A_671, %and3A_677 : vector<512x64xi32>
    %bitcast_convert_type3A_679 = tpu.bitcast %and3A_678 : vector<512x64xi32> -> vector<512x64xf32>
    %concatenate3A_680 = tpu.concatenate %bitcast_convert_type3A_675, %bitcast_convert_type3A_679 in 1 : vector<512x64xf32>, vector<512x64xf32> -> vector<512x128xf32>
    %add3A_681 = arith.addf %add3A_651, %concatenate3A_680 : vector<512x128xf32>
    %mul3A_682 = arith.mulf %concatenate3A_680, %concatenate3A_680 : vector<512x128xf32>
    %add3A_683 = arith.addf %add3A_653, %mul3A_682 : vector<512x128xf32>
    %get3A_684 = arith.constant 23 : index
    %get3A_685 = arith.constant 0 : index
    %get3A_686 = arith.constant 0 : index
    %get3A_687 = vector.load %arg1[%get3A_684, %get3A_685, %get3A_686] : memref<26x512x128xi32, #tpu.memory_space<vmem>>, vector<1x512x128xi32>
    %get3A_688 = vector.shape_cast %get3A_687 : vector<1x512x128xi32> to vector<512x128xi32>
    %bitcast_convert_type3A_689 = tpu.bitcast %get3A_688 : vector<512x128xi32> -> vector<512x128xi32>
    %slice3A_690 = vector.extract_strided_slice %bitcast_convert_type3A_689 {offsets = [0, 0], sizes = [512, 64], strides = [1, 1]} : vector<512x128xi32> to vector<512x64xi32>
    %shift_left3A_691 = arith.constant 16 : i32
    %shift_left3A_692 = vector.broadcast %shift_left3A_691 : i32 to vector<512x64xi32>
    %shift_left3A_693 = arith.shli %slice3A_690, %shift_left3A_692 : vector<512x64xi32>
    %bitcast_convert_type3A_694 = tpu.bitcast %shift_left3A_693 : vector<512x64xi32> -> vector<512x64xf32>
    %and3A_695 = arith.constant -65536 : i32
    %and3A_696 = vector.broadcast %and3A_695 : i32 to vector<512x64xi32>
    %and3A_697 = arith.andi %slice3A_690, %and3A_696 : vector<512x64xi32>
    %bitcast_convert_type3A_698 = tpu.bitcast %and3A_697 : vector<512x64xi32> -> vector<512x64xf32>
    %concatenate3A_699 = tpu.concatenate %bitcast_convert_type3A_694, %bitcast_convert_type3A_698 in 1 : vector<512x64xf32>, vector<512x64xf32> -> vector<512x128xf32>
    %convert_element_type3A_700 = arith.truncf %concatenate3A_699 : vector<512x128xf32> to vector<512x128xbf16>
    %slice3A_701 = vector.extract_strided_slice %bitcast_convert_type3A_689 {offsets = [0, 64], sizes = [512, 64], strides = [1, 1]} : vector<512x128xi32> to vector<512x64xi32>
    %shift_left3A_702 = arith.constant 16 : i32
    %shift_left3A_703 = vector.broadcast %shift_left3A_702 : i32 to vector<512x64xi32>
    %shift_left3A_704 = arith.shli %slice3A_701, %shift_left3A_703 : vector<512x64xi32>
    %bitcast_convert_type3A_705 = tpu.bitcast %shift_left3A_704 : vector<512x64xi32> -> vector<512x64xf32>
    %and3A_706 = arith.constant -65536 : i32
    %and3A_707 = vector.broadcast %and3A_706 : i32 to vector<512x64xi32>
    %and3A_708 = arith.andi %slice3A_701, %and3A_707 : vector<512x64xi32>
    %bitcast_convert_type3A_709 = tpu.bitcast %and3A_708 : vector<512x64xi32> -> vector<512x64xf32>
    %concatenate3A_710 = tpu.concatenate %bitcast_convert_type3A_705, %bitcast_convert_type3A_709 in 1 : vector<512x64xf32>, vector<512x64xf32> -> vector<512x128xf32>
    %add3A_711 = arith.addf %add3A_681, %concatenate3A_710 : vector<512x128xf32>
    %mul3A_712 = arith.mulf %concatenate3A_710, %concatenate3A_710 : vector<512x128xf32>
    %add3A_713 = arith.addf %add3A_683, %mul3A_712 : vector<512x128xf32>
    %get3A_714 = arith.constant 24 : index
    %get3A_715 = arith.constant 0 : index
    %get3A_716 = arith.constant 0 : index
    %get3A_717 = vector.load %arg1[%get3A_714, %get3A_715, %get3A_716] : memref<26x512x128xi32, #tpu.memory_space<vmem>>, vector<1x512x128xi32>
    %get3A_718 = vector.shape_cast %get3A_717 : vector<1x512x128xi32> to vector<512x128xi32>
    %bitcast_convert_type3A_719 = tpu.bitcast %get3A_718 : vector<512x128xi32> -> vector<512x128xi32>
    %slice3A_720 = vector.extract_strided_slice %bitcast_convert_type3A_719 {offsets = [0, 0], sizes = [512, 64], strides = [1, 1]} : vector<512x128xi32> to vector<512x64xi32>
    %shift_left3A_721 = arith.constant 16 : i32
    %shift_left3A_722 = vector.broadcast %shift_left3A_721 : i32 to vector<512x64xi32>
    %shift_left3A_723 = arith.shli %slice3A_720, %shift_left3A_722 : vector<512x64xi32>
    %bitcast_convert_type3A_724 = tpu.bitcast %shift_left3A_723 : vector<512x64xi32> -> vector<512x64xf32>
    %and3A_725 = arith.constant -65536 : i32
    %and3A_726 = vector.broadcast %and3A_725 : i32 to vector<512x64xi32>
    %and3A_727 = arith.andi %slice3A_720, %and3A_726 : vector<512x64xi32>
    %bitcast_convert_type3A_728 = tpu.bitcast %and3A_727 : vector<512x64xi32> -> vector<512x64xf32>
    %concatenate3A_729 = tpu.concatenate %bitcast_convert_type3A_724, %bitcast_convert_type3A_728 in 1 : vector<512x64xf32>, vector<512x64xf32> -> vector<512x128xf32>
    %convert_element_type3A_730 = arith.truncf %concatenate3A_729 : vector<512x128xf32> to vector<512x128xbf16>
    %slice3A_731 = vector.extract_strided_slice %bitcast_convert_type3A_719 {offsets = [0, 64], sizes = [512, 64], strides = [1, 1]} : vector<512x128xi32> to vector<512x64xi32>
    %shift_left3A_732 = arith.constant 16 : i32
    %shift_left3A_733 = vector.broadcast %shift_left3A_732 : i32 to vector<512x64xi32>
    %shift_left3A_734 = arith.shli %slice3A_731, %shift_left3A_733 : vector<512x64xi32>
    %bitcast_convert_type3A_735 = tpu.bitcast %shift_left3A_734 : vector<512x64xi32> -> vector<512x64xf32>
    %and3A_736 = arith.constant -65536 : i32
    %and3A_737 = vector.broadcast %and3A_736 : i32 to vector<512x64xi32>
    %and3A_738 = arith.andi %slice3A_731, %and3A_737 : vector<512x64xi32>
    %bitcast_convert_type3A_739 = tpu.bitcast %and3A_738 : vector<512x64xi32> -> vector<512x64xf32>
    %concatenate3A_740 = tpu.concatenate %bitcast_convert_type3A_735, %bitcast_convert_type3A_739 in 1 : vector<512x64xf32>, vector<512x64xf32> -> vector<512x128xf32>
    %add3A_741 = arith.addf %add3A_711, %concatenate3A_740 : vector<512x128xf32>
    %mul3A_742 = arith.mulf %concatenate3A_740, %concatenate3A_740 : vector<512x128xf32>
    %add3A_743 = arith.addf %add3A_713, %mul3A_742 : vector<512x128xf32>
    %get3A_744 = arith.constant 25 : index
    %get3A_745 = arith.constant 0 : index
    %get3A_746 = arith.constant 0 : index
    %get3A_747 = vector.load %arg1[%get3A_744, %get3A_745, %get3A_746] : memref<26x512x128xi32, #tpu.memory_space<vmem>>, vector<1x512x128xi32>
    %get3A_748 = vector.shape_cast %get3A_747 : vector<1x512x128xi32> to vector<512x128xi32>
    %bitcast_convert_type3A_749 = tpu.bitcast %get3A_748 : vector<512x128xi32> -> vector<512x128xi32>
    %slice3A_750 = vector.extract_strided_slice %bitcast_convert_type3A_749 {offsets = [0, 0], sizes = [512, 64], strides = [1, 1]} : vector<512x128xi32> to vector<512x64xi32>
    %shift_left3A_751 = arith.constant 16 : i32
    %shift_left3A_752 = vector.broadcast %shift_left3A_751 : i32 to vector<512x64xi32>
    %shift_left3A_753 = arith.shli %slice3A_750, %shift_left3A_752 : vector<512x64xi32>
    %bitcast_convert_type3A_754 = tpu.bitcast %shift_left3A_753 : vector<512x64xi32> -> vector<512x64xf32>
    %and3A_755 = arith.constant -65536 : i32
    %and3A_756 = vector.broadcast %and3A_755 : i32 to vector<512x64xi32>
    %and3A_757 = arith.andi %slice3A_750, %and3A_756 : vector<512x64xi32>
    %bitcast_convert_type3A_758 = tpu.bitcast %and3A_757 : vector<512x64xi32> -> vector<512x64xf32>
    %concatenate3A_759 = tpu.concatenate %bitcast_convert_type3A_754, %bitcast_convert_type3A_758 in 1 : vector<512x64xf32>, vector<512x64xf32> -> vector<512x128xf32>
    %convert_element_type3A_760 = arith.truncf %concatenate3A_759 : vector<512x128xf32> to vector<512x128xbf16>
    %slice3A_761 = vector.extract_strided_slice %bitcast_convert_type3A_749 {offsets = [0, 64], sizes = [512, 64], strides = [1, 1]} : vector<512x128xi32> to vector<512x64xi32>
    %shift_left3A_762 = arith.constant 16 : i32
    %shift_left3A_763 = vector.broadcast %shift_left3A_762 : i32 to vector<512x64xi32>
    %shift_left3A_764 = arith.shli %slice3A_761, %shift_left3A_763 : vector<512x64xi32>
    %bitcast_convert_type3A_765 = tpu.bitcast %shift_left3A_764 : vector<512x64xi32> -> vector<512x64xf32>
    %and3A_766 = arith.constant -65536 : i32
    %and3A_767 = vector.broadcast %and3A_766 : i32 to vector<512x64xi32>
    %and3A_768 = arith.andi %slice3A_761, %and3A_767 : vector<512x64xi32>
    %bitcast_convert_type3A_769 = tpu.bitcast %and3A_768 : vector<512x64xi32> -> vector<512x64xf32>
    %concatenate3A_770 = tpu.concatenate %bitcast_convert_type3A_765, %bitcast_convert_type3A_769 in 1 : vector<512x64xf32>, vector<512x64xf32> -> vector<512x128xf32>
    %add3A_771 = arith.addf %add3A_741, %concatenate3A_770 : vector<512x128xf32>
    %mul3A_772 = arith.mulf %concatenate3A_770, %concatenate3A_770 : vector<512x128xf32>
    %add3A_773 = arith.addf %add3A_743, %mul3A_772 : vector<512x128xf32>
    %mul3A_774 = arith.mulf %add3A_771, %add3A_771 : vector<512x128xf32>
    %sub3A = arith.subf %mul3A_774, %add3A_773 : vector<512x128xf32>
    %reduce_sum3A = arith.constant dense<0.000000e+00> : vector<512xf32>
    %reduce_sum3A_775 = vector.multi_reduction <add>, %sub3A, %reduce_sum3A [1] : vector<512x128xf32> to vector<512xf32>
    %mul3A_776 = arith.constant 5.000000e-01 : f32
    %mul3A_777 = vector.broadcast %mul3A_776 : f32 to vector<512xf32>
    %mul3A_778 = arith.mulf %mul3A_777, %reduce_sum3A_775 : vector<512xf32>
    %concatenate3A_779 = tpu.concatenate %convert_element_type3A, %convert_element_type3A_40, %convert_element_type3A_70, %convert_element_type3A_100, %convert_element_type3A_130, %convert_element_type3A_160, %convert_element_type3A_190, %convert_element_type3A_220, %convert_element_type3A_250, %convert_element_type3A_280, %convert_element_type3A_310, %convert_element_type3A_340, %convert_element_type3A_370, %convert_element_type3A_400, %convert_element_type3A_430, %convert_element_type3A_460, %convert_element_type3A_490, %convert_element_type3A_520, %convert_element_type3A_550, %convert_element_type3A_580, %convert_element_type3A_610, %convert_element_type3A_640, %convert_element_type3A_670, %convert_element_type3A_700, %convert_element_type3A_730, %convert_element_type3A_760 in 1 : vector<512x128xbf16>, vector<512x128xbf16>, vector<512x128xbf16>, vector<512x128xbf16>, vector<512x128xbf16>, vector<512x128xbf16>, vector<512x128xbf16>, vector<512x128xbf16>, vector<512x128xbf16>, vector<512x128xbf16>, vector<512x128xbf16>, vector<512x128xbf16>, vector<512x128xbf16>, vector<512x128xbf16>, vector<512x128xbf16>, vector<512x128xbf16>, vector<512x128xbf16>, vector<512x128xbf16>, vector<512x128xbf16>, vector<512x128xbf16>, vector<512x128xbf16>, vector<512x128xbf16>, vector<512x128xbf16>, vector<512x128xbf16>, vector<512x128xbf16>, vector<512x128xbf16> -> vector<512x3328xbf16>
    %get3A_780 = arith.constant 0 : index
    %get3A_781 = arith.constant 0 : index
    %get3A_782 = vector.load %arg3[%get3A_780, %get3A_781] : memref<3328x1024xbf16, #tpu.memory_space<vmem>>, vector<3328x1024xbf16>
    %dot_general3A = arith.constant dense<0.000000e+00> : vector<512x1024xf32>
    %dot_general3A_783 = tpu.matmul %concatenate3A_779, %get3A_782, %dot_general3A {dimension_numbers = #tpu.dot_dimension_numbers<[1], [0], [0], [1], [0, 0, 1, 1], [], []>, transpose_lhs_hint = false} : vector<512x3328xbf16>, vector<3328x1024xbf16>, vector<512x1024xf32> -> vector<512x1024xf32>
    %get3A_784 = arith.constant 0 : index
    %get3A_785 = arith.constant 0 : index
    %get3A_786 = vector.load %arg4[%get3A_784, %get3A_785] : memref<1x1024xf32, #tpu.memory_space<vmem>>, vector<1x1024xf32>
    %add3A_787 = vector.broadcast %get3A_786 : vector<1x1024xf32> to vector<512x1024xf32>
    %add3A_788 = arith.addf %dot_general3A_783, %add3A_787 : vector<512x1024xf32>
    %max3A = arith.constant 0.000000e+00 : f32
    %max3A_789 = vector.broadcast %max3A : f32 to vector<512x1024xf32>
    %max3A_790 = arith.maximumf %add3A_788, %max3A_789 : vector<512x1024xf32>
    %convert_element_type3A_791 = arith.truncf %max3A_790 : vector<512x1024xf32> to vector<512x1024xbf16>
    %get3A_792 = arith.constant 0 : index
    %get3A_793 = arith.constant 0 : index
    %get3A_794 = vector.load %arg5[%get3A_792, %get3A_793] : memref<1024x512xbf16, #tpu.memory_space<vmem>>, vector<1024x512xbf16>
    %dot_general3A_795 = arith.constant dense<0.000000e+00> : vector<512x512xf32>
    %dot_general3A_796 = tpu.matmul %convert_element_type3A_791, %get3A_794, %dot_general3A_795 {dimension_numbers = #tpu.dot_dimension_numbers<[1], [0], [0], [1], [0, 0, 1, 1], [], []>, transpose_lhs_hint = false} : vector<512x1024xbf16>, vector<1024x512xbf16>, vector<512x512xf32> -> vector<512x512xf32>
    %get3A_797 = arith.constant 0 : index
    %get3A_798 = arith.constant 0 : index
    %get3A_799 = vector.load %arg6[%get3A_797, %get3A_798] : memref<1x512xf32, #tpu.memory_space<vmem>>, vector<1x512xf32>
    %add3A_800 = vector.broadcast %get3A_799 : vector<1x512xf32> to vector<512x512xf32>
    %add3A_801 = arith.addf %dot_general3A_796, %add3A_800 : vector<512x512xf32>
    %max3A_802 = arith.constant 0.000000e+00 : f32
    %max3A_803 = vector.broadcast %max3A_802 : f32 to vector<512x512xf32>
    %max3A_804 = arith.maximumf %add3A_801, %max3A_803 : vector<512x512xf32>
    %convert_element_type3A_805 = arith.truncf %max3A_804 : vector<512x512xf32> to vector<512x512xbf16>
    %get3A_806 = arith.constant 0 : index
    %get3A_807 = arith.constant 0 : index
    %get3A_808 = vector.load %arg7[%get3A_806, %get3A_807] : memref<512x128xbf16, #tpu.memory_space<vmem>>, vector<512x128xbf16>
    %dot_general3A_809 = arith.constant dense<0.000000e+00> : vector<512x128xf32>
    %dot_general3A_810 = tpu.matmul %convert_element_type3A_805, %get3A_808, %dot_general3A_809 {dimension_numbers = #tpu.dot_dimension_numbers<[1], [0], [0], [1], [0, 0, 1, 1], [], []>, transpose_lhs_hint = false} : vector<512x512xbf16>, vector<512x128xbf16>, vector<512x128xf32> -> vector<512x128xf32>
    %reduce_sum3A_811 = arith.constant dense<0.000000e+00> : vector<512xf32>
    %reduce_sum3A_812 = vector.multi_reduction <add>, %dot_general3A_810, %reduce_sum3A_811 [1] : vector<512x128xf32> to vector<512xf32>
    %get3A_813 = arith.constant 0 : index
    %get3A_814 = memref.load %arg8[%get3A_813] : memref<5xf32, #tpu.memory_space<smem>>
    %get3A_815 = arith.constant 1 : index
    %get3A_816 = memref.load %arg8[%get3A_815] : memref<5xf32, #tpu.memory_space<smem>>
    %get3A_817 = arith.constant 2 : index
    %get3A_818 = memref.load %arg8[%get3A_817] : memref<5xf32, #tpu.memory_space<smem>>
    %get3A_819 = arith.constant 3 : index
    %get3A_820 = memref.load %arg8[%get3A_819] : memref<5xf32, #tpu.memory_space<smem>>
    %get3A_821 = arith.constant 4 : index
    %get3A_822 = memref.load %arg8[%get3A_821] : memref<5xf32, #tpu.memory_space<smem>>
    %get3A_823 = arith.constant 0 : index
    %get3A_824 = vector.load %arg2[%get3A_823] : memref<512xf32, #tpu.memory_space<vmem>>, vector<512xf32>
    %add3A_825 = vector.broadcast %get3A_814 : f32 to vector<512xf32>
    %add3A_826 = arith.addf %add3A_825, %get3A_824 : vector<512xf32>
    %add3A_827 = arith.addf %add3A_826, %mul3A_778 : vector<512xf32>
    %mul3A_828 = vector.broadcast %get3A_818 : f32 to vector<512xf32>
    %mul3A_829 = arith.mulf %mul3A_828, %add3A_827 : vector<512xf32>
    %add3A_830 = vector.broadcast %get3A_816 : f32 to vector<512xf32>
    %add3A_831 = arith.addf %reduce_sum3A_812, %add3A_830 : vector<512xf32>
    %mul3A_832 = vector.broadcast %get3A_820 : f32 to vector<512xf32>
    %mul3A_833 = arith.mulf %mul3A_832, %add3A_831 : vector<512xf32>
    %add3A_834 = arith.addf %mul3A_829, %mul3A_833 : vector<512xf32>
    %add3A_835 = vector.broadcast %get3A_822 : f32 to vector<512xf32>
    %add3A_836 = arith.addf %add3A_834, %add3A_835 : vector<512xf32>
    %neg3A = arith.constant 0.000000e+00 : f32
    %neg3A_837 = vector.broadcast %neg3A : f32 to vector<512xf32>
    %neg3A_838 = arith.subf %neg3A_837, %add3A_836 : vector<512xf32>
    %exp3A = math.exp %neg3A_838 : vector<512xf32>
    %add3A_839 = arith.constant 1.000000e+00 : f32
    %add3A_840 = vector.broadcast %add3A_839 : f32 to vector<512xf32>
    %add3A_841 = arith.addf %add3A_840, %exp3A : vector<512xf32>
    %div3A = arith.constant 1.000000e+00 : f32
    %div3A_842 = vector.broadcast %div3A : f32 to vector<512xf32>
    %div3A_843 = arith.divf %div3A_842, %add3A_841 : vector<512xf32>
    %swap3A = arith.constant 0 : index
    %swap3A_844 = vector.load %arg9[%swap3A] : memref<512xf32, #tpu.memory_space<vmem>>, vector<512xf32>
    tpu.vector_store %arg9[%swap3A], %div3A_843 {strides = array<i32>} : memref<512xf32, #tpu.memory_space<vmem>>, vector<512xf32>,
    return
  }
  func.func @transform_0(%arg0: i32) -> (i32, i32, i32) {
    %c0_i32 = arith.constant 0 : i32
    %c0_i32_0 = arith.constant 0 : i32
    %c0_i32_1 = arith.constant 0 : i32
    return %c0_i32, %arg0, %c0_i32_0 : i32, i32, i32
  }
  func.func @transform_1(%arg0: i32) -> i32 {
    %c0_i32 = arith.constant 0 : i32
    return %arg0 : i32
  }
  func.func @transform_2(%arg0: i32) -> (i32, i32) {
    %c0_i32 = arith.constant 0 : i32
    %c0_i32_0 = arith.constant 0 : i32
    %c0_i32_1 = arith.constant 0 : i32
    return %c0_i32, %c0_i32_0 : i32, i32
  }
  func.func @transform_3(%arg0: i32) -> (i32, i32) {
    %c0_i32 = arith.constant 0 : i32
    %c0_i32_0 = arith.constant 0 : i32
    %c0_i32_1 = arith.constant 0 : i32
    return %c0_i32, %c0_i32_0 : i32, i32
  }
  func.func @transform_4(%arg0: i32) -> (i32, i32) {
    %c0_i32 = arith.constant 0 : i32
    %c0_i32_0 = arith.constant 0 : i32
    %c0_i32_1 = arith.constant 0 : i32
    return %c0_i32, %c0_i32_0 : i32, i32
  }
  func.func @transform_5(%arg0: i32) -> (i32, i32) {
    %c0_i32 = arith.constant 0 : i32
    %c0_i32_0 = arith.constant 0 : i32
    %c0_i32_1 = arith.constant 0 : i32
    return %c0_i32, %c0_i32_0 : i32, i32
  }
  func.func @transform_6(%arg0: i32) -> (i32, i32) {
    %c0_i32 = arith.constant 0 : i32
    %c0_i32_0 = arith.constant 0 : i32
    %c0_i32_1 = arith.constant 0 : i32
    return %c0_i32, %c0_i32_0 : i32, i32
  }
  func.func @transform_7(%arg0: i32) -> i32 {
    %c0_i32 = arith.constant 0 : i32
    %c0_i32_0 = arith.constant 0 : i32
    return %c0_i32 : i32
  }
  func.func @transform_8(%arg0: i32) -> i32 {
    %c0_i32 = arith.constant 0 : i32
    return %arg0 : i32
  }
}

</mosaic_0001>

<sc_bundles>
// kernel: kernel.5.cloned.1.call-start
scs
__scs_entry_jumppad:
0x0: {  	(pc) =	sbr.rel $0x88, $3  }
0x1: {  	(tag) =	ssettag $0x0;
	lr =	simm.s32 $0x1  }
0x2: {  	[smem:$0x3F94] =	sst lr;
	_ =	strace $0xD0000000  }
0x3: {  	_ = 	snop  }
0x4: {  	_ = 	snop  }
0x5: {  	_ = 	snop  }
0x6: {  	_ = 	snop  }
0x7: {  	_ = 	snop  }
__scs_overlays_trampoline_lowered:
0x8: {  	[smem:$0x3FA3] =	sst s0  }
0x9: {  	[smem:$0x3FA4] =	sst s1  }
0xa: {  	[smem:$0x3FA5] =	sst s2  }
0xb: {  	[smem:$0x3FA6] =	sst s3  }
0xc: {  	[smem:$0x3FA7] =	sst s4  }
0xd: {  	[smem:$0x3FA8] =	sst s5  }
0xe: {  	[smem:$0x3FA9] =	sst s6  }
0xf: {  	[smem:$0x3FAA] =	sst s7  }
0x10: {  	[smem:$0x3FAB] =	sst s8  }
0x11: {  	[smem:$0x3FAC] =	sst s9;
	s0 =	simm.s32 @!p0 $0x0  }
0x12: {  	s1 =	sld [smem:$0x3F92];
	s0 =	simm.s32 @p0 $0x1  }
0x13: {  	[smem:$0x3FAD] =	sst s0;
	s0 =	simm.s32 @!p1 $0x0  }
0x14: {  	s2 =	sld [smem:$0x3F91];
	s0 =	simm.s32 @p1 $0x1  }
0x15: {  	[smem:$0x3FAE] =	sst s0;
	s0 =	simm.s32 @!p2 $0x0  }
0x16: {  	s3 =	sld [smem:$0x3FDB];
	s0 =	simm.s32 @p2 $0x1  }
0x17: {  	s4 =	simm.s32 $0x1BF5;
	[smem:$0x3FB0] =	sst s0  }
0x18: {  	s0 =	sld [smem:$0x3F93];
	_ =	swait.ge [sflag:s4], $0x0  }
0x19: {  	s7 =	sld [smem:$0x3F94]  }
0x1a: {  	s8 =	sadd.s32 $0xFFFFE003, lr  }
0x1b: {  	s9 =	sadd.s32 $0xFFFFFEF7, lr;
	s5 =	simm.s32 $0xFFFFFFFF;
	p2 =	slt.u32 s8, $0xFFFFF086  }
0x1c: {  	p1 =	slt.u32 s9, $0xF7A;
	s5 =	simm.s32 @!p2 $0x0  }
0x1d: {  	s5 =	simm.s32 @p1 $0x1;
	p0 =	seq.s32 s7, s2  }
0x1e: {  	s7 =	smul.u32 @!p0 $0xF7A, s2;
	p2 =	seq.s32 @!p0 s5, $0x0  }
0x1f: {  	s9 =	smul.u32 $0xF7A, s1;
	s8 =	simm.s32 @!p0 $0x1BF5;
	p2 =	por !p2, p0  }
0x20: {  	[sflag:s8] =	ssyncset.s32 @!p0 $0xFFFFF086;
	s6 =	sadd.s32 @!p0 s3, s7;
	s7 =	simm.s32 @!p0 $0x108  }
0x21: {  	s3 =	sadd.s32 s3, s9;
	s6 =	sadd.s32 @!p0 $0x88, s6;
	s7 =	simm.s32 @p2 $0x1082  }
0x22: {  	[simem:s7], [sflag:s8] =	dma.local @!p0 [hbm:s6], $0xF7A  }
0x23: {  	s9 =	sor.u32 $0xD0000000, s2;
	s6 =	simm.s32 $0x108;
	_ =	swait.ge @!p0 [sflag:s8], $0x0  }
0x24: {  	s3 =	sadd.s32 $0x88, s3;
	s6 =	simm.s32 @!p1 $0x1082;
	[sflag:s4] =	ssyncset.s32 $0xFFFFF086  }
0x25: {  	[simem:s6], [sflag:s4] =	dma.local [hbm:s3], $0xF7A  }
0x26: {  	[smem:$0x3F94] =	sst s1;
	(tag) =	ssettag s2;
	_ =	strace s9  }
0x27: {  	s1 =	sld [smem:$0x3FA4]  }
0x28: {  	s2 =	sld [smem:$0x3FA5]  }
0x29: {  	s4 =	sld [smem:$0x3FA7]  }
0x2a: {  	p0 =	seq.s32 s5, $0x0;
	s5 =	sld [smem:$0x3FA8]  }
0x2b: {  	s6 =	sld [smem:$0x3FA9]  }
0x2c: {  	s7 =	sld [smem:$0x3FAA]  }
0x2d: {  	s3 =	simm.s32 $0x108;
	s8 =	sld [smem:$0x3FAB]  }
0x2e: {  	s3 =	simm.s32 @!p0 $0x1082;
	s9 =	sld [smem:$0x3FAC]  }
0x2f: {  	lr =	sadd.s32 s0, s3;
	s0 =	sld [smem:$0x3FA3]  }
0x30: {  	s3 =	sld [smem:$0x3FA6]  }
0x31: {  	[smem:$0x3FAF] =	sst s10  }
0x32: {  	s10 =	sld [smem:$0x3FAD];
	_ =	sdelay $0x3  }
0x33: {  	p0 =	seq.s32 s10, $0x1;
	s10 =	sld [smem:$0x3FAF];
	_ =	sdelay $0x3  }
0x34: {  	[smem:$0x3FAF] =	sst s10  }
0x35: {  	s10 =	sld [smem:$0x3FAE];
	_ =	sdelay $0x3  }
0x36: {  	p1 =	seq.s32 s10, $0x1;
	s10 =	sld [smem:$0x3FAF];
	_ =	sdelay $0x3  }
0x37: {  	[smem:$0x3FAF] =	sst s10  }
0x38: {  	s10 =	sld [smem:$0x3FB0]  }
0x39: {  	_ = 	snop;
	(pc) =	sbr.ind lr, $3  }
0x3a: {  	_ = 	snop  }
0x3b: {  	_ = 	snop  }
0x3c: {  	p2 =	seq.s32 s10, $0x1;
	s10 =	sld [smem:$0x3FAF]  }
0x3d: {  	_ =	shalt  }
0x3e: {  	_ =	shalt  }
0x3f: {  	_ =	shalt  }
0x40: {  	_ =	shalt  }
0x41: {  	_ =	shalt  }
0x42: {  	_ =	shalt  }
0x43: {  	_ =	shalt  }
0x44: {  	_ =	shalt  }
0x45: {  	_ =	shalt  }
0x46: {  	_ =	shalt  }
0x47: {  	_ =	shalt  }
0x48: {  	_ =	shalt  }
0x49: {  	_ =	shalt  }
0x4a: {  	_ =	shalt  }
0x4b: {  	_ =	shalt  }
0x4c: {  	_ =	shalt  }
0x4d: {  	_ =	shalt  }
0x4e: {  	_ =	shalt  }
0x4f: {  	_ =	shalt  }
0x50: {  	_ =	shalt  }
0x51: {  	_ =	shalt  }
0x52: {  	_ =	shalt  }
0x53: {  	_ =	shalt  }
0x54: {  	_ =	shalt  }
0x55: {  	_ =	shalt  }
0x56: {  	_ =	shalt  }
0x57: {  	_ =	shalt  }
0x58: {  	_ =	shalt  }
0x59: {  	_ =	shalt  }
0x5a: {  	_ =	shalt  }
0x5b: {  	_ =	shalt  }
0x5c: {  	_ =	shalt  }
0x5d: {  	_ =	shalt  }
0x5e: {  	_ =	shalt  }
0x5f: {  	_ =	shalt  }
0x60: {  	_ =	shalt  }
0x61: {  	_ =	shalt  }
0x62: {  	_ =	shalt  }
0x63: {  	_ =	shalt  }
0x64: {  	_ =	shalt  }
0x65: {  	_ =	shalt  }
0x66: {  	_ =	shalt  }
0x67: {  	_ =	shalt  }
0x68: {  	_ =	shalt  }
0x69: {  	_ =	shalt  }
0x6a: {  	_ =	shalt  }
0x6b: {  	_ =	shalt  }
0x6c: {  	_ =	shalt  }
0x6d: {  	_ =	shalt  }
0x6e: {  	_ =	shalt  }
0x6f: {  	_ =	shalt  }
0x70: {  	_ =	shalt  }
0x71: {  	_ =	shalt  }
0x72: {  	_ =	shalt  }
0x73: {  	_ =	shalt  }
0x74: {  	_ =	shalt  }
0x75: {  	_ =	shalt  }
0x76: {  	_ =	shalt  }
0x77: {  	_ =	shalt  }
0x78: {  	_ =	shalt  }
0x79: {  	_ =	shalt  }
0x7a: {  	_ =	shalt  }
0x7b: {  	_ =	shalt  }
0x7c: {  	_ =	shalt  }
0x7d: {  	_ =	shalt  }
0x7e: {  	_ =	shalt  }
0x7f: {  	_ =	shalt  }
0x80: {  	_ =	shalt  }
0x81: {  	_ =	shalt  }
0x82: {  	_ =	shalt  }
0x83: {  	_ =	shalt  }
0x84: {  	_ =	shalt  }
0x85: {  	_ =	shalt  }
0x86: {  	_ =	shalt  }
0x87: {  	_ =	shalt  }
.Lfunc_end0:
.L_simem_size_0:
called_computation_lowered:
.L_overlay_start_0:
0x88: {  	s2 =	sld [smem:$0x3FD9]  }
0x89: {  	s3 =	sld [smem:$0x3FFE];
	_ =	sdelay $0x1  }
0x8a: {  	s1 =	srdreg.scid  }
0x8b: {  	s0 =	sand.u32 $0x1, s1  }
0x8c: {  	s17 =	sshll.u32 s0, $0xA;
	s2 =	sadd.s32 s3, s2  }
0x8d: {  	s2 =	sadd.s32 s2, s17  }
0x8e: {  	[smem:$0x3FBB] =	sst s2  }
0x8f: {  	_ = 	snop  }
0x90: {  	s2 =	sld [smem:$0x3FD0];
	(tm) =	ssettm $0x1  }
0x91: {  	s18 =	sld [smem:$0x3FFB];
	_ =	sdelay $0x3  }
0x92: {  	_ =	strace s18  }
0x93: {  	s3 =	sld [smem:$0x3FFC];
	_ =	sdelay $0x3  }
0x94: {  	_ =	strace s3  }
0x95: {  	s3 =	sld [smem:$0x3FFD];
	_ =	sdelay $0x3  }
0x96: {  	_ =	strace s3  }
0x97: {  	_ =	strace $0x8FFFFFFF  }
0x98: {  	s19 =	sld [smem:$0x3FDB];
	_ =	sdelay $0x1  }
0x99: {  	s4 =	simm.s32 $_scs_section_size  }
0x9a: {  	s5 =	simm.s32 $_size__tile_overlayer_lowered;
	s6 =	simm.s32 $_tile_overlayer_lowered  }
0x9b: {  	s22 =	simm.s32 $0x1BFF;
	s21 =	sshll.u32 s6, $0x1;
	s3 =	sadd.s32 s4, s19  }
0x9c: {  	s7 =	simm.s32 $0x0;
	s20 =	sshll.u32 s5, $0x1;
	s5 =	sadd.s32 s21, s3  }
0x9d: {  	[timem:s7], [sflag:s22] =	dma.local [hbm:s5], s20  }
0x9e: {  	_ =	swait.ge [sflag:s22], s20  }
0x9f: {  	s4 =	ssub.s32 $0x0, s20;
	[sflag:s22] =	ssyncset.done $0x0  }
0xa0: {  	[sflag:s22] =	ssyncadd.s32 s4;
	_ =	sdelay $0x1  }
0xa1: {  	s23 =	simm.s32 $0x1B8B  }
0xa2: {  	_ =	swait.ge [sflag:s23], $0x1  }
0xa3: {  	[sflag:s23] =	ssyncset.done $0x0  }
0xa4: {  	s25 =	simm.s32 $0x1B8E;
	s24 =	sld [smem:$0x3FFE];
	[sflag:s23] =	ssyncadd.s32 $0xFFFFFFFF  }
0xa5: {  	s26 =	simm.s32 $execute0_lowered;
	[smem:$0x3FD2] =	sst s25  }
0xa6: {  	s5 =	sshll.u32 s26, $0x1;
	_ =	strace $0x80000046;
	[dreg:$0x1] =	wrdreg $0xFFFFFFFF  }
0xa7: {  	s28 =	simm.s32 $_size_execute0_lowered;
	s3 =	sadd.s32 s3, s5;
	[dreg:$0x0] =	wrdreg $0x0  }
0xa8: {  	s5 =	sshll.u32 s28, $0x1;
	[dreg:$0x2] =	wrdreg s3  }
0xa9: {  	[dreg:$0x3] =	wrdreg s5  }
0xaa: {  	[dreg:$0x4] =	wrdreg $0xC0  }
0xab: {  	_ =	task [dreg:s7], $0x5FFFF  }
0xac: {  	[dreg:$0x1] =	wrdreg $0xFFFFFFFF  }
0xad: {  	[dreg:$0x0] =	wrdreg $0x60  }
0xae: {  	[dreg:$0x2] =	wrdreg s24  }
0xaf: {  	[dreg:$0x3] =	wrdreg s2  }
0xb0: {  	[dreg:$0x4] =	wrdreg $0x9  }
0xb1: {  	_ =	task.clear_ibuf [dreg:s7], $0x5FFFF;
	_ =	strace $0x90000046  }
0xb2: {  	s29 =	simm.s32 $0x9;
	_ =	strace $0x80000048  }
0xb3: {  	_ =	swait.ge [sflag:s29], $0x1  }
0xb4: {  	[sflag:s29] =	ssyncadd.s32 $0xFFFFFFFF  }
0xb5: {  	_ =	strace $0x90000048  }
0xb6: {  	_ =	sfence  }
0xb7: {  	s30 =	sld [smem:$0x0];
	_ =	sdelay $0x2  }
0xb8: {  	s31 =	sshll.u32 s1, $0xD;
	s1 =	sshrl.u32 s1, $0x2  }
0xb9: {  	s3 =	sand.u32 $0x4000, s31;
	s1 =	sadd.s32 s1, s30  }
0xba: {  	s0 =	sor.u32 s3, s0;
	s1 =	sshll.u32 s1, $0x11  }
0xbb: {  	s0 =	sor.u32 s1, s0  }
0xbc: {  	s0 =	sadd.s32 $0x8F2B, s0  }
0xbd: {  	[sflag:s0] =	ssyncadd.remote.s32 $0x1  }
0xbe: {  	_ =	sfence.sel $0xFFFF  }
0xbf: {  	[dreg:$0x0] =	wrdreg $0xFFFFFFFF;
	(pc) =	sbr.abs _section_cstart, $3  }
0xc0: {  	[dreg:$0x1] =	wrdreg $0xFFFFFFFF  }
0xc1: {  	_ =	task.clear_ibuf [dreg:s7], $0x2FFFF;
	_ =	strace $0x9FFFFFFF  }
0xc2: {  	(tm) =	ssettm $0x7FFFFFFF  }
0xc3: {  	_ =	shalt  }
tec
execute0_lowered:
.L_overlay_start_1:
0x0: {  	(tag) =	ssettag $0x1  }
0x1: {  	s5 =	rddreg [dreg:$0x0];
	s1 =	srdreg.scid  }
0x2: {  	s0 =	stileid.u32;
	s7 =	rddreg [dreg:$0x1];
	s2 =	simm.s32 $0x0  }
0x3: {  	s16 =	simm.s32 $0xDB00;
	s18 =	simm.s32 $0xE700;
	s19 =	simm.s32 $0xD00  }
0x4: {  	s20 =	simm.s32 $0xEB00;
	s21 =	simm.s32 $0x1;
	s22 =	simm.s32 $0x68  }
0x5: {  	s23 =	simm.s32 $0x4100;
	s24 =	simm.s32 $0x2;
	s25 =	simm.s32 $0xC98  }
0x6: {  	s26 =	simm.s32 $0x0;
	s8 =	sand.u32 $0x1, s1;
	s1 =	rddreg [dreg:$0x2]  }
0x7: {  	s3 =	sshll.u32 s0, $0x1;
	[smem:$0x7FF] =	sst s2;
	s4 =	sadd.s32 $0x9E00, s5  }
0x8: {  	s13 =	sadd.s32 $0x70600, s5;
	s14 =	smul.u32 $0x1A000, s0;
	s6 =	sor.u32 s8, s3  }
0x9: {  	_ =	strace $0x80000047;
	s3 =	sadd.s32 $0xAC00, s5;
	s15 =	smul.u32 $0xD000, s8  }
0xa: {  	s11 =	ssub.s32 $0x2, s8;
	s9 =	smul.u32 $0xD00, s6;
	s10 =	sshll.u32 s6, $0x7  }
0xb: {  	s12 =	sshrl.u32 s11, $0x1;
	s28 =	smul.u32 $0xD000, s6;
	s29 =	sshll.u32 s6, $0x4  }
0xc: {  	s31 =	sadd.s32 s14, s13;
	s14 =	simm.s32 $0x400;
	s10 =	sadd.s32 s10, s5  }
0xd: {  	s11 =	ssub.s32 s11, s12;
	s7 =	sadd.s32 s7, s29;
	s12 =	simm.s32 $0x3  }
0xe: {  	s9 =	sshrl.u32 s9, $0x3;
	s6 =	sadd.s32 $0x2A00, s10;
	s8 =	smax.u32 s11, $0x1  }
0xf: {  	s30 =	sadd.s32 s13, s28;
	s11 =	sadd.s32 s15, s31;
	s13 =	simm.s32 $0x7500  }
0x10: {  	s15 =	simm.s32 $0x8000;
	s9 =	sadd.s32 s9, s5;
	s10 =	sadd.s32 $0xC980, s30  }
0x11: {  	s17 =	sadd.s32 $0x3000, s6;
	s5 =	sadd.s32 $0x6A00, s9;
	s9 =	sadd.s32 $0xC300, s30  }
.LBB2_1:
0x12: {  	[tilespmem:s2], [sflag:$0x3] =	stream.linear.gather [hbm4b:s5+s2], $0xD00, $0x38;
	[tilespmem:$0xEB80] =	vst v63  }
0x13: {  	_ =	swait.ge [sflag:s12], $0xD00  }
0x14: {  	[sflag:s12] =	ssyncset.done $0x0  }
0x15: {  	[sflag:s12] =	ssyncadd.s32 $0xFFFFF300  }
0x16: {  	[tilespmem:s13], [sflag:$0x3] =	stream.linear.gather [hbm4b:s4+s2], $0x6600, $0x38;
	[tilespmem:$0xEB80] =	vst v63  }
0x17: {  	_ =	swait.ge [sflag:s12], $0x6600  }
0x18: {  	[sflag:s12] =	ssyncset.done $0x0  }
0x19: {  	[sflag:s12] =	ssyncadd.s32 $0xFFFF9A00  }
0x1a: {  	[tilespmem:s16], [sflag:$0x3] =	stream.strided.gather [hbm4b:s6+s14], $0xC00, s15, s14, $0x38;
	[tilespmem:$0xEB80] =	vst v63  }
0x1b: {  	_ = 	snop  }
0x1c: {  	[tilespmem:s18], [sflag:$0x3] =	stream.linear.gather [hbm4b:s17+s2], $0x100, $0x38;
	[tilespmem:$0xEB80] =	vst v63  }
0x1d: {  	_ =	swait.ge [sflag:s12], $0xD00  }
0x1e: {  	[sflag:s12] =	ssyncset.done $0x0  }
0x1f: {  	[sflag:s12] =	ssyncadd.s32 $0xFFFFF300  }
0x20: {  	[tilespmem:s19], [sflag:$0x1] =	stream.indirect.gather [hbm4b:s3+s22], $0x80, s2, s22, $0xb8;
	[tilespmem:$0xEB80] =	vst v63  }
0x21: {  	v0 =	vld [tilespmem:$0xDB00];
	_ =	sdelay $0x1  }
0x22: {  	v1 =	vld [tilespmem:$0xDB80];
	_ =	sdelay $0x1  }
0x23: {  	v2 =	vld [tilespmem:$0xDC00];
	_ =	sdelay $0x1  }
0x24: {  	v3 =	vld [tilespmem:$0xDC80]  }
0x25: {  	v4 =	vld [tilespmem:$0xDD00]  }
0x26: {  	v0 =	vld.idx.msk [tilespmem:v0+s13+$0x0], $0xffff  }
0x27: {  	v5 =	vld [tilespmem:$0xDD80]  }
0x28: {  	v1 =	vld.idx.msk [tilespmem:v1+s13+$0x0], $0xffff  }
0x29: {  	v6 =	vld [tilespmem:$0xDE00]  }
0x2a: {  	v2 =	vld.idx.msk [tilespmem:v2+s13+$0x0], $0xffff  }
0x2b: {  	v7 =	vld [tilespmem:$0xDE80];
	v0 =	vadd.f32 $0.0e+00, v0  }
0x2c: {  	v3 =	vld.idx.msk [tilespmem:v3+s13+$0x0], $0xffff  }
0x2d: {  	v49 =	vld [tilespmem:$0xDF00];
	v0 =	vadd.f32 v1, v0  }
0x2e: {  	v48 =	vld.idx.msk [tilespmem:v4+s13+$0x0], $0xffff  }
0x2f: {  	v50 =	vld [tilespmem:$0xDF80];
	v0 =	vadd.f32 v2, v0  }
0x30: {  	v5 =	vld.idx.msk [tilespmem:v5+s13+$0x0], $0xffff  }
0x31: {  	v51 =	vld [tilespmem:$0xE000];
	v0 =	vadd.f32 v3, v0  }
0x32: {  	v6 =	vld.idx.msk [tilespmem:v6+s13+$0x0], $0xffff  }
0x33: {  	v52 =	vld [tilespmem:$0xE080];
	v0 =	vadd.f32 v48, v0  }
0x34: {  	v7 =	vld.idx.msk [tilespmem:v7+s13+$0x0], $0xffff  }
0x35: {  	v53 =	vld [tilespmem:$0xE100];
	v0 =	vadd.f32 v5, v0  }
0x36: {  	v4 =	vld.idx.msk [tilespmem:v49+s13+$0x0], $0xffff  }
0x37: {  	v54 =	vld [tilespmem:$0xE180];
	v0 =	vadd.f32 v6, v0  }
0x38: {  	v2 =	vld.idx.msk [tilespmem:v50+s13+$0x0], $0xffff  }
0x39: {  	v55 =	vld [tilespmem:$0xE200];
	v0 =	vadd.f32 v7, v0  }
0x3a: {  	v3 =	vld.idx.msk [tilespmem:v51+s13+$0x0], $0xffff  }
0x3b: {  	v56 =	vld [tilespmem:$0xE280];
	v0 =	vadd.f32 v4, v0  }
0x3c: {  	v1 =	vld.idx.msk [tilespmem:v52+s13+$0x0], $0xffff  }
0x3d: {  	v58 =	vld [tilespmem:$0xE300];
	v0 =	vadd.f32 v2, v0  }
0x3e: {  	v57 =	vld.idx.msk [tilespmem:v53+s13+$0x0], $0xffff  }
0x3f: {  	v59 =	vld [tilespmem:$0xE380];
	v0 =	vadd.f32 v3, v0  }
0x40: {  	v6 =	vld.idx.msk [tilespmem:v54+s13+$0x0], $0xffff  }
0x41: {  	v60 =	vld [tilespmem:$0xE400];
	v0 =	vadd.f32 v1, v0  }
0x42: {  	v7 =	vld.idx.msk [tilespmem:v55+s13+$0x0], $0xffff  }
0x43: {  	v61 =	vld [tilespmem:$0xE480];
	v0 =	vadd.f32 v57, v0  }
0x44: {  	v4 =	vld.idx.msk [tilespmem:v56+s13+$0x0], $0xffff  }
0x45: {  	v62 =	vld [tilespmem:$0xE500];
	v0 =	vadd.f32 v6, v0  }
0x46: {  	v5 =	vld.idx.msk [tilespmem:v58+s13+$0x0], $0xffff  }
0x47: {  	v63 =	vld [tilespmem:$0xE580];
	v0 =	vadd.f32 v7, v0  }
0x48: {  	v3 =	vld.idx.msk [tilespmem:v59+s13+$0x0], $0xffff  }
0x49: {  	v9 =	vld [tilespmem:$0xE600];
	v0 =	vadd.f32 v4, v0  }
0x4a: {  	v1 =	vld.idx.msk [tilespmem:v60+s13+$0x0], $0xffff  }
0x4b: {  	v10 =	vld [tilespmem:$0xE680];
	v0 =	vadd.f32 v5, v0  }
0x4c: {  	v2 =	vld.idx.msk [tilespmem:v61+s13+$0x0], $0xffff  }
0x4d: {  	v12 =	vld [tilespmem:$0xE700];
	v0 =	vadd.f32 v3, v0  }
0x4e: {  	v11 =	vld.idx.msk [tilespmem:v62+s13+$0x0], $0xffff  }
0x4f: {  	v13 =	vld [tilespmem:$0xE780];
	v0 =	vadd.f32 v1, v0  }
0x50: {  	v7 =	vld.idx.msk [tilespmem:v63+s13+$0x0], $0xffff  }
0x51: {  	v0 =	vadd.f32 v2, v0  }
0x52: {  	v14 =	vld.idx.msk [tilespmem:v9+s13+$0x0], $0xffff  }
0x53: {  	v0 =	vadd.f32 v11, v0  }
0x54: {  	v15 =	vld.idx.msk [tilespmem:v10+s13+$0x0], $0xffff  }
0x55: {  	v0 =	vadd.f32 v7, v0  }
0x56: {  	v16 =	vld.idx.msk [tilespmem:v12+s13+$0x0], $0xffff  }
0x57: {  	v17 =	vld [tilespmem:$0xDB10];
	v0 =	vadd.f32 v14, v0  }
0x58: {  	v1 =	vld.idx.msk [tilespmem:v13+s13+$0x0], $0xffff  }
0x59: {  	v0 =	vadd.f32 v15, v0  }
0x5a: {  	v18 =	vld [tilespmem:$0xDB90]  }
0x5b: {  	v0 =	vadd.f32 v16, v0  }
0x5c: {  	v19 =	vld [tilespmem:$0xDC10]  }
0x5d: {  	v0 =	vadd.f32 v1, v0  }
0x5e: {  	v20 =	vld [tilespmem:$0xDC90]  }
0x5f: {  	v21 =	vld [tilespmem:$0xDD10];
	[tilespmem:$0xEB00] =	vst v0  }
0x60: {  	v2 =	vld.idx.msk [tilespmem:v17+s13+$0x0], $0xffff  }
0x61: {  	v22 =	vld [tilespmem:$0xDD90]  }
0x62: {  	v3 =	vld.idx.msk [tilespmem:v18+s13+$0x0], $0xffff  }
0x63: {  	v23 =	vld [tilespmem:$0xDE10]  }
0x64: {  	v4 =	vld.idx.msk [tilespmem:v19+s13+$0x0], $0xffff  }
0x65: {  	v24 =	vld [tilespmem:$0xDE90];
	v2 =	vadd.f32 $0.0e+00, v2  }
0x66: {  	v1 =	vld.idx.msk [tilespmem:v20+s13+$0x0], $0xffff  }
0x67: {  	v25 =	vld [tilespmem:$0xDF10];
	v2 =	vadd.f32 v3, v2  }
0x68: {  	v0 =	vld.idx.msk [tilespmem:v21+s13+$0x0], $0xffff  }
0x69: {  	v26 =	vld [tilespmem:$0xDF90];
	v2 =	vadd.f32 v4, v2  }
0x6a: {  	v5 =	vld.idx.msk [tilespmem:v22+s13+$0x0], $0xffff  }
0x6b: {  	v27 =	vld [tilespmem:$0xE010];
	v1 =	vadd.f32 v1, v2  }
0x6c: {  	v6 =	vld.idx.msk [tilespmem:v23+s13+$0x0], $0xffff  }
0x6d: {  	v28 =	vld [tilespmem:$0xE090];
	v0 =	vadd.f32 v0, v1  }
0x6e: {  	v7 =	vld.idx.msk [tilespmem:v24+s13+$0x0], $0xffff  }
0x6f: {  	v29 =	vld [tilespmem:$0xE110];
	v0 =	vadd.f32 v5, v0  }
0x70: {  	v3 =	vld.idx.msk [tilespmem:v25+s13+$0x0], $0xffff  }
0x71: {  	v30 =	vld [tilespmem:$0xE190];
	v0 =	vadd.f32 v6, v0  }
0x72: {  	v4 =	vld.idx.msk [tilespmem:v26+s13+$0x0], $0xffff  }
0x73: {  	v31 =	vld [tilespmem:$0xE210];
	v0 =	vadd.f32 v7, v0  }
0x74: {  	v2 =	vld.idx.msk [tilespmem:v27+s13+$0x0], $0xffff  }
0x75: {  	v32 =	vld [tilespmem:$0xE290];
	v0 =	vadd.f32 v3, v0  }
0x76: {  	v1 =	vld.idx.msk [tilespmem:v28+s13+$0x0], $0xffff  }
0x77: {  	v34 =	vld [tilespmem:$0xE310];
	v0 =	vadd.f32 v4, v0  }
0x78: {  	v33 =	vld.idx.msk [tilespmem:v29+s13+$0x0], $0xffff  }
0x79: {  	v35 =	vld [tilespmem:$0xE390];
	v0 =	vadd.f32 v2, v0  }
0x7a: {  	v6 =	vld.idx.msk [tilespmem:v30+s13+$0x0], $0xffff  }
0x7b: {  	v36 =	vld [tilespmem:$0xE410];
	v0 =	vadd.f32 v1, v0  }
0x7c: {  	v7 =	vld.idx.msk [tilespmem:v31+s13+$0x0], $0xffff  }
0x7d: {  	v37 =	vld [tilespmem:$0xE490];
	v0 =	vadd.f32 v33, v0  }
0x7e: {  	v3 =	vld.idx.msk [tilespmem:v32+s13+$0x0], $0xffff  }
0x7f: {  	v38 =	vld [tilespmem:$0xE510];
	v0 =	vadd.f32 v6, v0  }
0x80: {  	v5 =	vld.idx.msk [tilespmem:v34+s13+$0x0], $0xffff  }
0x81: {  	v39 =	vld [tilespmem:$0xE590];
	v0 =	vadd.f32 v7, v0  }
0x82: {  	v2 =	vld.idx.msk [tilespmem:v35+s13+$0x0], $0xffff  }
0x83: {  	v40 =	vld [tilespmem:$0xE610];
	v0 =	vadd.f32 v3, v0  }
0x84: {  	v1 =	vld.idx.msk [tilespmem:v36+s13+$0x0], $0xffff  }
0x85: {  	v41 =	vld [tilespmem:$0xE690];
	v0 =	vadd.f32 v5, v0  }
0x86: {  	v4 =	vld.idx.msk [tilespmem:v37+s13+$0x0], $0xffff  }
0x87: {  	v43 =	vld [tilespmem:$0xE710];
	v0 =	vadd.f32 v2, v0  }
0x88: {  	v42 =	vld.idx.msk [tilespmem:v38+s13+$0x0], $0xffff  }
0x89: {  	v44 =	vld [tilespmem:$0xE790];
	v0 =	vadd.f32 v1, v0  }
0x8a: {  	v7 =	vld.idx.msk [tilespmem:v39+s13+$0x0], $0xffff  }
0x8b: {  	v0 =	vadd.f32 v4, v0  }
0x8c: {  	v3 =	vld.idx.msk [tilespmem:v40+s13+$0x0], $0xffff  }
0x8d: {  	v0 =	vadd.f32 v42, v0  }
0x8e: {  	v45 =	vld.idx.msk [tilespmem:v41+s13+$0x0], $0xffff  }
0x8f: {  	v0 =	vadd.f32 v7, v0  }
0x90: {  	v46 =	vld.idx.msk [tilespmem:v43+s13+$0x0], $0xffff  }
0x91: {  	v47 =	vld [tilespmem:$0xDB20];
	v0 =	vadd.f32 v3, v0  }
0x92: {  	v1 =	vld.idx.msk [tilespmem:v44+s13+$0x0], $0xffff  }
0x93: {  	v0 =	vadd.f32 v45, v0  }
0x94: {  	v48 =	vld [tilespmem:$0xDBA0]  }
0x95: {  	v0 =	vadd.f32 v46, v0  }
0x96: {  	v49 =	vld [tilespmem:$0xDC20]  }
0x97: {  	v0 =	vadd.f32 v1, v0  }
0x98: {  	v50 =	vld [tilespmem:$0xDCA0]  }
0x99: {  	v51 =	vld [tilespmem:$0xDD20];
	[tilespmem:$0xEB10] =	vst v0  }
0x9a: {  	v3 =	vld.idx.msk [tilespmem:v47+s13+$0x0], $0xffff  }
0x9b: {  	v52 =	vld [tilespmem:$0xDDA0]  }
0x9c: {  	v2 =	vld.idx.msk [tilespmem:v48+s13+$0x0], $0xffff  }
0x9d: {  	v53 =	vld [tilespmem:$0xDE20]  }
0x9e: {  	v4 =	vld.idx.msk [tilespmem:v49+s13+$0x0], $0xffff  }
0x9f: {  	v54 =	vld [tilespmem:$0xDEA0];
	v3 =	vadd.f32 $0.0e+00, v3  }
0xa0: {  	v1 =	vld.idx.msk [tilespmem:v50+s13+$0x0], $0xffff  }
0xa1: {  	v55 =	vld [tilespmem:$0xDF20];
	v2 =	vadd.f32 v2, v3  }
0xa2: {  	v0 =	vld.idx.msk [tilespmem:v51+s13+$0x0], $0xffff  }
0xa3: {  	v56 =	vld [tilespmem:$0xDFA0];
	v2 =	vadd.f32 v4, v2  }
0xa4: {  	v5 =	vld.idx.msk [tilespmem:v52+s13+$0x0], $0xffff  }
0xa5: {  	v57 =	vld [tilespmem:$0xE020];
	v1 =	vadd.f32 v1, v2  }
0xa6: {  	v6 =	vld.idx.msk [tilespmem:v53+s13+$0x0], $0xffff  }
0xa7: {  	v58 =	vld [tilespmem:$0xE0A0];
	v0 =	vadd.f32 v0, v1  }
0xa8: {  	v7 =	vld.idx.msk [tilespmem:v54+s13+$0x0], $0xffff  }
0xa9: {  	v59 =	vld [tilespmem:$0xE120];
	v0 =	vadd.f32 v5, v0  }
0xaa: {  	v3 =	vld.idx.msk [tilespmem:v55+s13+$0x0], $0xffff  }
0xab: {  	v60 =	vld [tilespmem:$0xE1A0];
	v0 =	vadd.f32 v6, v0  }
0xac: {  	v4 =	vld.idx.msk [tilespmem:v56+s13+$0x0], $0xffff  }
0xad: {  	v61 =	vld [tilespmem:$0xE220];
	v0 =	vadd.f32 v7, v0  }
0xae: {  	v2 =	vld.idx.msk [tilespmem:v57+s13+$0x0], $0xffff  }
0xaf: {  	v62 =	vld [tilespmem:$0xE2A0];
	v0 =	vadd.f32 v3, v0  }
0xb0: {  	v1 =	vld.idx.msk [tilespmem:v58+s13+$0x0], $0xffff  }
0xb1: {  	v9 =	vld [tilespmem:$0xE320];
	v0 =	vadd.f32 v4, v0  }
0xb2: {  	v63 =	vld.idx.msk [tilespmem:v59+s13+$0x0], $0xffff  }
0xb3: {  	v10 =	vld [tilespmem:$0xE3A0];
	v0 =	vadd.f32 v2, v0  }
0xb4: {  	v6 =	vld.idx.msk [tilespmem:v60+s13+$0x0], $0xffff  }
0xb5: {  	v11 =	vld [tilespmem:$0xE420];
	v0 =	vadd.f32 v1, v0  }
0xb6: {  	v7 =	vld.idx.msk [tilespmem:v61+s13+$0x0], $0xffff  }
0xb7: {  	v12 =	vld [tilespmem:$0xE4A0];
	v0 =	vadd.f32 v63, v0  }
0xb8: {  	v3 =	vld.idx.msk [tilespmem:v62+s13+$0x0], $0xffff  }
0xb9: {  	v13 =	vld [tilespmem:$0xE520];
	v0 =	vadd.f32 v6, v0  }
0xba: {  	v5 =	vld.idx.msk [tilespmem:v9+s13+$0x0], $0xffff  }
0xbb: {  	v14 =	vld [tilespmem:$0xE5A0];
	v0 =	vadd.f32 v7, v0  }
0xbc: {  	v2 =	vld.idx.msk [tilespmem:v10+s13+$0x0], $0xffff  }
0xbd: {  	v15 =	vld [tilespmem:$0xE620];
	v0 =	vadd.f32 v3, v0  }
0xbe: {  	v1 =	vld.idx.msk [tilespmem:v11+s13+$0x0], $0xffff  }
0xbf: {  	v16 =	vld [tilespmem:$0xE6A0];
	v0 =	vadd.f32 v5, v0  }
0xc0: {  	v4 =	vld.idx.msk [tilespmem:v12+s13+$0x0], $0xffff  }
0xc1: {  	v18 =	vld [tilespmem:$0xE720];
	v0 =	vadd.f32 v2, v0  }
0xc2: {  	v17 =	vld.idx.msk [tilespmem:v13+s13+$0x0], $0xffff  }
0xc3: {  	v19 =	vld [tilespmem:$0xE7A0];
	v0 =	vadd.f32 v1, v0  }
0xc4: {  	v7 =	vld.idx.msk [tilespmem:v14+s13+$0x0], $0xffff  }
0xc5: {  	v0 =	vadd.f32 v4, v0  }
0xc6: {  	v3 =	vld.idx.msk [tilespmem:v15+s13+$0x0], $0xffff  }
0xc7: {  	v0 =	vadd.f32 v17, v0  }
0xc8: {  	v20 =	vld.idx.msk [tilespmem:v16+s13+$0x0], $0xffff  }
0xc9: {  	v0 =	vadd.f32 v7, v0  }
0xca: {  	v21 =	vld.idx.msk [tilespmem:v18+s13+$0x0], $0xffff  }
0xcb: {  	v22 =	vld [tilespmem:$0xDB30];
	v0 =	vadd.f32 v3, v0  }
0xcc: {  	v1 =	vld.idx.msk [tilespmem:v19+s13+$0x0], $0xffff  }
0xcd: {  	v0 =	vadd.f32 v20, v0  }
0xce: {  	v23 =	vld [tilespmem:$0xDBB0]  }
0xcf: {  	v0 =	vadd.f32 v21, v0  }
0xd0: {  	v24 =	vld [tilespmem:$0xDC30]  }
0xd1: {  	v0 =	vadd.f32 v1, v0  }
0xd2: {  	v25 =	vld [tilespmem:$0xDCB0]  }
0xd3: {  	v26 =	vld [tilespmem:$0xDD30];
	[tilespmem:$0xEB20] =	vst v0  }
0xd4: {  	v3 =	vld.idx.msk [tilespmem:v22+s13+$0x0], $0xffff  }
0xd5: {  	v27 =	vld [tilespmem:$0xDDB0]  }
0xd6: {  	v2 =	vld.idx.msk [tilespmem:v23+s13+$0x0], $0xffff  }
0xd7: {  	v28 =	vld [tilespmem:$0xDE30]  }
0xd8: {  	v4 =	vld.idx.msk [tilespmem:v24+s13+$0x0], $0xffff  }
0xd9: {  	v29 =	vld [tilespmem:$0xDEB0];
	v3 =	vadd.f32 $0.0e+00, v3  }
0xda: {  	v1 =	vld.idx.msk [tilespmem:v25+s13+$0x0], $0xffff  }
0xdb: {  	v30 =	vld [tilespmem:$0xDF30];
	v2 =	vadd.f32 v2, v3  }
0xdc: {  	v0 =	vld.idx.msk [tilespmem:v26+s13+$0x0], $0xffff  }
0xdd: {  	v31 =	vld [tilespmem:$0xDFB0];
	v2 =	vadd.f32 v4, v2  }
0xde: {  	v5 =	vld.idx.msk [tilespmem:v27+s13+$0x0], $0xffff  }
0xdf: {  	v32 =	vld [tilespmem:$0xE030];
	v1 =	vadd.f32 v1, v2  }
0xe0: {  	v6 =	vld.idx.msk [tilespmem:v28+s13+$0x0], $0xffff  }
0xe1: {  	v33 =	vld [tilespmem:$0xE0B0];
	v0 =	vadd.f32 v0, v1  }
0xe2: {  	v7 =	vld.idx.msk [tilespmem:v29+s13+$0x0], $0xffff  }
0xe3: {  	v34 =	vld [tilespmem:$0xE130];
	v0 =	vadd.f32 v5, v0  }
0xe4: {  	v3 =	vld.idx.msk [tilespmem:v30+s13+$0x0], $0xffff  }
0xe5: {  	v35 =	vld [tilespmem:$0xE1B0];
	v0 =	vadd.f32 v6, v0  }
0xe6: {  	v4 =	vld.idx.msk [tilespmem:v31+s13+$0x0], $0xffff  }
0xe7: {  	v36 =	vld [tilespmem:$0xE230];
	v0 =	vadd.f32 v7, v0  }
0xe8: {  	v2 =	vld.idx.msk [tilespmem:v32+s13+$0x0], $0xffff  }
0xe9: {  	v37 =	vld [tilespmem:$0xE2B0];
	v0 =	vadd.f32 v3, v0  }
0xea: {  	v1 =	vld.idx.msk [tilespmem:v33+s13+$0x0], $0xffff  }
0xeb: {  	v39 =	vld [tilespmem:$0xE330];
	v0 =	vadd.f32 v4, v0  }
0xec: {  	v38 =	vld.idx.msk [tilespmem:v34+s13+$0x0], $0xffff  }
0xed: {  	v40 =	vld [tilespmem:$0xE3B0];
	v0 =	vadd.f32 v2, v0  }
0xee: {  	v6 =	vld.idx.msk [tilespmem:v35+s13+$0x0], $0xffff  }
0xef: {  	v41 =	vld [tilespmem:$0xE430];
	v0 =	vadd.f32 v1, v0  }
0xf0: {  	v7 =	vld.idx.msk [tilespmem:v36+s13+$0x0], $0xffff  }
0xf1: {  	v42 =	vld [tilespmem:$0xE4B0];
	v0 =	vadd.f32 v38, v0  }
0xf2: {  	v3 =	vld.idx.msk [tilespmem:v37+s13+$0x0], $0xffff  }
0xf3: {  	v43 =	vld [tilespmem:$0xE530];
	v0 =	vadd.f32 v6, v0  }
0xf4: {  	v5 =	vld.idx.msk [tilespmem:v39+s13+$0x0], $0xffff  }
0xf5: {  	v44 =	vld [tilespmem:$0xE5B0];
	v0 =	vadd.f32 v7, v0  }
0xf6: {  	v2 =	vld.idx.msk [tilespmem:v40+s13+$0x0], $0xffff  }
0xf7: {  	v45 =	vld [tilespmem:$0xE630];
	v0 =	vadd.f32 v3, v0  }
0xf8: {  	v1 =	vld.idx.msk [tilespmem:v41+s13+$0x0], $0xffff  }
0xf9: {  	v46 =	vld [tilespmem:$0xE6B0];
	v0 =	vadd.f32 v5, v0  }
0xfa: {  	v4 =	vld.idx.msk [tilespmem:v42+s13+$0x0], $0xffff  }
0xfb: {  	v48 =	vld [tilespmem:$0xE730];
	v0 =	vadd.f32 v2, v0  }
0xfc: {  	v47 =	vld.idx.msk [tilespmem:v43+s13+$0x0], $0xffff  }
0xfd: {  	v49 =	vld [tilespmem:$0xE7B0];
	v0 =	vadd.f32 v1, v0  }
0xfe: {  	v7 =	vld.idx.msk [tilespmem:v44+s13+$0x0], $0xffff  }
0xff: {  	v0 =	vadd.f32 v4, v0  }
0x100: {  	v3 =	vld.idx.msk [tilespmem:v45+s13+$0x0], $0xffff  }
0x101: {  	v0 =	vadd.f32 v47, v0  }
0x102: {  	v50 =	vld.idx.msk [tilespmem:v46+s13+$0x0], $0xffff  }
0x103: {  	v0 =	vadd.f32 v7, v0  }
0x104: {  	v51 =	vld.idx.msk [tilespmem:v48+s13+$0x0], $0xffff  }
0x105: {  	v52 =	vld [tilespmem:$0xDB40];
	v0 =	vadd.f32 v3, v0  }
0x106: {  	v1 =	vld.idx.msk [tilespmem:v49+s13+$0x0], $0xffff  }
0x107: {  	v0 =	vadd.f32 v50, v0  }
0x108: {  	v53 =	vld [tilespmem:$0xDBC0]  }
0x109: {  	v0 =	vadd.f32 v51, v0  }
0x10a: {  	v54 =	vld [tilespmem:$0xDC40]  }
0x10b: {  	v0 =	vadd.f32 v1, v0  }
0x10c: {  	v55 =	vld [tilespmem:$0xDCC0]  }
0x10d: {  	v56 =	vld [tilespmem:$0xDD40];
	[tilespmem:$0xEB30] =	vst v0  }
0x10e: {  	v3 =	vld.idx.msk [tilespmem:v52+s13+$0x0], $0xffff  }
0x10f: {  	v57 =	vld [tilespmem:$0xDDC0]  }
0x110: {  	v2 =	vld.idx.msk [tilespmem:v53+s13+$0x0], $0xffff  }
0x111: {  	v58 =	vld [tilespmem:$0xDE40]  }
0x112: {  	v4 =	vld.idx.msk [tilespmem:v54+s13+$0x0], $0xffff  }
0x113: {  	v59 =	vld [tilespmem:$0xDEC0];
	v3 =	vadd.f32 $0.0e+00, v3  }
0x114: {  	v1 =	vld.idx.msk [tilespmem:v55+s13+$0x0], $0xffff  }
0x115: {  	v60 =	vld [tilespmem:$0xDF40];
	v2 =	vadd.f32 v2, v3  }
0x116: {  	v0 =	vld.idx.msk [tilespmem:v56+s13+$0x0], $0xffff  }
0x117: {  	v61 =	vld [tilespmem:$0xDFC0];
	v2 =	vadd.f32 v4, v2  }
0x118: {  	v5 =	vld.idx.msk [tilespmem:v57+s13+$0x0], $0xffff  }
0x119: {  	v62 =	vld [tilespmem:$0xE040];
	v1 =	vadd.f32 v1, v2  }
0x11a: {  	v6 =	vld.idx.msk [tilespmem:v58+s13+$0x0], $0xffff  }
0x11b: {  	v63 =	vld [tilespmem:$0xE0C0];
	v0 =	vadd.f32 v0, v1  }
0x11c: {  	v7 =	vld.idx.msk [tilespmem:v59+s13+$0x0], $0xffff  }
0x11d: {  	v9 =	vld [tilespmem:$0xE140];
	v0 =	vadd.f32 v5, v0  }
0x11e: {  	v3 =	vld.idx.msk [tilespmem:v60+s13+$0x0], $0xffff  }
0x11f: {  	v10 =	vld [tilespmem:$0xE1C0];
	v0 =	vadd.f32 v6, v0  }
0x120: {  	v4 =	vld.idx.msk [tilespmem:v61+s13+$0x0], $0xffff  }
0x121: {  	v11 =	vld [tilespmem:$0xE240];
	v0 =	vadd.f32 v7, v0  }
0x122: {  	v2 =	vld.idx.msk [tilespmem:v62+s13+$0x0], $0xffff  }
0x123: {  	v12 =	vld [tilespmem:$0xE2C0];
	v0 =	vadd.f32 v3, v0  }
0x124: {  	v1 =	vld.idx.msk [tilespmem:v63+s13+$0x0], $0xffff  }
0x125: {  	v14 =	vld [tilespmem:$0xE340];
	v0 =	vadd.f32 v4, v0  }
0x126: {  	v13 =	vld.idx.msk [tilespmem:v9+s13+$0x0], $0xffff  }
0x127: {  	v15 =	vld [tilespmem:$0xE3C0];
	v0 =	vadd.f32 v2, v0  }
0x128: {  	v6 =	vld.idx.msk [tilespmem:v10+s13+$0x0], $0xffff  }
0x129: {  	v16 =	vld [tilespmem:$0xE440];
	v0 =	vadd.f32 v1, v0  }
0x12a: {  	v7 =	vld.idx.msk [tilespmem:v11+s13+$0x0], $0xffff  }
0x12b: {  	v17 =	vld [tilespmem:$0xE4C0];
	v0 =	vadd.f32 v13, v0  }
0x12c: {  	v3 =	vld.idx.msk [tilespmem:v12+s13+$0x0], $0xffff  }
0x12d: {  	v18 =	vld [tilespmem:$0xE540];
	v0 =	vadd.f32 v6, v0  }
0x12e: {  	v5 =	vld.idx.msk [tilespmem:v14+s13+$0x0], $0xffff  }
0x12f: {  	v19 =	vld [tilespmem:$0xE5C0];
	v0 =	vadd.f32 v7, v0  }
0x130: {  	v2 =	vld.idx.msk [tilespmem:v15+s13+$0x0], $0xffff  }
0x131: {  	v20 =	vld [tilespmem:$0xE640];
	v0 =	vadd.f32 v3, v0  }
0x132: {  	v1 =	vld.idx.msk [tilespmem:v16+s13+$0x0], $0xffff  }
0x133: {  	v21 =	vld [tilespmem:$0xE6C0];
	v0 =	vadd.f32 v5, v0  }
0x134: {  	v4 =	vld.idx.msk [tilespmem:v17+s13+$0x0], $0xffff  }
0x135: {  	v23 =	vld [tilespmem:$0xE740];
	v0 =	vadd.f32 v2, v0  }
0x136: {  	v22 =	vld.idx.msk [tilespmem:v18+s13+$0x0], $0xffff  }
0x137: {  	v24 =	vld [tilespmem:$0xE7C0];
	v0 =	vadd.f32 v1, v0  }
0x138: {  	v7 =	vld.idx.msk [tilespmem:v19+s13+$0x0], $0xffff  }
0x139: {  	v0 =	vadd.f32 v4, v0  }
0x13a: {  	v3 =	vld.idx.msk [tilespmem:v20+s13+$0x0], $0xffff  }
0x13b: {  	v0 =	vadd.f32 v22, v0  }
0x13c: {  	v25 =	vld.idx.msk [tilespmem:v21+s13+$0x0], $0xffff  }
0x13d: {  	v0 =	vadd.f32 v7, v0  }
0x13e: {  	v26 =	vld.idx.msk [tilespmem:v23+s13+$0x0], $0xffff  }
0x13f: {  	v27 =	vld [tilespmem:$0xDB50];
	v0 =	vadd.f32 v3, v0  }
0x140: {  	v1 =	vld.idx.msk [tilespmem:v24+s13+$0x0], $0xffff  }
0x141: {  	v0 =	vadd.f32 v25, v0  }
0x142: {  	v28 =	vld [tilespmem:$0xDBD0]  }
0x143: {  	v0 =	vadd.f32 v26, v0  }
0x144: {  	v29 =	vld [tilespmem:$0xDC50]  }
0x145: {  	v0 =	vadd.f32 v1, v0  }
0x146: {  	v30 =	vld [tilespmem:$0xDCD0]  }
0x147: {  	v31 =	vld [tilespmem:$0xDD50];
	[tilespmem:$0xEB40] =	vst v0  }
0x148: {  	v3 =	vld.idx.msk [tilespmem:v27+s13+$0x0], $0xffff  }
0x149: {  	v32 =	vld [tilespmem:$0xDDD0]  }
0x14a: {  	v2 =	vld.idx.msk [tilespmem:v28+s13+$0x0], $0xffff  }
0x14b: {  	v33 =	vld [tilespmem:$0xDE50]  }
0x14c: {  	v4 =	vld.idx.msk [tilespmem:v29+s13+$0x0], $0xffff  }
0x14d: {  	v34 =	vld [tilespmem:$0xDED0];
	v3 =	vadd.f32 $0.0e+00, v3  }
0x14e: {  	v1 =	vld.idx.msk [tilespmem:v30+s13+$0x0], $0xffff  }
0x14f: {  	v35 =	vld [tilespmem:$0xDF50];
	v2 =	vadd.f32 v2, v3  }
0x150: {  	v0 =	vld.idx.msk [tilespmem:v31+s13+$0x0], $0xffff  }
0x151: {  	v36 =	vld [tilespmem:$0xDFD0];
	v2 =	vadd.f32 v4, v2  }
0x152: {  	v5 =	vld.idx.msk [tilespmem:v32+s13+$0x0], $0xffff  }
0x153: {  	v37 =	vld [tilespmem:$0xE050];
	v1 =	vadd.f32 v1, v2  }
0x154: {  	v6 =	vld.idx.msk [tilespmem:v33+s13+$0x0], $0xffff  }
0x155: {  	v38 =	vld [tilespmem:$0xE0D0];
	v0 =	vadd.f32 v0, v1  }
0x156: {  	v7 =	vld.idx.msk [tilespmem:v34+s13+$0x0], $0xffff  }
0x157: {  	v39 =	vld [tilespmem:$0xE150];
	v0 =	vadd.f32 v5, v0  }
0x158: {  	v3 =	vld.idx.msk [tilespmem:v35+s13+$0x0], $0xffff  }
0x159: {  	v40 =	vld [tilespmem:$0xE1D0];
	v0 =	vadd.f32 v6, v0  }
0x15a: {  	v4 =	vld.idx.msk [tilespmem:v36+s13+$0x0], $0xffff  }
0x15b: {  	v41 =	vld [tilespmem:$0xE250];
	v0 =	vadd.f32 v7, v0  }
0x15c: {  	v2 =	vld.idx.msk [tilespmem:v37+s13+$0x0], $0xffff  }
0x15d: {  	v42 =	vld [tilespmem:$0xE2D0];
	v0 =	vadd.f32 v3, v0  }
0x15e: {  	v1 =	vld.idx.msk [tilespmem:v38+s13+$0x0], $0xffff  }
0x15f: {  	v44 =	vld [tilespmem:$0xE350];
	v0 =	vadd.f32 v4, v0  }
0x160: {  	v43 =	vld.idx.msk [tilespmem:v39+s13+$0x0], $0xffff  }
0x161: {  	v45 =	vld [tilespmem:$0xE3D0];
	v0 =	vadd.f32 v2, v0  }
0x162: {  	v6 =	vld.idx.msk [tilespmem:v40+s13+$0x0], $0xffff  }
0x163: {  	v46 =	vld [tilespmem:$0xE450];
	v0 =	vadd.f32 v1, v0  }
0x164: {  	v7 =	vld.idx.msk [tilespmem:v41+s13+$0x0], $0xffff  }
0x165: {  	v47 =	vld [tilespmem:$0xE4D0];
	v0 =	vadd.f32 v43, v0  }
0x166: {  	v3 =	vld.idx.msk [tilespmem:v42+s13+$0x0], $0xffff  }
0x167: {  	v48 =	vld [tilespmem:$0xE550];
	v0 =	vadd.f32 v6, v0  }
0x168: {  	v5 =	vld.idx.msk [tilespmem:v44+s13+$0x0], $0xffff  }
0x169: {  	v49 =	vld [tilespmem:$0xE5D0];
	v0 =	vadd.f32 v7, v0  }
0x16a: {  	v2 =	vld.idx.msk [tilespmem:v45+s13+$0x0], $0xffff  }
0x16b: {  	v50 =	vld [tilespmem:$0xE650];
	v0 =	vadd.f32 v3, v0  }
0x16c: {  	v1 =	vld.idx.msk [tilespmem:v46+s13+$0x0], $0xffff  }
0x16d: {  	v51 =	vld [tilespmem:$0xE6D0];
	v0 =	vadd.f32 v5, v0  }
0x16e: {  	v4 =	vld.idx.msk [tilespmem:v47+s13+$0x0], $0xffff  }
0x16f: {  	v53 =	vld [tilespmem:$0xE750];
	v0 =	vadd.f32 v2, v0  }
0x170: {  	v52 =	vld.idx.msk [tilespmem:v48+s13+$0x0], $0xffff  }
0x171: {  	v54 =	vld [tilespmem:$0xE7D0];
	v0 =	vadd.f32 v1, v0  }
0x172: {  	v7 =	vld.idx.msk [tilespmem:v49+s13+$0x0], $0xffff  }
0x173: {  	v0 =	vadd.f32 v4, v0  }
0x174: {  	v3 =	vld.idx.msk [tilespmem:v50+s13+$0x0], $0xffff  }
0x175: {  	v0 =	vadd.f32 v52, v0  }
0x176: {  	v55 =	vld.idx.msk [tilespmem:v51+s13+$0x0], $0xffff  }
0x177: {  	v0 =	vadd.f32 v7, v0  }
0x178: {  	v56 =	vld.idx.msk [tilespmem:v53+s13+$0x0], $0xffff  }
0x179: {  	v57 =	vld [tilespmem:$0xDB60];
	v0 =	vadd.f32 v3, v0  }
0x17a: {  	v1 =	vld.idx.msk [tilespmem:v54+s13+$0x0], $0xffff  }
0x17b: {  	v0 =	vadd.f32 v55, v0  }
0x17c: {  	v58 =	vld [tilespmem:$0xDBE0]  }
0x17d: {  	v0 =	vadd.f32 v56, v0  }
0x17e: {  	v59 =	vld [tilespmem:$0xDC60]  }
0x17f: {  	v0 =	vadd.f32 v1, v0  }
0x180: {  	v60 =	vld [tilespmem:$0xDCE0]  }
0x181: {  	v61 =	vld [tilespmem:$0xDD60];
	[tilespmem:$0xEB50] =	vst v0  }
0x182: {  	v3 =	vld.idx.msk [tilespmem:v57+s13+$0x0], $0xffff  }
0x183: {  	v62 =	vld [tilespmem:$0xDDE0]  }
0x184: {  	v2 =	vld.idx.msk [tilespmem:v58+s13+$0x0], $0xffff  }
0x185: {  	v63 =	vld [tilespmem:$0xDE60]  }
0x186: {  	v4 =	vld.idx.msk [tilespmem:v59+s13+$0x0], $0xffff  }
0x187: {  	v9 =	vld [tilespmem:$0xDEE0];
	v3 =	vadd.f32 $0.0e+00, v3  }
0x188: {  	v1 =	vld.idx.msk [tilespmem:v60+s13+$0x0], $0xffff  }
0x189: {  	v10 =	vld [tilespmem:$0xDF60];
	v2 =	vadd.f32 v2, v3  }
0x18a: {  	v0 =	vld.idx.msk [tilespmem:v61+s13+$0x0], $0xffff  }
0x18b: {  	v11 =	vld [tilespmem:$0xDFE0];
	v2 =	vadd.f32 v4, v2  }
0x18c: {  	v5 =	vld.idx.msk [tilespmem:v62+s13+$0x0], $0xffff  }
0x18d: {  	v12 =	vld [tilespmem:$0xE060];
	v1 =	vadd.f32 v1, v2  }
0x18e: {  	v6 =	vld.idx.msk [tilespmem:v63+s13+$0x0], $0xffff  }
0x18f: {  	v13 =	vld [tilespmem:$0xE0E0];
	v0 =	vadd.f32 v0, v1  }
0x190: {  	v7 =	vld.idx.msk [tilespmem:v9+s13+$0x0], $0xffff  }
0x191: {  	v14 =	vld [tilespmem:$0xE160];
	v0 =	vadd.f32 v5, v0  }
0x192: {  	v3 =	vld.idx.msk [tilespmem:v10+s13+$0x0], $0xffff  }
0x193: {  	v15 =	vld [tilespmem:$0xE1E0];
	v0 =	vadd.f32 v6, v0  }
0x194: {  	v4 =	vld.idx.msk [tilespmem:v11+s13+$0x0], $0xffff  }
0x195: {  	v16 =	vld [tilespmem:$0xE260];
	v0 =	vadd.f32 v7, v0  }
0x196: {  	v2 =	vld.idx.msk [tilespmem:v12+s13+$0x0], $0xffff  }
0x197: {  	v17 =	vld [tilespmem:$0xE2E0];
	v0 =	vadd.f32 v3, v0  }
0x198: {  	v1 =	vld.idx.msk [tilespmem:v13+s13+$0x0], $0xffff  }
0x199: {  	v19 =	vld [tilespmem:$0xE360];
	v0 =	vadd.f32 v4, v0  }
0x19a: {  	v18 =	vld.idx.msk [tilespmem:v14+s13+$0x0], $0xffff  }
0x19b: {  	v20 =	vld [tilespmem:$0xE3E0];
	v0 =	vadd.f32 v2, v0  }
0x19c: {  	v6 =	vld.idx.msk [tilespmem:v15+s13+$0x0], $0xffff  }
0x19d: {  	v21 =	vld [tilespmem:$0xE460];
	v0 =	vadd.f32 v1, v0  }
0x19e: {  	v7 =	vld.idx.msk [tilespmem:v16+s13+$0x0], $0xffff  }
0x19f: {  	v22 =	vld [tilespmem:$0xE4E0];
	v0 =	vadd.f32 v18, v0  }
0x1a0: {  	v3 =	vld.idx.msk [tilespmem:v17+s13+$0x0], $0xffff  }
0x1a1: {  	v23 =	vld [tilespmem:$0xE560];
	v0 =	vadd.f32 v6, v0  }
0x1a2: {  	v5 =	vld.idx.msk [tilespmem:v19+s13+$0x0], $0xffff  }
0x1a3: {  	v24 =	vld [tilespmem:$0xE5E0];
	v0 =	vadd.f32 v7, v0  }
0x1a4: {  	v2 =	vld.idx.msk [tilespmem:v20+s13+$0x0], $0xffff  }
0x1a5: {  	v25 =	vld [tilespmem:$0xE660];
	v0 =	vadd.f32 v3, v0  }
0x1a6: {  	v1 =	vld.idx.msk [tilespmem:v21+s13+$0x0], $0xffff  }
0x1a7: {  	v26 =	vld [tilespmem:$0xE6E0];
	v0 =	vadd.f32 v5, v0  }
0x1a8: {  	v4 =	vld.idx.msk [tilespmem:v22+s13+$0x0], $0xffff  }
0x1a9: {  	v28 =	vld [tilespmem:$0xE760];
	v0 =	vadd.f32 v2, v0  }
0x1aa: {  	v27 =	vld.idx.msk [tilespmem:v23+s13+$0x0], $0xffff  }
0x1ab: {  	v29 =	vld [tilespmem:$0xE7E0];
	v0 =	vadd.f32 v1, v0  }
0x1ac: {  	v7 =	vld.idx.msk [tilespmem:v24+s13+$0x0], $0xffff  }
0x1ad: {  	v0 =	vadd.f32 v4, v0  }
0x1ae: {  	v3 =	vld.idx.msk [tilespmem:v25+s13+$0x0], $0xffff  }
0x1af: {  	v0 =	vadd.f32 v27, v0  }
0x1b0: {  	v30 =	vld.idx.msk [tilespmem:v26+s13+$0x0], $0xffff  }
0x1b1: {  	v0 =	vadd.f32 v7, v0  }
0x1b2: {  	v31 =	vld.idx.msk [tilespmem:v28+s13+$0x0], $0xffff  }
0x1b3: {  	v32 =	vld [tilespmem:$0xDB70];
	v0 =	vadd.f32 v3, v0  }
0x1b4: {  	v1 =	vld.idx.msk [tilespmem:v29+s13+$0x0], $0xffff  }
0x1b5: {  	v0 =	vadd.f32 v30, v0  }
0x1b6: {  	v33 =	vld [tilespmem:$0xDBF0]  }
0x1b7: {  	v0 =	vadd.f32 v31, v0  }
0x1b8: {  	v34 =	vld [tilespmem:$0xDC70]  }
0x1b9: {  	v0 =	vadd.f32 v1, v0  }
0x1ba: {  	v35 =	vld [tilespmem:$0xDCF0]  }
0x1bb: {  	v36 =	vld [tilespmem:$0xDD70];
	[tilespmem:$0xEB60] =	vst v0  }
0x1bc: {  	v3 =	vld.idx.msk [tilespmem:v32+s13+$0x0], $0xffff  }
0x1bd: {  	v37 =	vld [tilespmem:$0xDDF0]  }
0x1be: {  	v2 =	vld.idx.msk [tilespmem:v33+s13+$0x0], $0xffff  }
0x1bf: {  	v38 =	vld [tilespmem:$0xDE70]  }
0x1c0: {  	v4 =	vld.idx.msk [tilespmem:v34+s13+$0x0], $0xffff  }
0x1c1: {  	v39 =	vld [tilespmem:$0xDEF0];
	v3 =	vadd.f32 $0.0e+00, v3  }
0x1c2: {  	v1 =	vld.idx.msk [tilespmem:v35+s13+$0x0], $0xffff  }
0x1c3: {  	v40 =	vld [tilespmem:$0xDF70];
	v2 =	vadd.f32 v2, v3  }
0x1c4: {  	v0 =	vld.idx.msk [tilespmem:v36+s13+$0x0], $0xffff  }
0x1c5: {  	v42 =	vld [tilespmem:$0xDFF0];
	v2 =	vadd.f32 v4, v2  }
0x1c6: {  	v41 =	vld.idx.msk [tilespmem:v37+s13+$0x0], $0xffff  }
0x1c7: {  	v43 =	vld [tilespmem:$0xE070];
	v1 =	vadd.f32 v1, v2  }
0x1c8: {  	v6 =	vld.idx.msk [tilespmem:v38+s13+$0x0], $0xffff  }
0x1c9: {  	v44 =	vld [tilespmem:$0xE0F0];
	v0 =	vadd.f32 v0, v1  }
0x1ca: {  	v7 =	vld.idx.msk [tilespmem:v39+s13+$0x0], $0xffff  }
0x1cb: {  	v45 =	vld [tilespmem:$0xE170];
	v0 =	vadd.f32 v41, v0  }
0x1cc: {  	v3 =	vld.idx.msk [tilespmem:v40+s13+$0x0], $0xffff  }
0x1cd: {  	v46 =	vld [tilespmem:$0xE1F0];
	v0 =	vadd.f32 v6, v0  }
0x1ce: {  	v5 =	vld.idx.msk [tilespmem:v42+s13+$0x0], $0xffff  }
0x1cf: {  	v47 =	vld [tilespmem:$0xE270];
	v0 =	vadd.f32 v7, v0  }
0x1d0: {  	v2 =	vld.idx.msk [tilespmem:v43+s13+$0x0], $0xffff  }
0x1d1: {  	v48 =	vld [tilespmem:$0xE2F0];
	v0 =	vadd.f32 v3, v0  }
0x1d2: {  	v1 =	vld.idx.msk [tilespmem:v44+s13+$0x0], $0xffff  }
0x1d3: {  	v49 =	vld [tilespmem:$0xE370];
	v0 =	vadd.f32 v5, v0  }
0x1d4: {  	v4 =	vld.idx.msk [tilespmem:v45+s13+$0x0], $0xffff  }
0x1d5: {  	v51 =	vld [tilespmem:$0xE3F0];
	v0 =	vadd.f32 v2, v0  }
0x1d6: {  	v50 =	vld.idx.msk [tilespmem:v46+s13+$0x0], $0xffff  }
0x1d7: {  	v52 =	vld [tilespmem:$0xE470];
	v0 =	vadd.f32 v1, v0  }
0x1d8: {  	v7 =	vld.idx.msk [tilespmem:v47+s13+$0x0], $0xffff  }
0x1d9: {  	v53 =	vld [tilespmem:$0xE4F0];
	v0 =	vadd.f32 v4, v0  }
0x1da: {  	v3 =	vld.idx.msk [tilespmem:v48+s13+$0x0], $0xffff  }
0x1db: {  	v54 =	vld [tilespmem:$0xE570];
	v0 =	vadd.f32 v50, v0  }
0x1dc: {  	v5 =	vld.idx.msk [tilespmem:v49+s13+$0x0], $0xffff  }
0x1dd: {  	v55 =	vld [tilespmem:$0xE5F0];
	v0 =	vadd.f32 v7, v0  }
0x1de: {  	v6 =	vld.idx.msk [tilespmem:v51+s13+$0x0], $0xffff  }
0x1df: {  	v56 =	vld [tilespmem:$0xE670];
	v0 =	vadd.f32 v3, v0  }
0x1e0: {  	v1 =	vld.idx.msk [tilespmem:v52+s13+$0x0], $0xffff  }
0x1e1: {  	v57 =	vld [tilespmem:$0xE6F0];
	v0 =	vadd.f32 v5, v0  }
0x1e2: {  	v4 =	vld.idx.msk [tilespmem:v53+s13+$0x0], $0xffff  }
0x1e3: {  	v58 =	vld [tilespmem:$0xE770];
	v0 =	vadd.f32 v6, v0  }
0x1e4: {  	v2 =	vld.idx.msk [tilespmem:v54+s13+$0x0], $0xffff  }
0x1e5: {  	v60 =	vld [tilespmem:$0xE7F0];
	v0 =	vadd.f32 v1, v0  }
0x1e6: {  	v59 =	vld.idx.msk [tilespmem:v55+s13+$0x0], $0xffff  }
0x1e7: {  	v0 =	vadd.f32 v4, v0  }
0x1e8: {  	v3 =	vld.idx.msk [tilespmem:v56+s13+$0x0], $0xffff  }
0x1e9: {  	v0 =	vadd.f32 v2, v0  }
0x1ea: {  	v61 =	vld.idx.msk [tilespmem:v57+s13+$0x0], $0xffff  }
0x1eb: {  	v0 =	vadd.f32 v59, v0  }
0x1ec: {  	v62 =	vld.idx.msk [tilespmem:v58+s13+$0x0], $0xffff  }
0x1ed: {  	v0 =	vadd.f32 v3, v0  }
0x1ee: {  	v63 =	vld.idx.msk [tilespmem:v60+s13+$0x0], $0xffff  }
0x1ef: {  	v0 =	vadd.f32 v61, v0;
	_ =	sdelay $0x1  }
0x1f0: {  	v0 =	vadd.f32 v62, v0;
	_ =	sdelay $0x1  }
0x1f1: {  	v0 =	vadd.f32 v63, v0;
	_ =	sdelay $0x1  }
0x1f2: {  	[tilespmem:$0xEB70] =	vst v0  }
0x1f3: {  	[hbm4b:s7+s2] =	stream.linear.scatter [tilespmem:s20], [sflag:$0x3], $0x80, $0x38;
	[tilespmem:$0xEB80] =	vst v63  }
0x1f4: {  	_ =	swait.ge [sflag:s12], $0x80  }
0x1f5: {  	[sflag:s12] =	ssyncset.done $0x0  }
0x1f6: {  	[sflag:s12] =	ssyncadd.s32 $0xFFFFFF80  }
0x1f7: {  	_ =	swait.ge [sflag:s21], $0x3400  }
0x1f8: {  	[sflag:s21] =	ssyncset.done $0x0  }
0x1f9: {  	[sflag:s21] =	ssyncadd.s32 $0xFFFFCC00  }
0x1fa: {  	[tilespmem:s23], [sflag:$0x2] =	stream.indirect.gather [hbm4b:s3+s22], $0x80, s22, s22, $0xb8;
	[tilespmem:$0xEB80] =	vst v63  }
0x1fb: {  	s28 =	sadd.s32 $0x0, s11  }
0x1fc: {  	[hbm4b:s28+s2] =	stream.linear.scatter [tilespmem:s19], [sflag:$0x3], $0x3400, $0x38;
	[tilespmem:$0xEB80] =	vst v63  }
0x1fd: {  	_ =	swait.ge [sflag:s12], $0x3400  }
0x1fe: {  	[sflag:s12] =	ssyncset.done $0x0  }
0x1ff: {  	[sflag:s12] =	ssyncadd.s32 $0xFFFFCC00  }
0x200: {  	_ =	swait.ge [sflag:s24], $0x3400  }
0x201: {  	[sflag:s24] =	ssyncset.done $0x0  }
0x202: {  	s29 =	simm.s32 $0xD0;
	[sflag:s24] =	ssyncadd.s32 $0xFFFFCC00  }
0x203: {  	[tilespmem:s19], [sflag:$0x1] =	stream.indirect.gather [hbm4b:s3+s22], $0x80, s29, s22, $0xb8;
	[tilespmem:$0xEB80] =	vst v63  }
0x204: {  	s28 =	sadd.s32 $0x680, s28  }
0x205: {  	[hbm4b:s28+s2] =	stream.linear.scatter [tilespmem:s23], [sflag:$0x3], $0x3400, $0x38;
	[tilespmem:$0xEB80] =	vst v63  }
0x206: {  	_ =	swait.ge [sflag:s12], $0x3400  }
0x207: {  	s29 =	simm.s32 $0x68;
	s28 =	simm.s32 $0xD00;
	[sflag:s12] =	ssyncset.done $0x0  }
.LBB2_2:
0x208: {  	p0 =	sne.s32 s28, $0xB600;
	[sflag:s12] =	ssyncadd.s32 $0xFFFFCC00;
	s29 =	sadd.s32 $0xD0, s29  }
0x209: {  	s30 =	smov.u32 s28;
	s28 =	sadd.s32 $0xD00, s28  }
0x20a: {  	_ =	swait.ge [sflag:s21], $0x3400  }
0x20b: {  	[sflag:s21] =	ssyncset.done $0x0  }
0x20c: {  	[sflag:s21] =	ssyncadd.s32 $0xFFFFCC00  }
0x20d: {  	[tilespmem:s23], [sflag:$0x2] =	stream.indirect.gather [hbm4b:s3+s22], $0x80, s29, s22, $0xb8;
	[tilespmem:$0xEB80] =	vst v63  }
0x20e: {  	s30 =	sadd.s32 s30, s11  }
0x20f: {  	[hbm4b:s30+s2] =	stream.linear.scatter [tilespmem:s19], [sflag:$0x3], $0x3400, $0x38;
	[tilespmem:$0xEB80] =	vst v63  }
0x210: {  	_ =	swait.ge [sflag:s12], $0x3400  }
0x211: {  	[sflag:s12] =	ssyncset.done $0x0  }
0x212: {  	[sflag:s12] =	ssyncadd.s32 $0xFFFFCC00  }
0x213: {  	_ =	swait.ge [sflag:s24], $0x3400  }
0x214: {  	[sflag:s24] =	ssyncset.done $0x0  }
0x215: {  	s31 =	sadd.s32 $0x68, s29;
	[sflag:s24] =	ssyncadd.s32 $0xFFFFCC00  }
0x216: {  	[tilespmem:s19], [sflag:$0x1] =	stream.indirect.gather [hbm4b:s3+s22], $0x80, s31, s22, $0xb8;
	[tilespmem:$0xEB80] =	vst v63  }
.Ltmp0:
0x217: {  	_ = 	snop;
	(pc) =	sbr.rel @p0 .LBB2_2-.Ltmp0, $4  }
0x218: {  	s30 =	sadd.s32 $0x680, s30  }
0x219: {  	[hbm4b:s30+s2] =	stream.linear.scatter [tilespmem:s23], [sflag:$0x3], $0x3400, $0x38;
	[tilespmem:$0xEB80] =	vst v63  }
0x21a: {  	_ =	swait.ge [sflag:s12], $0x3400  }
0x21b: {  	[sflag:s12] =	ssyncset.done $0x0  }
0x21c: {  	[sflag:s12] =	ssyncadd.s32 $0xFFFFCC00  }
0x21d: {  	_ =	swait.ge [sflag:s21], $0x3400  }
0x21e: {  	[sflag:s21] =	ssyncset.done $0x0  }
0x21f: {  	[sflag:s21] =	ssyncadd.s32 $0xFFFFCC00  }
0x220: {  	[tilespmem:s23], [sflag:$0x2] =	stream.indirect.gather [hbm4b:s3+s22], $0x80, s25, s22, $0xb8;
	[tilespmem:$0xEB80] =	vst v63  }
0x221: {  	_ = 	snop  }
0x222: {  	[hbm4b:s9+s2] =	stream.linear.scatter [tilespmem:s19], [sflag:$0x3], $0x3400, $0x38;
	[tilespmem:$0xEB80] =	vst v63  }
0x223: {  	_ =	swait.ge [sflag:s12], $0x3400  }
0x224: {  	[sflag:s12] =	ssyncset.done $0x0  }
0x225: {  	[sflag:s12] =	ssyncadd.s32 $0xFFFFCC00  }
0x226: {  	_ =	swait.ge [sflag:s24], $0x3400  }
0x227: {  	[sflag:s24] =	ssyncset.done $0x0  }
0x228: {  	[sflag:s24] =	ssyncadd.s32 $0xFFFFCC00  }
0x229: {  	[tilespmem:s19], [sflag:$0x1] =	stream.indirect.gather [hbm4b:s3+s22], $0x80, s25, s22, $0xb8;
	[tilespmem:$0xEB80] =	vst v63  }
0x22a: {  	s26 =	sadd.s32 $0x1, s26  }
0x22b: {  	[hbm4b:s10+s2] =	stream.linear.scatter [tilespmem:s23], [sflag:$0x3], $0x3400, $0x38;
	[tilespmem:$0xEB80] =	vst v63  }
0x22c: {  	p0 =	sne.s32 s26, s8;
	_ =	swait.ge [sflag:s12], $0x3400  }
.Ltmp1:
0x22d: {  	[sflag:s12] =	ssyncset.done $0x0;
	(pc) =	sbr.rel @p0 .LBB2_1-.Ltmp1, $4  }
0x22e: {  	[sflag:s12] =	ssyncadd.s32 $0xFFFFCC00  }
0x22f: {  	_ =	swait.ge [sflag:s21], $0x3400  }
0x230: {  	[sflag:s21] =	ssyncset.done $0x0  }
0x231: {  	[sflag:s21] =	ssyncadd.s32 $0xFFFFCC00  }
0x232: {  	_ =	sfence.sel $0x180000  }
0x233: {  	[bflag:$0x0] =	sbarrier.arrive $0xFFFF  }
0x234: {  	p0 =	sne.s32 s0, $0x0;
	_ =	strace $0x90000047  }
0x235: {  	s0 =	sadd.s32 @!p0 $0x100000, s1;
	[bflag:$0x2] =	sbarrier.arrive $0xFFFF  }
0x236: {  	[sflag:s0] =	ssyncadd.tile.s32 @!p0 $0x1;
	_ =	shalt  }
.Lfunc_end2:
_tile_overlayer_lowered:
.L_overlay_start_2:
0x237: {  	(tag) =	ssettag $0x2  }
0x238: {  	s0 =	rddreg [dreg:$0x0];
	s2 =	stileid.u32  }
0x239: {  	s1 =	rddreg [dreg:$0x1];
	p0 =	sne.s32 s2, $0x0  }
0x23a: {  	s3 =	rddreg [dreg:$0x2];
	[bflag:$0x3] =	sbarrier.arrive $0xFFFF;
	s2 =	simm.s32 @!p0 $0x1C03  }
0x23b: {  	[timem:s3], [sflag:s2] =	dma.local @!p0 [hbm:s0], s1  }
0x23c: {  	s0 =	simm.s32 @!p0 $0x3  }
0x23d: {  	_ =	swait.ge @!p0 [sflag:s0], s1  }
0x23e: {  	s1 =	ssub.s32 @!p0 $0x0, s1;
	[sflag:s0] =	ssyncset.done @!p0 $0x0  }
0x23f: {  	[sflag:s0] =	ssyncadd.s32 @!p0 s1  }
0x240: {  	[bflag:$0x3] =	sbarrier.arrive $0xFFFF  }
0x241: {  	_ =	shalt  }

</sc_bundles>
